<compile_context>
chip_gen: v7x
topology: tpu7x:2x2x1
jax: 0.10.2.dev20260603
libtpu: 0.0.44.dev20260713+nightly
codegen_flags: <defaults>
</compile_context>

<pallas_src>
import functools
import math

import jax
import jax.numpy as jnp
from jax import lax
from jax.experimental import pallas as pl
from jax.experimental.pallas import tpu as pltpu, tpu_sc as plsc

VOCAB_ROWS = 54
EMB_DIM = 512
SCALE = math.sqrt(float(EMB_DIM))

NC = 2
NS = 16
NW = NC * NS
LANES = 16

B_TOTAL = 1024 * 200
B_PER_W = B_TOTAL // NW
GSZ = LANES
NSEM = 4
GROUPS_PER_W = B_PER_W // GSZ
ITERS = GROUPS_PER_W // NSEM

_mesh = plsc.VectorSubcoreMesh(core_axis_name="c", subcore_axis_name="s")


@functools.partial(
    pl.kernel,
    mesh=_mesh,
    out_type=jax.ShapeDtypeStruct((B_TOTAL, EMB_DIM), jnp.float32),
    scratch_types=(
        [pltpu.VMEM((B_PER_W,), jnp.int32),
         pltpu.VMEM((VOCAB_ROWS, EMB_DIM), jnp.float32)]
        + [pltpu.SemaphoreType.DMA for _ in range(NSEM)]
    ),
)
def _gather(w_hbm, x_hbm, out_hbm, idx_v, table_v, *sems):
    wid = lax.axis_index("s") * NC + lax.axis_index("c")
    base = wid * B_PER_W
    pltpu.sync_copy(w_hbm, table_v)
    pltpu.sync_copy(x_hbm.at[pl.ds(base, B_PER_W)], idx_v)

    def scale_row(row, carry):
        for j in range(EMB_DIM // LANES):
            table_v[row, pl.ds(j * LANES, LANES)] = (
                table_v[row, pl.ds(j * LANES, LANES)] * SCALE
            )
        return carry

    lax.fori_loop(0, VOCAB_ROWS, scale_row, 0)

    def drain(k):
        pltpu.make_async_copy(
            table_v.at[pl.ds(0, GSZ)], out_hbm.at[pl.ds(base, GSZ)], sems[k]
        ).wait()

    def body(i, carry):
        for k in range(NSEM):
            g = i * NSEM + k

            @pl.when(i > 0)
            def _drain(k=k):
                drain(k)

            idx16 = idx_v[pl.ds(g * GSZ, GSZ)]
            row0 = base + g * GSZ
            for r in range(GSZ):
                rid = idx16[r]
                pltpu.make_async_copy(
                    table_v.at[rid], out_hbm.at[row0 + r], sems[k]
                ).start()
        return carry

    lax.fori_loop(0, ITERS, body, 0)
    for k in range(NSEM):
        drain(k)


def kernel(x, W):
    out = _gather(W, x.reshape(-1).astype(jnp.int32))
    return out.reshape(x.shape[0], x.shape[1], EMB_DIM)

# --- scband reference (transcript-rebuilt; emitter-appended) ---
"""Pipeline reference for scband-jamo-embedding-5214090297788 (READ-ONLY COPY).

The authoritative reference and input builder live on the scoring server;
editing this copy changes nothing except your own understanding.
"""

import math
import jax, jax.numpy as jnp
import numpy as np

VOCAB = 54
DIM = 512
PAD = 53

def setup_inputs(seed: int = 0) -> dict:
    key = jax.random.key(seed)
    k1, k2 = jax.random.split(key)
    x = jax.random.randint(k1, (1024, 200), 0, VOCAB)
    W = jax.random.normal(k2, (VOCAB, DIM), dtype=jnp.float32)
    # nn.Embedding with padding_idx zeroes that row at init
    W = W.at[PAD].set(0.0)
    return {"x": x, "W": W}

def reference(x, W):
    # embedding lookup (gather) scaled by sqrt(embedding_dim)
    emb = jnp.take(W, x, axis=0)
    return emb * math.sqrt(DIM)

if __name__ == "__main__":
    import jax
    _d = setup_inputs()
    print(jax.jit(kernel)(*tuple(_d.values())))

</pallas_src>

<mosaic_0001>
#map = affine_map<(d0, d1) -> (0, 0)>
#map1 = affine_map<(d0, d1) -> (0)>
module attributes {stable_mosaic.version = 14 : i64} {
  func.func @_gather(%arg0: i32, %arg1: i32, %arg2: memref<54x512xf32, #tpu.memory_space<hbm>>, %arg3: memref<204800xi32, #tpu.memory_space<hbm>>, %arg4: memref<204800x512xf32, #tpu.memory_space<hbm>>, %arg5: memref<6400xi32, #tpu.memory_space<vmem>>, %arg6: memref<54x512xf32, #tpu.memory_space<vmem>>, %arg7: memref<!tpu.dma_semaphore, #tpu.memory_space<semaphore_mem>>, %arg8: memref<!tpu.dma_semaphore, #tpu.memory_space<semaphore_mem>>, %arg9: memref<!tpu.dma_semaphore, #tpu.memory_space<semaphore_mem>>, %arg10: memref<!tpu.dma_semaphore, #tpu.memory_space<semaphore_mem>>) attributes {dimension_semantics = [#tpu.dimension_semantics<core_parallel>, #tpu.dimension_semantics<subcore_parallel>], iteration_bounds = array<i64: 2, 16>, scalar_prefetch = 0 : i64, scratch_operands = 6 : i64, tpu.core_type = #tpu.core_type<sc_vector_subcore>, window_params = [{transform_indices = #map}, {transform_indices = #map1}, {transform_indices = #map}]} {
    %mul3A = arith.constant 2 : i32
    %mul3A_0 = arith.muli %arg1, %mul3A : i32
    %add3A = arith.addi %mul3A_0, %arg0 : i32
    %mul3A_1 = arith.constant 6400 : i32
    %mul3A_2 = arith.muli %add3A, %mul3A_1 : i32
    "tpu.region"() ({
      %run_scoped3A = tpu.sem_alloc : memref<!tpu.dma_semaphore, #tpu.memory_space<semaphore_mem>>
      tpu.enqueue_dma source(%arg2 : memref<54x512xf32, #tpu.memory_space<hbm>>) target(%arg6 : memref<54x512xf32, #tpu.memory_space<vmem>>) target_semaphore(%run_scoped3A : memref<!tpu.dma_semaphore, #tpu.memory_space<semaphore_mem>>)
      tpu.wait_dma2 semaphore(%run_scoped3A : memref<!tpu.dma_semaphore, #tpu.memory_space<semaphore_mem>>) src(%arg2 : memref<54x512xf32, #tpu.memory_space<hbm>>) dst(%arg6 : memref<54x512xf32, #tpu.memory_space<vmem>>)
      tpu.yield
    }) : () -> ()
    "tpu.region"() ({
      %run_scoped3A = tpu.sem_alloc : memref<!tpu.dma_semaphore, #tpu.memory_space<semaphore_mem>>
      %dma_start3A = tpu.memref_slice %arg3[%mul3A_2] : memref<204800xi32, #tpu.memory_space<hbm>> -> memref<6400xi32, #tpu.memory_space<hbm>>
      %dma_start3A_53 = tpu.memref_slice %arg3[%mul3A_2] : memref<204800xi32, #tpu.memory_space<hbm>> -> memref<6400xi32, #tpu.memory_space<hbm>>
      tpu.enqueue_dma source(%dma_start3A_53 : memref<6400xi32, #tpu.memory_space<hbm>>) target(%arg5 : memref<6400xi32, #tpu.memory_space<vmem>>) target_semaphore(%run_scoped3A : memref<!tpu.dma_semaphore, #tpu.memory_space<semaphore_mem>>)
      %dma_wait3A_54 = tpu.memref_slice %arg3[%mul3A_2] : memref<204800xi32, #tpu.memory_space<hbm>> -> memref<6400xi32, #tpu.memory_space<hbm>>
      %dma_wait3A_55 = tpu.memref_slice %arg3[%mul3A_2] : memref<204800xi32, #tpu.memory_space<hbm>> -> memref<6400xi32, #tpu.memory_space<hbm>>
      tpu.wait_dma2 semaphore(%run_scoped3A : memref<!tpu.dma_semaphore, #tpu.memory_space<semaphore_mem>>) src(%dma_wait3A_55 : memref<6400xi32, #tpu.memory_space<hbm>>) dst(%arg5 : memref<6400xi32, #tpu.memory_space<vmem>>)
      tpu.yield
    }) : () -> ()
    %scan3A = arith.constant 0 : i32
    %scan3A_3 = arith.constant 0 : i32
    %scan3A_4 = arith.constant 54 : i32
    %scan3A_5 = arith.addi %scan3A_3, %scan3A_4 : i32
    %scan3A_6 = arith.constant 1 : i32
    scf.for %scan3A_53 = %scan3A_3 to %scan3A_5 step %scan3A_6  : i32 {
      %get3A = arith.index_cast %scan3A_53 : i32 to index
      %get3A_54 = arith.constant 0 : index
      %get3A_55 = tpu.vector_load %arg6[%get3A, %get3A_54] {strides = array<i32>} : memref<54x512xf32, #tpu.memory_space<vmem>>, vector<1x16xf32>,
      %get3A_56 = vector.shape_cast %get3A_55 : vector<1x16xf32> to vector<16xf32>
      %mul3A_57 = arith.constant 22.6274166 : f32
      %mul3A_58 = vector.broadcast %mul3A_57 : f32 to vector<16xf32>
      %mul3A_59 = arith.mulf %get3A_56, %mul3A_58 : vector<16xf32>
      %swap3A = arith.index_cast %scan3A_53 : i32 to index
      %swap3A_60 = arith.constant 0 : index
      %swap3A_61 = tpu.vector_load %arg6[%swap3A, %swap3A_60] {strides = array<i32>} : memref<54x512xf32, #tpu.memory_space<vmem>>, vector<1x16xf32>,
      %swap3A_62 = vector.shape_cast %swap3A_61 : vector<1x16xf32> to vector<16xf32>
      %swap3A_63 = vector.shape_cast %mul3A_59 : vector<16xf32> to vector<1x16xf32>
      tpu.vector_store %arg6[%swap3A, %swap3A_60], %swap3A_63 {strides = array<i32>} : memref<54x512xf32, #tpu.memory_space<vmem>>, vector<1x16xf32>,
      %get3A_64 = arith.index_cast %scan3A_53 : i32 to index
      %get3A_65 = arith.constant 16 : index
      %get3A_66 = tpu.vector_load %arg6[%get3A_64, %get3A_65] {strides = array<i32>} : memref<54x512xf32, #tpu.memory_space<vmem>>, vector<1x16xf32>,
      %get3A_67 = vector.shape_cast %get3A_66 : vector<1x16xf32> to vector<16xf32>
      %mul3A_68 = arith.constant 22.6274166 : f32
      %mul3A_69 = vector.broadcast %mul3A_68 : f32 to vector<16xf32>
      %mul3A_70 = arith.mulf %get3A_67, %mul3A_69 : vector<16xf32>
      %swap3A_71 = arith.index_cast %scan3A_53 : i32 to index
      %swap3A_72 = arith.constant 16 : index
      %swap3A_73 = tpu.vector_load %arg6[%swap3A_71, %swap3A_72] {strides = array<i32>} : memref<54x512xf32, #tpu.memory_space<vmem>>, vector<1x16xf32>,
      %swap3A_74 = vector.shape_cast %swap3A_73 : vector<1x16xf32> to vector<16xf32>
      %swap3A_75 = vector.shape_cast %mul3A_70 : vector<16xf32> to vector<1x16xf32>
      tpu.vector_store %arg6[%swap3A_71, %swap3A_72], %swap3A_75 {strides = array<i32>} : memref<54x512xf32, #tpu.memory_space<vmem>>, vector<1x16xf32>,
      %get3A_76 = arith.index_cast %scan3A_53 : i32 to index
      %get3A_77 = arith.constant 32 : index
      %get3A_78 = tpu.vector_load %arg6[%get3A_76, %get3A_77] {strides = array<i32>} : memref<54x512xf32, #tpu.memory_space<vmem>>, vector<1x16xf32>,
      %get3A_79 = vector.shape_cast %get3A_78 : vector<1x16xf32> to vector<16xf32>
      %mul3A_80 = arith.constant 22.6274166 : f32
      %mul3A_81 = vector.broadcast %mul3A_80 : f32 to vector<16xf32>
      %mul3A_82 = arith.mulf %get3A_79, %mul3A_81 : vector<16xf32>
      %swap3A_83 = arith.index_cast %scan3A_53 : i32 to index
      %swap3A_84 = arith.constant 32 : index
      %swap3A_85 = tpu.vector_load %arg6[%swap3A_83, %swap3A_84] {strides = array<i32>} : memref<54x512xf32, #tpu.memory_space<vmem>>, vector<1x16xf32>,
      %swap3A_86 = vector.shape_cast %swap3A_85 : vector<1x16xf32> to vector<16xf32>
      %swap3A_87 = vector.shape_cast %mul3A_82 : vector<16xf32> to vector<1x16xf32>
      tpu.vector_store %arg6[%swap3A_83, %swap3A_84], %swap3A_87 {strides = array<i32>} : memref<54x512xf32, #tpu.memory_space<vmem>>, vector<1x16xf32>,
      %get3A_88 = arith.index_cast %scan3A_53 : i32 to index
      %get3A_89 = arith.constant 48 : index
      %get3A_90 = tpu.vector_load %arg6[%get3A_88, %get3A_89] {strides = array<i32>} : memref<54x512xf32, #tpu.memory_space<vmem>>, vector<1x16xf32>,
      %get3A_91 = vector.shape_cast %get3A_90 : vector<1x16xf32> to vector<16xf32>
      %mul3A_92 = arith.constant 22.6274166 : f32
      %mul3A_93 = vector.broadcast %mul3A_92 : f32 to vector<16xf32>
      %mul3A_94 = arith.mulf %get3A_91, %mul3A_93 : vector<16xf32>
      %swap3A_95 = arith.index_cast %scan3A_53 : i32 to index
      %swap3A_96 = arith.constant 48 : index
      %swap3A_97 = tpu.vector_load %arg6[%swap3A_95, %swap3A_96] {strides = array<i32>} : memref<54x512xf32, #tpu.memory_space<vmem>>, vector<1x16xf32>,
      %swap3A_98 = vector.shape_cast %swap3A_97 : vector<1x16xf32> to vector<16xf32>
      %swap3A_99 = vector.shape_cast %mul3A_94 : vector<16xf32> to vector<1x16xf32>
      tpu.vector_store %arg6[%swap3A_95, %swap3A_96], %swap3A_99 {strides = array<i32>} : memref<54x512xf32, #tpu.memory_space<vmem>>, vector<1x16xf32>,
      %get3A_100 = arith.index_cast %scan3A_53 : i32 to index
      %get3A_101 = arith.constant 64 : index
      %get3A_102 = tpu.vector_load %arg6[%get3A_100, %get3A_101] {strides = array<i32>} : memref<54x512xf32, #tpu.memory_space<vmem>>, vector<1x16xf32>,
      %get3A_103 = vector.shape_cast %get3A_102 : vector<1x16xf32> to vector<16xf32>
      %mul3A_104 = arith.constant 22.6274166 : f32
      %mul3A_105 = vector.broadcast %mul3A_104 : f32 to vector<16xf32>
      %mul3A_106 = arith.mulf %get3A_103, %mul3A_105 : vector<16xf32>
      %swap3A_107 = arith.index_cast %scan3A_53 : i32 to index
      %swap3A_108 = arith.constant 64 : index
      %swap3A_109 = tpu.vector_load %arg6[%swap3A_107, %swap3A_108] {strides = array<i32>} : memref<54x512xf32, #tpu.memory_space<vmem>>, vector<1x16xf32>,
      %swap3A_110 = vector.shape_cast %swap3A_109 : vector<1x16xf32> to vector<16xf32>
      %swap3A_111 = vector.shape_cast %mul3A_106 : vector<16xf32> to vector<1x16xf32>
      tpu.vector_store %arg6[%swap3A_107, %swap3A_108], %swap3A_111 {strides = array<i32>} : memref<54x512xf32, #tpu.memory_space<vmem>>, vector<1x16xf32>,
      %get3A_112 = arith.index_cast %scan3A_53 : i32 to index
      %get3A_113 = arith.constant 80 : index
      %get3A_114 = tpu.vector_load %arg6[%get3A_112, %get3A_113] {strides = array<i32>} : memref<54x512xf32, #tpu.memory_space<vmem>>, vector<1x16xf32>,
      %get3A_115 = vector.shape_cast %get3A_114 : vector<1x16xf32> to vector<16xf32>
      %mul3A_116 = arith.constant 22.6274166 : f32
      %mul3A_117 = vector.broadcast %mul3A_116 : f32 to vector<16xf32>
      %mul3A_118 = arith.mulf %get3A_115, %mul3A_117 : vector<16xf32>
      %swap3A_119 = arith.index_cast %scan3A_53 : i32 to index
      %swap3A_120 = arith.constant 80 : index
      %swap3A_121 = tpu.vector_load %arg6[%swap3A_119, %swap3A_120] {strides = array<i32>} : memref<54x512xf32, #tpu.memory_space<vmem>>, vector<1x16xf32>,
      %swap3A_122 = vector.shape_cast %swap3A_121 : vector<1x16xf32> to vector<16xf32>
      %swap3A_123 = vector.shape_cast %mul3A_118 : vector<16xf32> to vector<1x16xf32>
      tpu.vector_store %arg6[%swap3A_119, %swap3A_120], %swap3A_123 {strides = array<i32>} : memref<54x512xf32, #tpu.memory_space<vmem>>, vector<1x16xf32>,
      %get3A_124 = arith.index_cast %scan3A_53 : i32 to index
      %get3A_125 = arith.constant 96 : index
      %get3A_126 = tpu.vector_load %arg6[%get3A_124, %get3A_125] {strides = array<i32>} : memref<54x512xf32, #tpu.memory_space<vmem>>, vector<1x16xf32>,
      %get3A_127 = vector.shape_cast %get3A_126 : vector<1x16xf32> to vector<16xf32>
      %mul3A_128 = arith.constant 22.6274166 : f32
      %mul3A_129 = vector.broadcast %mul3A_128 : f32 to vector<16xf32>
      %mul3A_130 = arith.mulf %get3A_127, %mul3A_129 : vector<16xf32>
      %swap3A_131 = arith.index_cast %scan3A_53 : i32 to index
      %swap3A_132 = arith.constant 96 : index
      %swap3A_133 = tpu.vector_load %arg6[%swap3A_131, %swap3A_132] {strides = array<i32>} : memref<54x512xf32, #tpu.memory_space<vmem>>, vector<1x16xf32>,
      %swap3A_134 = vector.shape_cast %swap3A_133 : vector<1x16xf32> to vector<16xf32>
      %swap3A_135 = vector.shape_cast %mul3A_130 : vector<16xf32> to vector<1x16xf32>
      tpu.vector_store %arg6[%swap3A_131, %swap3A_132], %swap3A_135 {strides = array<i32>} : memref<54x512xf32, #tpu.memory_space<vmem>>, vector<1x16xf32>,
      %get3A_136 = arith.index_cast %scan3A_53 : i32 to index
      %get3A_137 = arith.constant 112 : index
      %get3A_138 = tpu.vector_load %arg6[%get3A_136, %get3A_137] {strides = array<i32>} : memref<54x512xf32, #tpu.memory_space<vmem>>, vector<1x16xf32>,
      %get3A_139 = vector.shape_cast %get3A_138 : vector<1x16xf32> to vector<16xf32>
      %mul3A_140 = arith.constant 22.6274166 : f32
      %mul3A_141 = vector.broadcast %mul3A_140 : f32 to vector<16xf32>
      %mul3A_142 = arith.mulf %get3A_139, %mul3A_141 : vector<16xf32>
      %swap3A_143 = arith.index_cast %scan3A_53 : i32 to index
      %swap3A_144 = arith.constant 112 : index
      %swap3A_145 = tpu.vector_load %arg6[%swap3A_143, %swap3A_144] {strides = array<i32>} : memref<54x512xf32, #tpu.memory_space<vmem>>, vector<1x16xf32>,
      %swap3A_146 = vector.shape_cast %swap3A_145 : vector<1x16xf32> to vector<16xf32>
      %swap3A_147 = vector.shape_cast %mul3A_142 : vector<16xf32> to vector<1x16xf32>
      tpu.vector_store %arg6[%swap3A_143, %swap3A_144], %swap3A_147 {strides = array<i32>} : memref<54x512xf32, #tpu.memory_space<vmem>>, vector<1x16xf32>,
      %get3A_148 = arith.index_cast %scan3A_53 : i32 to index
      %get3A_149 = arith.constant 128 : index
      %get3A_150 = tpu.vector_load %arg6[%get3A_148, %get3A_149] {strides = array<i32>} : memref<54x512xf32, #tpu.memory_space<vmem>>, vector<1x16xf32>,
      %get3A_151 = vector.shape_cast %get3A_150 : vector<1x16xf32> to vector<16xf32>
      %mul3A_152 = arith.constant 22.6274166 : f32
      %mul3A_153 = vector.broadcast %mul3A_152 : f32 to vector<16xf32>
      %mul3A_154 = arith.mulf %get3A_151, %mul3A_153 : vector<16xf32>
      %swap3A_155 = arith.index_cast %scan3A_53 : i32 to index
      %swap3A_156 = arith.constant 128 : index
      %swap3A_157 = tpu.vector_load %arg6[%swap3A_155, %swap3A_156] {strides = array<i32>} : memref<54x512xf32, #tpu.memory_space<vmem>>, vector<1x16xf32>,
      %swap3A_158 = vector.shape_cast %swap3A_157 : vector<1x16xf32> to vector<16xf32>
      %swap3A_159 = vector.shape_cast %mul3A_154 : vector<16xf32> to vector<1x16xf32>
      tpu.vector_store %arg6[%swap3A_155, %swap3A_156], %swap3A_159 {strides = array<i32>} : memref<54x512xf32, #tpu.memory_space<vmem>>, vector<1x16xf32>,
      %get3A_160 = arith.index_cast %scan3A_53 : i32 to index
      %get3A_161 = arith.constant 144 : index
      %get3A_162 = tpu.vector_load %arg6[%get3A_160, %get3A_161] {strides = array<i32>} : memref<54x512xf32, #tpu.memory_space<vmem>>, vector<1x16xf32>,
      %get3A_163 = vector.shape_cast %get3A_162 : vector<1x16xf32> to vector<16xf32>
      %mul3A_164 = arith.constant 22.6274166 : f32
      %mul3A_165 = vector.broadcast %mul3A_164 : f32 to vector<16xf32>
      %mul3A_166 = arith.mulf %get3A_163, %mul3A_165 : vector<16xf32>
      %swap3A_167 = arith.index_cast %scan3A_53 : i32 to index
      %swap3A_168 = arith.constant 144 : index
      %swap3A_169 = tpu.vector_load %arg6[%swap3A_167, %swap3A_168] {strides = array<i32>} : memref<54x512xf32, #tpu.memory_space<vmem>>, vector<1x16xf32>,
      %swap3A_170 = vector.shape_cast %swap3A_169 : vector<1x16xf32> to vector<16xf32>
      %swap3A_171 = vector.shape_cast %mul3A_166 : vector<16xf32> to vector<1x16xf32>
      tpu.vector_store %arg6[%swap3A_167, %swap3A_168], %swap3A_171 {strides = array<i32>} : memref<54x512xf32, #tpu.memory_space<vmem>>, vector<1x16xf32>,
      %get3A_172 = arith.index_cast %scan3A_53 : i32 to index
      %get3A_173 = arith.constant 160 : index
      %get3A_174 = tpu.vector_load %arg6[%get3A_172, %get3A_173] {strides = array<i32>} : memref<54x512xf32, #tpu.memory_space<vmem>>, vector<1x16xf32>,
      %get3A_175 = vector.shape_cast %get3A_174 : vector<1x16xf32> to vector<16xf32>
      %mul3A_176 = arith.constant 22.6274166 : f32
      %mul3A_177 = vector.broadcast %mul3A_176 : f32 to vector<16xf32>
      %mul3A_178 = arith.mulf %get3A_175, %mul3A_177 : vector<16xf32>
      %swap3A_179 = arith.index_cast %scan3A_53 : i32 to index
      %swap3A_180 = arith.constant 160 : index
      %swap3A_181 = tpu.vector_load %arg6[%swap3A_179, %swap3A_180] {strides = array<i32>} : memref<54x512xf32, #tpu.memory_space<vmem>>, vector<1x16xf32>,
      %swap3A_182 = vector.shape_cast %swap3A_181 : vector<1x16xf32> to vector<16xf32>
      %swap3A_183 = vector.shape_cast %mul3A_178 : vector<16xf32> to vector<1x16xf32>
      tpu.vector_store %arg6[%swap3A_179, %swap3A_180], %swap3A_183 {strides = array<i32>} : memref<54x512xf32, #tpu.memory_space<vmem>>, vector<1x16xf32>,
      %get3A_184 = arith.index_cast %scan3A_53 : i32 to index
      %get3A_185 = arith.constant 176 : index
      %get3A_186 = tpu.vector_load %arg6[%get3A_184, %get3A_185] {strides = array<i32>} : memref<54x512xf32, #tpu.memory_space<vmem>>, vector<1x16xf32>,
      %get3A_187 = vector.shape_cast %get3A_186 : vector<1x16xf32> to vector<16xf32>
      %mul3A_188 = arith.constant 22.6274166 : f32
      %mul3A_189 = vector.broadcast %mul3A_188 : f32 to vector<16xf32>
      %mul3A_190 = arith.mulf %get3A_187, %mul3A_189 : vector<16xf32>
      %swap3A_191 = arith.index_cast %scan3A_53 : i32 to index
      %swap3A_192 = arith.constant 176 : index
      %swap3A_193 = tpu.vector_load %arg6[%swap3A_191, %swap3A_192] {strides = array<i32>} : memref<54x512xf32, #tpu.memory_space<vmem>>, vector<1x16xf32>,
      %swap3A_194 = vector.shape_cast %swap3A_193 : vector<1x16xf32> to vector<16xf32>
      %swap3A_195 = vector.shape_cast %mul3A_190 : vector<16xf32> to vector<1x16xf32>
      tpu.vector_store %arg6[%swap3A_191, %swap3A_192], %swap3A_195 {strides = array<i32>} : memref<54x512xf32, #tpu.memory_space<vmem>>, vector<1x16xf32>,
      %get3A_196 = arith.index_cast %scan3A_53 : i32 to index
      %get3A_197 = arith.constant 192 : index
      %get3A_198 = tpu.vector_load %arg6[%get3A_196, %get3A_197] {strides = array<i32>} : memref<54x512xf32, #tpu.memory_space<vmem>>, vector<1x16xf32>,
      %get3A_199 = vector.shape_cast %get3A_198 : vector<1x16xf32> to vector<16xf32>
      %mul3A_200 = arith.constant 22.6274166 : f32
      %mul3A_201 = vector.broadcast %mul3A_200 : f32 to vector<16xf32>
      %mul3A_202 = arith.mulf %get3A_199, %mul3A_201 : vector<16xf32>
      %swap3A_203 = arith.index_cast %scan3A_53 : i32 to index
      %swap3A_204 = arith.constant 192 : index
      %swap3A_205 = tpu.vector_load %arg6[%swap3A_203, %swap3A_204] {strides = array<i32>} : memref<54x512xf32, #tpu.memory_space<vmem>>, vector<1x16xf32>,
      %swap3A_206 = vector.shape_cast %swap3A_205 : vector<1x16xf32> to vector<16xf32>
      %swap3A_207 = vector.shape_cast %mul3A_202 : vector<16xf32> to vector<1x16xf32>
      tpu.vector_store %arg6[%swap3A_203, %swap3A_204], %swap3A_207 {strides = array<i32>} : memref<54x512xf32, #tpu.memory_space<vmem>>, vector<1x16xf32>,
      %get3A_208 = arith.index_cast %scan3A_53 : i32 to index
      %get3A_209 = arith.constant 208 : index
      %get3A_210 = tpu.vector_load %arg6[%get3A_208, %get3A_209] {strides = array<i32>} : memref<54x512xf32, #tpu.memory_space<vmem>>, vector<1x16xf32>,
      %get3A_211 = vector.shape_cast %get3A_210 : vector<1x16xf32> to vector<16xf32>
      %mul3A_212 = arith.constant 22.6274166 : f32
      %mul3A_213 = vector.broadcast %mul3A_212 : f32 to vector<16xf32>
      %mul3A_214 = arith.mulf %get3A_211, %mul3A_213 : vector<16xf32>
      %swap3A_215 = arith.index_cast %scan3A_53 : i32 to index
      %swap3A_216 = arith.constant 208 : index
      %swap3A_217 = tpu.vector_load %arg6[%swap3A_215, %swap3A_216] {strides = array<i32>} : memref<54x512xf32, #tpu.memory_space<vmem>>, vector<1x16xf32>,
      %swap3A_218 = vector.shape_cast %swap3A_217 : vector<1x16xf32> to vector<16xf32>
      %swap3A_219 = vector.shape_cast %mul3A_214 : vector<16xf32> to vector<1x16xf32>
      tpu.vector_store %arg6[%swap3A_215, %swap3A_216], %swap3A_219 {strides = array<i32>} : memref<54x512xf32, #tpu.memory_space<vmem>>, vector<1x16xf32>,
      %get3A_220 = arith.index_cast %scan3A_53 : i32 to index
      %get3A_221 = arith.constant 224 : index
      %get3A_222 = tpu.vector_load %arg6[%get3A_220, %get3A_221] {strides = array<i32>} : memref<54x512xf32, #tpu.memory_space<vmem>>, vector<1x16xf32>,
      %get3A_223 = vector.shape_cast %get3A_222 : vector<1x16xf32> to vector<16xf32>
      %mul3A_224 = arith.constant 22.6274166 : f32
      %mul3A_225 = vector.broadcast %mul3A_224 : f32 to vector<16xf32>
      %mul3A_226 = arith.mulf %get3A_223, %mul3A_225 : vector<16xf32>
      %swap3A_227 = arith.index_cast %scan3A_53 : i32 to index
      %swap3A_228 = arith.constant 224 : index
      %swap3A_229 = tpu.vector_load %arg6[%swap3A_227, %swap3A_228] {strides = array<i32>} : memref<54x512xf32, #tpu.memory_space<vmem>>, vector<1x16xf32>,
      %swap3A_230 = vector.shape_cast %swap3A_229 : vector<1x16xf32> to vector<16xf32>
      %swap3A_231 = vector.shape_cast %mul3A_226 : vector<16xf32> to vector<1x16xf32>
      tpu.vector_store %arg6[%swap3A_227, %swap3A_228], %swap3A_231 {strides = array<i32>} : memref<54x512xf32, #tpu.memory_space<vmem>>, vector<1x16xf32>,
      %get3A_232 = arith.index_cast %scan3A_53 : i32 to index
      %get3A_233 = arith.constant 240 : index
      %get3A_234 = tpu.vector_load %arg6[%get3A_232, %get3A_233] {strides = array<i32>} : memref<54x512xf32, #tpu.memory_space<vmem>>, vector<1x16xf32>,
      %get3A_235 = vector.shape_cast %get3A_234 : vector<1x16xf32> to vector<16xf32>
      %mul3A_236 = arith.constant 22.6274166 : f32
      %mul3A_237 = vector.broadcast %mul3A_236 : f32 to vector<16xf32>
      %mul3A_238 = arith.mulf %get3A_235, %mul3A_237 : vector<16xf32>
      %swap3A_239 = arith.index_cast %scan3A_53 : i32 to index
      %swap3A_240 = arith.constant 240 : index
      %swap3A_241 = tpu.vector_load %arg6[%swap3A_239, %swap3A_240] {strides = array<i32>} : memref<54x512xf32, #tpu.memory_space<vmem>>, vector<1x16xf32>,
      %swap3A_242 = vector.shape_cast %swap3A_241 : vector<1x16xf32> to vector<16xf32>
      %swap3A_243 = vector.shape_cast %mul3A_238 : vector<16xf32> to vector<1x16xf32>
      tpu.vector_store %arg6[%swap3A_239, %swap3A_240], %swap3A_243 {strides = array<i32>} : memref<54x512xf32, #tpu.memory_space<vmem>>, vector<1x16xf32>,
      %get3A_244 = arith.index_cast %scan3A_53 : i32 to index
      %get3A_245 = arith.constant 256 : index
      %get3A_246 = tpu.vector_load %arg6[%get3A_244, %get3A_245] {strides = array<i32>} : memref<54x512xf32, #tpu.memory_space<vmem>>, vector<1x16xf32>,
      %get3A_247 = vector.shape_cast %get3A_246 : vector<1x16xf32> to vector<16xf32>
      %mul3A_248 = arith.constant 22.6274166 : f32
      %mul3A_249 = vector.broadcast %mul3A_248 : f32 to vector<16xf32>
      %mul3A_250 = arith.mulf %get3A_247, %mul3A_249 : vector<16xf32>
      %swap3A_251 = arith.index_cast %scan3A_53 : i32 to index
      %swap3A_252 = arith.constant 256 : index
      %swap3A_253 = tpu.vector_load %arg6[%swap3A_251, %swap3A_252] {strides = array<i32>} : memref<54x512xf32, #tpu.memory_space<vmem>>, vector<1x16xf32>,
      %swap3A_254 = vector.shape_cast %swap3A_253 : vector<1x16xf32> to vector<16xf32>
      %swap3A_255 = vector.shape_cast %mul3A_250 : vector<16xf32> to vector<1x16xf32>
      tpu.vector_store %arg6[%swap3A_251, %swap3A_252], %swap3A_255 {strides = array<i32>} : memref<54x512xf32, #tpu.memory_space<vmem>>, vector<1x16xf32>,
      %get3A_256 = arith.index_cast %scan3A_53 : i32 to index
      %get3A_257 = arith.constant 272 : index
      %get3A_258 = tpu.vector_load %arg6[%get3A_256, %get3A_257] {strides = array<i32>} : memref<54x512xf32, #tpu.memory_space<vmem>>, vector<1x16xf32>,
      %get3A_259 = vector.shape_cast %get3A_258 : vector<1x16xf32> to vector<16xf32>
      %mul3A_260 = arith.constant 22.6274166 : f32
      %mul3A_261 = vector.broadcast %mul3A_260 : f32 to vector<16xf32>
      %mul3A_262 = arith.mulf %get3A_259, %mul3A_261 : vector<16xf32>
      %swap3A_263 = arith.index_cast %scan3A_53 : i32 to index
      %swap3A_264 = arith.constant 272 : index
      %swap3A_265 = tpu.vector_load %arg6[%swap3A_263, %swap3A_264] {strides = array<i32>} : memref<54x512xf32, #tpu.memory_space<vmem>>, vector<1x16xf32>,
      %swap3A_266 = vector.shape_cast %swap3A_265 : vector<1x16xf32> to vector<16xf32>
      %swap3A_267 = vector.shape_cast %mul3A_262 : vector<16xf32> to vector<1x16xf32>
      tpu.vector_store %arg6[%swap3A_263, %swap3A_264], %swap3A_267 {strides = array<i32>} : memref<54x512xf32, #tpu.memory_space<vmem>>, vector<1x16xf32>,
      %get3A_268 = arith.index_cast %scan3A_53 : i32 to index
      %get3A_269 = arith.constant 288 : index
      %get3A_270 = tpu.vector_load %arg6[%get3A_268, %get3A_269] {strides = array<i32>} : memref<54x512xf32, #tpu.memory_space<vmem>>, vector<1x16xf32>,
      %get3A_271 = vector.shape_cast %get3A_270 : vector<1x16xf32> to vector<16xf32>
      %mul3A_272 = arith.constant 22.6274166 : f32
      %mul3A_273 = vector.broadcast %mul3A_272 : f32 to vector<16xf32>
      %mul3A_274 = arith.mulf %get3A_271, %mul3A_273 : vector<16xf32>
      %swap3A_275 = arith.index_cast %scan3A_53 : i32 to index
      %swap3A_276 = arith.constant 288 : index
      %swap3A_277 = tpu.vector_load %arg6[%swap3A_275, %swap3A_276] {strides = array<i32>} : memref<54x512xf32, #tpu.memory_space<vmem>>, vector<1x16xf32>,
      %swap3A_278 = vector.shape_cast %swap3A_277 : vector<1x16xf32> to vector<16xf32>
      %swap3A_279 = vector.shape_cast %mul3A_274 : vector<16xf32> to vector<1x16xf32>
      tpu.vector_store %arg6[%swap3A_275, %swap3A_276], %swap3A_279 {strides = array<i32>} : memref<54x512xf32, #tpu.memory_space<vmem>>, vector<1x16xf32>,
      %get3A_280 = arith.index_cast %scan3A_53 : i32 to index
      %get3A_281 = arith.constant 304 : index
      %get3A_282 = tpu.vector_load %arg6[%get3A_280, %get3A_281] {strides = array<i32>} : memref<54x512xf32, #tpu.memory_space<vmem>>, vector<1x16xf32>,
      %get3A_283 = vector.shape_cast %get3A_282 : vector<1x16xf32> to vector<16xf32>
      %mul3A_284 = arith.constant 22.6274166 : f32
      %mul3A_285 = vector.broadcast %mul3A_284 : f32 to vector<16xf32>
      %mul3A_286 = arith.mulf %get3A_283, %mul3A_285 : vector<16xf32>
      %swap3A_287 = arith.index_cast %scan3A_53 : i32 to index
      %swap3A_288 = arith.constant 304 : index
      %swap3A_289 = tpu.vector_load %arg6[%swap3A_287, %swap3A_288] {strides = array<i32>} : memref<54x512xf32, #tpu.memory_space<vmem>>, vector<1x16xf32>,
      %swap3A_290 = vector.shape_cast %swap3A_289 : vector<1x16xf32> to vector<16xf32>
      %swap3A_291 = vector.shape_cast %mul3A_286 : vector<16xf32> to vector<1x16xf32>
      tpu.vector_store %arg6[%swap3A_287, %swap3A_288], %swap3A_291 {strides = array<i32>} : memref<54x512xf32, #tpu.memory_space<vmem>>, vector<1x16xf32>,
      %get3A_292 = arith.index_cast %scan3A_53 : i32 to index
      %get3A_293 = arith.constant 320 : index
      %get3A_294 = tpu.vector_load %arg6[%get3A_292, %get3A_293] {strides = array<i32>} : memref<54x512xf32, #tpu.memory_space<vmem>>, vector<1x16xf32>,
      %get3A_295 = vector.shape_cast %get3A_294 : vector<1x16xf32> to vector<16xf32>
      %mul3A_296 = arith.constant 22.6274166 : f32
      %mul3A_297 = vector.broadcast %mul3A_296 : f32 to vector<16xf32>
      %mul3A_298 = arith.mulf %get3A_295, %mul3A_297 : vector<16xf32>
      %swap3A_299 = arith.index_cast %scan3A_53 : i32 to index
      %swap3A_300 = arith.constant 320 : index
      %swap3A_301 = tpu.vector_load %arg6[%swap3A_299, %swap3A_300] {strides = array<i32>} : memref<54x512xf32, #tpu.memory_space<vmem>>, vector<1x16xf32>,
      %swap3A_302 = vector.shape_cast %swap3A_301 : vector<1x16xf32> to vector<16xf32>
      %swap3A_303 = vector.shape_cast %mul3A_298 : vector<16xf32> to vector<1x16xf32>
      tpu.vector_store %arg6[%swap3A_299, %swap3A_300], %swap3A_303 {strides = array<i32>} : memref<54x512xf32, #tpu.memory_space<vmem>>, vector<1x16xf32>,
      %get3A_304 = arith.index_cast %scan3A_53 : i32 to index
      %get3A_305 = arith.constant 336 : index
      %get3A_306 = tpu.vector_load %arg6[%get3A_304, %get3A_305] {strides = array<i32>} : memref<54x512xf32, #tpu.memory_space<vmem>>, vector<1x16xf32>,
      %get3A_307 = vector.shape_cast %get3A_306 : vector<1x16xf32> to vector<16xf32>
      %mul3A_308 = arith.constant 22.6274166 : f32
      %mul3A_309 = vector.broadcast %mul3A_308 : f32 to vector<16xf32>
      %mul3A_310 = arith.mulf %get3A_307, %mul3A_309 : vector<16xf32>
      %swap3A_311 = arith.index_cast %scan3A_53 : i32 to index
      %swap3A_312 = arith.constant 336 : index
      %swap3A_313 = tpu.vector_load %arg6[%swap3A_311, %swap3A_312] {strides = array<i32>} : memref<54x512xf32, #tpu.memory_space<vmem>>, vector<1x16xf32>,
      %swap3A_314 = vector.shape_cast %swap3A_313 : vector<1x16xf32> to vector<16xf32>
      %swap3A_315 = vector.shape_cast %mul3A_310 : vector<16xf32> to vector<1x16xf32>
      tpu.vector_store %arg6[%swap3A_311, %swap3A_312], %swap3A_315 {strides = array<i32>} : memref<54x512xf32, #tpu.memory_space<vmem>>, vector<1x16xf32>,
      %get3A_316 = arith.index_cast %scan3A_53 : i32 to index
      %get3A_317 = arith.constant 352 : index
      %get3A_318 = tpu.vector_load %arg6[%get3A_316, %get3A_317] {strides = array<i32>} : memref<54x512xf32, #tpu.memory_space<vmem>>, vector<1x16xf32>,
      %get3A_319 = vector.shape_cast %get3A_318 : vector<1x16xf32> to vector<16xf32>
      %mul3A_320 = arith.constant 22.6274166 : f32
      %mul3A_321 = vector.broadcast %mul3A_320 : f32 to vector<16xf32>
      %mul3A_322 = arith.mulf %get3A_319, %mul3A_321 : vector<16xf32>
      %swap3A_323 = arith.index_cast %scan3A_53 : i32 to index
      %swap3A_324 = arith.constant 352 : index
      %swap3A_325 = tpu.vector_load %arg6[%swap3A_323, %swap3A_324] {strides = array<i32>} : memref<54x512xf32, #tpu.memory_space<vmem>>, vector<1x16xf32>,
      %swap3A_326 = vector.shape_cast %swap3A_325 : vector<1x16xf32> to vector<16xf32>
      %swap3A_327 = vector.shape_cast %mul3A_322 : vector<16xf32> to vector<1x16xf32>
      tpu.vector_store %arg6[%swap3A_323, %swap3A_324], %swap3A_327 {strides = array<i32>} : memref<54x512xf32, #tpu.memory_space<vmem>>, vector<1x16xf32>,
      %get3A_328 = arith.index_cast %scan3A_53 : i32 to index
      %get3A_329 = arith.constant 368 : index
      %get3A_330 = tpu.vector_load %arg6[%get3A_328, %get3A_329] {strides = array<i32>} : memref<54x512xf32, #tpu.memory_space<vmem>>, vector<1x16xf32>,
      %get3A_331 = vector.shape_cast %get3A_330 : vector<1x16xf32> to vector<16xf32>
      %mul3A_332 = arith.constant 22.6274166 : f32
      %mul3A_333 = vector.broadcast %mul3A_332 : f32 to vector<16xf32>
      %mul3A_334 = arith.mulf %get3A_331, %mul3A_333 : vector<16xf32>
      %swap3A_335 = arith.index_cast %scan3A_53 : i32 to index
      %swap3A_336 = arith.constant 368 : index
      %swap3A_337 = tpu.vector_load %arg6[%swap3A_335, %swap3A_336] {strides = array<i32>} : memref<54x512xf32, #tpu.memory_space<vmem>>, vector<1x16xf32>,
      %swap3A_338 = vector.shape_cast %swap3A_337 : vector<1x16xf32> to vector<16xf32>
      %swap3A_339 = vector.shape_cast %mul3A_334 : vector<16xf32> to vector<1x16xf32>
      tpu.vector_store %arg6[%swap3A_335, %swap3A_336], %swap3A_339 {strides = array<i32>} : memref<54x512xf32, #tpu.memory_space<vmem>>, vector<1x16xf32>,
      %get3A_340 = arith.index_cast %scan3A_53 : i32 to index
      %get3A_341 = arith.constant 384 : index
      %get3A_342 = tpu.vector_load %arg6[%get3A_340, %get3A_341] {strides = array<i32>} : memref<54x512xf32, #tpu.memory_space<vmem>>, vector<1x16xf32>,
      %get3A_343 = vector.shape_cast %get3A_342 : vector<1x16xf32> to vector<16xf32>
      %mul3A_344 = arith.constant 22.6274166 : f32
      %mul3A_345 = vector.broadcast %mul3A_344 : f32 to vector<16xf32>
      %mul3A_346 = arith.mulf %get3A_343, %mul3A_345 : vector<16xf32>
      %swap3A_347 = arith.index_cast %scan3A_53 : i32 to index
      %swap3A_348 = arith.constant 384 : index
      %swap3A_349 = tpu.vector_load %arg6[%swap3A_347, %swap3A_348] {strides = array<i32>} : memref<54x512xf32, #tpu.memory_space<vmem>>, vector<1x16xf32>,
      %swap3A_350 = vector.shape_cast %swap3A_349 : vector<1x16xf32> to vector<16xf32>
      %swap3A_351 = vector.shape_cast %mul3A_346 : vector<16xf32> to vector<1x16xf32>
      tpu.vector_store %arg6[%swap3A_347, %swap3A_348], %swap3A_351 {strides = array<i32>} : memref<54x512xf32, #tpu.memory_space<vmem>>, vector<1x16xf32>,
      %get3A_352 = arith.index_cast %scan3A_53 : i32 to index
      %get3A_353 = arith.constant 400 : index
      %get3A_354 = tpu.vector_load %arg6[%get3A_352, %get3A_353] {strides = array<i32>} : memref<54x512xf32, #tpu.memory_space<vmem>>, vector<1x16xf32>,
      %get3A_355 = vector.shape_cast %get3A_354 : vector<1x16xf32> to vector<16xf32>
      %mul3A_356 = arith.constant 22.6274166 : f32
      %mul3A_357 = vector.broadcast %mul3A_356 : f32 to vector<16xf32>
      %mul3A_358 = arith.mulf %get3A_355, %mul3A_357 : vector<16xf32>
      %swap3A_359 = arith.index_cast %scan3A_53 : i32 to index
      %swap3A_360 = arith.constant 400 : index
      %swap3A_361 = tpu.vector_load %arg6[%swap3A_359, %swap3A_360] {strides = array<i32>} : memref<54x512xf32, #tpu.memory_space<vmem>>, vector<1x16xf32>,
      %swap3A_362 = vector.shape_cast %swap3A_361 : vector<1x16xf32> to vector<16xf32>
      %swap3A_363 = vector.shape_cast %mul3A_358 : vector<16xf32> to vector<1x16xf32>
      tpu.vector_store %arg6[%swap3A_359, %swap3A_360], %swap3A_363 {strides = array<i32>} : memref<54x512xf32, #tpu.memory_space<vmem>>, vector<1x16xf32>,
      %get3A_364 = arith.index_cast %scan3A_53 : i32 to index
      %get3A_365 = arith.constant 416 : index
      %get3A_366 = tpu.vector_load %arg6[%get3A_364, %get3A_365] {strides = array<i32>} : memref<54x512xf32, #tpu.memory_space<vmem>>, vector<1x16xf32>,
      %get3A_367 = vector.shape_cast %get3A_366 : vector<1x16xf32> to vector<16xf32>
      %mul3A_368 = arith.constant 22.6274166 : f32
      %mul3A_369 = vector.broadcast %mul3A_368 : f32 to vector<16xf32>
      %mul3A_370 = arith.mulf %get3A_367, %mul3A_369 : vector<16xf32>
      %swap3A_371 = arith.index_cast %scan3A_53 : i32 to index
      %swap3A_372 = arith.constant 416 : index
      %swap3A_373 = tpu.vector_load %arg6[%swap3A_371, %swap3A_372] {strides = array<i32>} : memref<54x512xf32, #tpu.memory_space<vmem>>, vector<1x16xf32>,
      %swap3A_374 = vector.shape_cast %swap3A_373 : vector<1x16xf32> to vector<16xf32>
      %swap3A_375 = vector.shape_cast %mul3A_370 : vector<16xf32> to vector<1x16xf32>
      tpu.vector_store %arg6[%swap3A_371, %swap3A_372], %swap3A_375 {strides = array<i32>} : memref<54x512xf32, #tpu.memory_space<vmem>>, vector<1x16xf32>,
      %get3A_376 = arith.index_cast %scan3A_53 : i32 to index
      %get3A_377 = arith.constant 432 : index
      %get3A_378 = tpu.vector_load %arg6[%get3A_376, %get3A_377] {strides = array<i32>} : memref<54x512xf32, #tpu.memory_space<vmem>>, vector<1x16xf32>,
      %get3A_379 = vector.shape_cast %get3A_378 : vector<1x16xf32> to vector<16xf32>
      %mul3A_380 = arith.constant 22.6274166 : f32
      %mul3A_381 = vector.broadcast %mul3A_380 : f32 to vector<16xf32>
      %mul3A_382 = arith.mulf %get3A_379, %mul3A_381 : vector<16xf32>
      %swap3A_383 = arith.index_cast %scan3A_53 : i32 to index
      %swap3A_384 = arith.constant 432 : index
      %swap3A_385 = tpu.vector_load %arg6[%swap3A_383, %swap3A_384] {strides = array<i32>} : memref<54x512xf32, #tpu.memory_space<vmem>>, vector<1x16xf32>,
      %swap3A_386 = vector.shape_cast %swap3A_385 : vector<1x16xf32> to vector<16xf32>
      %swap3A_387 = vector.shape_cast %mul3A_382 : vector<16xf32> to vector<1x16xf32>
      tpu.vector_store %arg6[%swap3A_383, %swap3A_384], %swap3A_387 {strides = array<i32>} : memref<54x512xf32, #tpu.memory_space<vmem>>, vector<1x16xf32>,
      %get3A_388 = arith.index_cast %scan3A_53 : i32 to index
      %get3A_389 = arith.constant 448 : index
      %get3A_390 = tpu.vector_load %arg6[%get3A_388, %get3A_389] {strides = array<i32>} : memref<54x512xf32, #tpu.memory_space<vmem>>, vector<1x16xf32>,
      %get3A_391 = vector.shape_cast %get3A_390 : vector<1x16xf32> to vector<16xf32>
      %mul3A_392 = arith.constant 22.6274166 : f32
      %mul3A_393 = vector.broadcast %mul3A_392 : f32 to vector<16xf32>
      %mul3A_394 = arith.mulf %get3A_391, %mul3A_393 : vector<16xf32>
      %swap3A_395 = arith.index_cast %scan3A_53 : i32 to index
      %swap3A_396 = arith.constant 448 : index
      %swap3A_397 = tpu.vector_load %arg6[%swap3A_395, %swap3A_396] {strides = array<i32>} : memref<54x512xf32, #tpu.memory_space<vmem>>, vector<1x16xf32>,
      %swap3A_398 = vector.shape_cast %swap3A_397 : vector<1x16xf32> to vector<16xf32>
      %swap3A_399 = vector.shape_cast %mul3A_394 : vector<16xf32> to vector<1x16xf32>
      tpu.vector_store %arg6[%swap3A_395, %swap3A_396], %swap3A_399 {strides = array<i32>} : memref<54x512xf32, #tpu.memory_space<vmem>>, vector<1x16xf32>,
      %get3A_400 = arith.index_cast %scan3A_53 : i32 to index
      %get3A_401 = arith.constant 464 : index
      %get3A_402 = tpu.vector_load %arg6[%get3A_400, %get3A_401] {strides = array<i32>} : memref<54x512xf32, #tpu.memory_space<vmem>>, vector<1x16xf32>,
      %get3A_403 = vector.shape_cast %get3A_402 : vector<1x16xf32> to vector<16xf32>
      %mul3A_404 = arith.constant 22.6274166 : f32
      %mul3A_405 = vector.broadcast %mul3A_404 : f32 to vector<16xf32>
      %mul3A_406 = arith.mulf %get3A_403, %mul3A_405 : vector<16xf32>
      %swap3A_407 = arith.index_cast %scan3A_53 : i32 to index
      %swap3A_408 = arith.constant 464 : index
      %swap3A_409 = tpu.vector_load %arg6[%swap3A_407, %swap3A_408] {strides = array<i32>} : memref<54x512xf32, #tpu.memory_space<vmem>>, vector<1x16xf32>,
      %swap3A_410 = vector.shape_cast %swap3A_409 : vector<1x16xf32> to vector<16xf32>
      %swap3A_411 = vector.shape_cast %mul3A_406 : vector<16xf32> to vector<1x16xf32>
      tpu.vector_store %arg6[%swap3A_407, %swap3A_408], %swap3A_411 {strides = array<i32>} : memref<54x512xf32, #tpu.memory_space<vmem>>, vector<1x16xf32>,
      %get3A_412 = arith.index_cast %scan3A_53 : i32 to index
      %get3A_413 = arith.constant 480 : index
      %get3A_414 = tpu.vector_load %arg6[%get3A_412, %get3A_413] {strides = array<i32>} : memref<54x512xf32, #tpu.memory_space<vmem>>, vector<1x16xf32>,
      %get3A_415 = vector.shape_cast %get3A_414 : vector<1x16xf32> to vector<16xf32>
      %mul3A_416 = arith.constant 22.6274166 : f32
      %mul3A_417 = vector.broadcast %mul3A_416 : f32 to vector<16xf32>
      %mul3A_418 = arith.mulf %get3A_415, %mul3A_417 : vector<16xf32>
      %swap3A_419 = arith.index_cast %scan3A_53 : i32 to index
      %swap3A_420 = arith.constant 480 : index
      %swap3A_421 = tpu.vector_load %arg6[%swap3A_419, %swap3A_420] {strides = array<i32>} : memref<54x512xf32, #tpu.memory_space<vmem>>, vector<1x16xf32>,
      %swap3A_422 = vector.shape_cast %swap3A_421 : vector<1x16xf32> to vector<16xf32>
      %swap3A_423 = vector.shape_cast %mul3A_418 : vector<16xf32> to vector<1x16xf32>
      tpu.vector_store %arg6[%swap3A_419, %swap3A_420], %swap3A_423 {strides = array<i32>} : memref<54x512xf32, #tpu.memory_space<vmem>>, vector<1x16xf32>,
      %get3A_424 = arith.index_cast %scan3A_53 : i32 to index
      %get3A_425 = arith.constant 496 : index
      %get3A_426 = tpu.vector_load %arg6[%get3A_424, %get3A_425] {strides = array<i32>} : memref<54x512xf32, #tpu.memory_space<vmem>>, vector<1x16xf32>,
      %get3A_427 = vector.shape_cast %get3A_426 : vector<1x16xf32> to vector<16xf32>
      %mul3A_428 = arith.constant 22.6274166 : f32
      %mul3A_429 = vector.broadcast %mul3A_428 : f32 to vector<16xf32>
      %mul3A_430 = arith.mulf %get3A_427, %mul3A_429 : vector<16xf32>
      %swap3A_431 = arith.index_cast %scan3A_53 : i32 to index
      %swap3A_432 = arith.constant 496 : index
      %swap3A_433 = tpu.vector_load %arg6[%swap3A_431, %swap3A_432] {strides = array<i32>} : memref<54x512xf32, #tpu.memory_space<vmem>>, vector<1x16xf32>,
      %swap3A_434 = vector.shape_cast %swap3A_433 : vector<1x16xf32> to vector<16xf32>
      %swap3A_435 = vector.shape_cast %mul3A_430 : vector<16xf32> to vector<1x16xf32>
      tpu.vector_store %arg6[%swap3A_431, %swap3A_432], %swap3A_435 {strides = array<i32>} : memref<54x512xf32, #tpu.memory_space<vmem>>, vector<1x16xf32>,
    }
    %scan3A_7 = arith.constant 54 : i32
    %scan3A_8 = arith.constant 0 : i32
    %scan3A_9 = arith.constant 0 : i32
    %scan3A_10 = arith.constant 100 : i32
    %scan3A_11 = arith.addi %scan3A_9, %scan3A_10 : i32
    %scan3A_12 = arith.constant 1 : i32
    scf.for %scan3A_53 = %scan3A_9 to %scan3A_11 step %scan3A_12  : i32 {
      %mul3A_54 = arith.constant 4 : i32
      %mul3A_55 = arith.muli %scan3A_53, %mul3A_54 : i32
      %add3A_56 = arith.constant 0 : i32
      %add3A_57 = arith.addi %mul3A_55, %add3A_56 : i32
      %gt3A = arith.constant 0 : i32
      %gt3A_58 = arith.cmpi sgt, %scan3A_53, %gt3A : i32
      %convert_element_type3A = arith.extui %gt3A_58 : i1 to i32
      %cond3A = arith.constant 0 : i32
      %cond3A_59 = arith.cmpi ne, %convert_element_type3A, %cond3A : i32
      scf.if %cond3A_59 {
        %dma_wait3A_1139 = arith.constant 0 : i32
        %dma_wait3A_1140 = arith.constant 0 : i32
        %dma_wait3A_1141 = tpu.memref_slice %arg6[%dma_wait3A_1139, %dma_wait3A_1140] : memref<54x512xf32, #tpu.memory_space<vmem>> -> memref<16x512xf32, #tpu.memory_space<vmem>>
        %dma_wait3A_1142 = arith.constant 0 : i32
        %dma_wait3A_1143 = tpu.memref_slice %arg4[%mul3A_2, %dma_wait3A_1142] : memref<204800x512xf32, #tpu.memory_space<hbm>> -> memref<16x512xf32, #tpu.memory_space<hbm>>
        %dma_wait3A_1144 = arith.constant 0 : i32
        %dma_wait3A_1145 = tpu.memref_slice %arg4[%mul3A_2, %dma_wait3A_1144] : memref<204800x512xf32, #tpu.memory_space<hbm>> -> memref<16x512xf32, #tpu.memory_space<hbm>>
        %dma_wait3A_1146 = arith.constant 0 : i32
        %dma_wait3A_1147 = arith.constant 0 : i32
        %dma_wait3A_1148 = tpu.memref_slice %arg6[%dma_wait3A_1146, %dma_wait3A_1147] : memref<54x512xf32, #tpu.memory_space<vmem>> -> memref<16x512xf32, #tpu.memory_space<vmem>>
        tpu.wait_dma2 semaphore(%arg7 : memref<!tpu.dma_semaphore, #tpu.memory_space<semaphore_mem>>) src(%dma_wait3A_1148 : memref<16x512xf32, #tpu.memory_space<vmem>>) dst(%dma_wait3A_1145 : memref<16x512xf32, #tpu.memory_space<hbm>>)
      } else {
      }
      %mul3A_60 = arith.constant 16 : i32
      %mul3A_61 = arith.muli %add3A_57, %mul3A_60 : i32
      %get3A = arith.index_cast %mul3A_61 : i32 to index
      %get3A_62 = tpu.vector_load %arg5[%get3A] {strides = array<i32>} : memref<6400xi32, #tpu.memory_space<vmem>>, vector<16xi32>,
      %get3A_63 = vector.shape_cast %get3A_62 : vector<16xi32> to vector<16xi32>
      %mul3A_64 = arith.constant 16 : i32
      %mul3A_65 = arith.muli %add3A_57, %mul3A_64 : i32
      %add3A_66 = arith.addi %mul3A_2, %mul3A_65 : i32
      %slice3A = vector.extract_strided_slice %get3A_63 {offsets = [0], sizes = [1], strides = [1]} : vector<16xi32> to vector<1xi32>
      %squeeze3A = vector.extract %slice3A[0] : i32 from vector<1xi32>
      %add3A_67 = arith.constant 0 : i32
      %add3A_68 = arith.addi %add3A_66, %add3A_67 : i32
      %dma_start3A = arith.constant 0 : i32
      %dma_start3A_69 = tpu.memref_slice %arg6[%squeeze3A, %dma_start3A] : memref<54x512xf32, #tpu.memory_space<vmem>> -> memref<1x512xf32, #tpu.memory_space<vmem>>
      %dma_start3A_70 = tpu.memref_squeeze %dma_start3A_69 : memref<1x512xf32, #tpu.memory_space<vmem>> -> memref<512xf32, #tpu.memory_space<vmem>>
      %dma_start3A_71 = arith.constant 0 : i32
      %dma_start3A_72 = tpu.memref_slice %arg4[%add3A_68, %dma_start3A_71] : memref<204800x512xf32, #tpu.memory_space<hbm>> -> memref<1x512xf32, #tpu.memory_space<hbm>>
      %dma_start3A_73 = tpu.memref_squeeze %dma_start3A_72 : memref<1x512xf32, #tpu.memory_space<hbm>> -> memref<512xf32, #tpu.memory_space<hbm>>
      %dma_start3A_74 = arith.constant 0 : i32
      %dma_start3A_75 = tpu.memref_slice %arg4[%add3A_68, %dma_start3A_74] : memref<204800x512xf32, #tpu.memory_space<hbm>> -> memref<1x512xf32, #tpu.memory_space<hbm>>
      %dma_start3A_76 = tpu.memref_squeeze %dma_start3A_75 : memref<1x512xf32, #tpu.memory_space<hbm>> -> memref<512xf32, #tpu.memory_space<hbm>>
      %dma_start3A_77 = arith.constant 0 : i32
      %dma_start3A_78 = tpu.memref_slice %arg6[%squeeze3A, %dma_start3A_77] : memref<54x512xf32, #tpu.memory_space<vmem>> -> memref<1x512xf32, #tpu.memory_space<vmem>>
      %dma_start3A_79 = tpu.memref_squeeze %dma_start3A_78 : memref<1x512xf32, #tpu.memory_space<vmem>> -> memref<512xf32, #tpu.memory_space<vmem>>
      tpu.enqueue_dma source(%dma_start3A_79 : memref<512xf32, #tpu.memory_space<vmem>>) target(%dma_start3A_76 : memref<512xf32, #tpu.memory_space<hbm>>) target_semaphore(%arg7 : memref<!tpu.dma_semaphore, #tpu.memory_space<semaphore_mem>>)
      %slice3A_80 = vector.extract_strided_slice %get3A_63 {offsets = [1], sizes = [1], strides = [1]} : vector<16xi32> to vector<1xi32>
      %squeeze3A_81 = vector.extract %slice3A_80[0] : i32 from vector<1xi32>
      %add3A_82 = arith.constant 1 : i32
      %add3A_83 = arith.addi %add3A_66, %add3A_82 : i32
      %dma_start3A_84 = arith.constant 0 : i32
      %dma_start3A_85 = tpu.memref_slice %arg6[%squeeze3A_81, %dma_start3A_84] : memref<54x512xf32, #tpu.memory_space<vmem>> -> memref<1x512xf32, #tpu.memory_space<vmem>>
      %dma_start3A_86 = tpu.memref_squeeze %dma_start3A_85 : memref<1x512xf32, #tpu.memory_space<vmem>> -> memref<512xf32, #tpu.memory_space<vmem>>
      %dma_start3A_87 = arith.constant 0 : i32
      %dma_start3A_88 = tpu.memref_slice %arg4[%add3A_83, %dma_start3A_87] : memref<204800x512xf32, #tpu.memory_space<hbm>> -> memref<1x512xf32, #tpu.memory_space<hbm>>
      %dma_start3A_89 = tpu.memref_squeeze %dma_start3A_88 : memref<1x512xf32, #tpu.memory_space<hbm>> -> memref<512xf32, #tpu.memory_space<hbm>>
      %dma_start3A_90 = arith.constant 0 : i32
      %dma_start3A_91 = tpu.memref_slice %arg4[%add3A_83, %dma_start3A_90] : memref<204800x512xf32, #tpu.memory_space<hbm>> -> memref<1x512xf32, #tpu.memory_space<hbm>>
      %dma_start3A_92 = tpu.memref_squeeze %dma_start3A_91 : memref<1x512xf32, #tpu.memory_space<hbm>> -> memref<512xf32, #tpu.memory_space<hbm>>
      %dma_start3A_93 = arith.constant 0 : i32
      %dma_start3A_94 = tpu.memref_slice %arg6[%squeeze3A_81, %dma_start3A_93] : memref<54x512xf32, #tpu.memory_space<vmem>> -> memref<1x512xf32, #tpu.memory_space<vmem>>
      %dma_start3A_95 = tpu.memref_squeeze %dma_start3A_94 : memref<1x512xf32, #tpu.memory_space<vmem>> -> memref<512xf32, #tpu.memory_space<vmem>>
      tpu.enqueue_dma source(%dma_start3A_95 : memref<512xf32, #tpu.memory_space<vmem>>) target(%dma_start3A_92 : memref<512xf32, #tpu.memory_space<hbm>>) target_semaphore(%arg7 : memref<!tpu.dma_semaphore, #tpu.memory_space<semaphore_mem>>)
      %slice3A_96 = vector.extract_strided_slice %get3A_63 {offsets = [2], sizes = [1], strides = [1]} : vector<16xi32> to vector<1xi32>
      %squeeze3A_97 = vector.extract %slice3A_96[0] : i32 from vector<1xi32>
      %add3A_98 = arith.constant 2 : i32
      %add3A_99 = arith.addi %add3A_66, %add3A_98 : i32
      %dma_start3A_100 = arith.constant 0 : i32
      %dma_start3A_101 = tpu.memref_slice %arg6[%squeeze3A_97, %dma_start3A_100] : memref<54x512xf32, #tpu.memory_space<vmem>> -> memref<1x512xf32, #tpu.memory_space<vmem>>
      %dma_start3A_102 = tpu.memref_squeeze %dma_start3A_101 : memref<1x512xf32, #tpu.memory_space<vmem>> -> memref<512xf32, #tpu.memory_space<vmem>>
      %dma_start3A_103 = arith.constant 0 : i32
      %dma_start3A_104 = tpu.memref_slice %arg4[%add3A_99, %dma_start3A_103] : memref<204800x512xf32, #tpu.memory_space<hbm>> -> memref<1x512xf32, #tpu.memory_space<hbm>>
      %dma_start3A_105 = tpu.memref_squeeze %dma_start3A_104 : memref<1x512xf32, #tpu.memory_space<hbm>> -> memref<512xf32, #tpu.memory_space<hbm>>
      %dma_start3A_106 = arith.constant 0 : i32
      %dma_start3A_107 = tpu.memref_slice %arg4[%add3A_99, %dma_start3A_106] : memref<204800x512xf32, #tpu.memory_space<hbm>> -> memref<1x512xf32, #tpu.memory_space<hbm>>
      %dma_start3A_108 = tpu.memref_squeeze %dma_start3A_107 : memref<1x512xf32, #tpu.memory_space<hbm>> -> memref<512xf32, #tpu.memory_space<hbm>>
      %dma_start3A_109 = arith.constant 0 : i32
      %dma_start3A_110 = tpu.memref_slice %arg6[%squeeze3A_97, %dma_start3A_109] : memref<54x512xf32, #tpu.memory_space<vmem>> -> memref<1x512xf32, #tpu.memory_space<vmem>>
      %dma_start3A_111 = tpu.memref_squeeze %dma_start3A_110 : memref<1x512xf32, #tpu.memory_space<vmem>> -> memref<512xf32, #tpu.memory_space<vmem>>
      tpu.enqueue_dma source(%dma_start3A_111 : memref<512xf32, #tpu.memory_space<vmem>>) target(%dma_start3A_108 : memref<512xf32, #tpu.memory_space<hbm>>) target_semaphore(%arg7 : memref<!tpu.dma_semaphore, #tpu.memory_space<semaphore_mem>>)
      %slice3A_112 = vector.extract_strided_slice %get3A_63 {offsets = [3], sizes = [1], strides = [1]} : vector<16xi32> to vector<1xi32>
      %squeeze3A_113 = vector.extract %slice3A_112[0] : i32 from vector<1xi32>
      %add3A_114 = arith.constant 3 : i32
      %add3A_115 = arith.addi %add3A_66, %add3A_114 : i32
      %dma_start3A_116 = arith.constant 0 : i32
      %dma_start3A_117 = tpu.memref_slice %arg6[%squeeze3A_113, %dma_start3A_116] : memref<54x512xf32, #tpu.memory_space<vmem>> -> memref<1x512xf32, #tpu.memory_space<vmem>>
      %dma_start3A_118 = tpu.memref_squeeze %dma_start3A_117 : memref<1x512xf32, #tpu.memory_space<vmem>> -> memref<512xf32, #tpu.memory_space<vmem>>
      %dma_start3A_119 = arith.constant 0 : i32
      %dma_start3A_120 = tpu.memref_slice %arg4[%add3A_115, %dma_start3A_119] : memref<204800x512xf32, #tpu.memory_space<hbm>> -> memref<1x512xf32, #tpu.memory_space<hbm>>
      %dma_start3A_121 = tpu.memref_squeeze %dma_start3A_120 : memref<1x512xf32, #tpu.memory_space<hbm>> -> memref<512xf32, #tpu.memory_space<hbm>>
      %dma_start3A_122 = arith.constant 0 : i32
      %dma_start3A_123 = tpu.memref_slice %arg4[%add3A_115, %dma_start3A_122] : memref<204800x512xf32, #tpu.memory_space<hbm>> -> memref<1x512xf32, #tpu.memory_space<hbm>>
      %dma_start3A_124 = tpu.memref_squeeze %dma_start3A_123 : memref<1x512xf32, #tpu.memory_space<hbm>> -> memref<512xf32, #tpu.memory_space<hbm>>
      %dma_start3A_125 = arith.constant 0 : i32
      %dma_start3A_126 = tpu.memref_slice %arg6[%squeeze3A_113, %dma_start3A_125] : memref<54x512xf32, #tpu.memory_space<vmem>> -> memref<1x512xf32, #tpu.memory_space<vmem>>
      %dma_start3A_127 = tpu.memref_squeeze %dma_start3A_126 : memref<1x512xf32, #tpu.memory_space<vmem>> -> memref<512xf32, #tpu.memory_space<vmem>>
      tpu.enqueue_dma source(%dma_start3A_127 : memref<512xf32, #tpu.memory_space<vmem>>) target(%dma_start3A_124 : memref<512xf32, #tpu.memory_space<hbm>>) target_semaphore(%arg7 : memref<!tpu.dma_semaphore, #tpu.memory_space<semaphore_mem>>)
      %slice3A_128 = vector.extract_strided_slice %get3A_63 {offsets = [4], sizes = [1], strides = [1]} : vector<16xi32> to vector<1xi32>
      %squeeze3A_129 = vector.extract %slice3A_128[0] : i32 from vector<1xi32>
      %add3A_130 = arith.constant 4 : i32
      %add3A_131 = arith.addi %add3A_66, %add3A_130 : i32
      %dma_start3A_132 = arith.constant 0 : i32
      %dma_start3A_133 = tpu.memref_slice %arg6[%squeeze3A_129, %dma_start3A_132] : memref<54x512xf32, #tpu.memory_space<vmem>> -> memref<1x512xf32, #tpu.memory_space<vmem>>
      %dma_start3A_134 = tpu.memref_squeeze %dma_start3A_133 : memref<1x512xf32, #tpu.memory_space<vmem>> -> memref<512xf32, #tpu.memory_space<vmem>>
      %dma_start3A_135 = arith.constant 0 : i32
      %dma_start3A_136 = tpu.memref_slice %arg4[%add3A_131, %dma_start3A_135] : memref<204800x512xf32, #tpu.memory_space<hbm>> -> memref<1x512xf32, #tpu.memory_space<hbm>>
      %dma_start3A_137 = tpu.memref_squeeze %dma_start3A_136 : memref<1x512xf32, #tpu.memory_space<hbm>> -> memref<512xf32, #tpu.memory_space<hbm>>
      %dma_start3A_138 = arith.constant 0 : i32
      %dma_start3A_139 = tpu.memref_slice %arg4[%add3A_131, %dma_start3A_138] : memref<204800x512xf32, #tpu.memory_space<hbm>> -> memref<1x512xf32, #tpu.memory_space<hbm>>
      %dma_start3A_140 = tpu.memref_squeeze %dma_start3A_139 : memref<1x512xf32, #tpu.memory_space<hbm>> -> memref<512xf32, #tpu.memory_space<hbm>>
      %dma_start3A_141 = arith.constant 0 : i32
      %dma_start3A_142 = tpu.memref_slice %arg6[%squeeze3A_129, %dma_start3A_141] : memref<54x512xf32, #tpu.memory_space<vmem>> -> memref<1x512xf32, #tpu.memory_space<vmem>>
      %dma_start3A_143 = tpu.memref_squeeze %dma_start3A_142 : memref<1x512xf32, #tpu.memory_space<vmem>> -> memref<512xf32, #tpu.memory_space<vmem>>
      tpu.enqueue_dma source(%dma_start3A_143 : memref<512xf32, #tpu.memory_space<vmem>>) target(%dma_start3A_140 : memref<512xf32, #tpu.memory_space<hbm>>) target_semaphore(%arg7 : memref<!tpu.dma_semaphore, #tpu.memory_space<semaphore_mem>>)
      %slice3A_144 = vector.extract_strided_slice %get3A_63 {offsets = [5], sizes = [1], strides = [1]} : vector<16xi32> to vector<1xi32>
      %squeeze3A_145 = vector.extract %slice3A_144[0] : i32 from vector<1xi32>
      %add3A_146 = arith.constant 5 : i32
      %add3A_147 = arith.addi %add3A_66, %add3A_146 : i32
      %dma_start3A_148 = arith.constant 0 : i32
      %dma_start3A_149 = tpu.memref_slice %arg6[%squeeze3A_145, %dma_start3A_148] : memref<54x512xf32, #tpu.memory_space<vmem>> -> memref<1x512xf32, #tpu.memory_space<vmem>>
      %dma_start3A_150 = tpu.memref_squeeze %dma_start3A_149 : memref<1x512xf32, #tpu.memory_space<vmem>> -> memref<512xf32, #tpu.memory_space<vmem>>
      %dma_start3A_151 = arith.constant 0 : i32
      %dma_start3A_152 = tpu.memref_slice %arg4[%add3A_147, %dma_start3A_151] : memref<204800x512xf32, #tpu.memory_space<hbm>> -> memref<1x512xf32, #tpu.memory_space<hbm>>
      %dma_start3A_153 = tpu.memref_squeeze %dma_start3A_152 : memref<1x512xf32, #tpu.memory_space<hbm>> -> memref<512xf32, #tpu.memory_space<hbm>>
      %dma_start3A_154 = arith.constant 0 : i32
      %dma_start3A_155 = tpu.memref_slice %arg4[%add3A_147, %dma_start3A_154] : memref<204800x512xf32, #tpu.memory_space<hbm>> -> memref<1x512xf32, #tpu.memory_space<hbm>>
      %dma_start3A_156 = tpu.memref_squeeze %dma_start3A_155 : memref<1x512xf32, #tpu.memory_space<hbm>> -> memref<512xf32, #tpu.memory_space<hbm>>
      %dma_start3A_157 = arith.constant 0 : i32
      %dma_start3A_158 = tpu.memref_slice %arg6[%squeeze3A_145, %dma_start3A_157] : memref<54x512xf32, #tpu.memory_space<vmem>> -> memref<1x512xf32, #tpu.memory_space<vmem>>
      %dma_start3A_159 = tpu.memref_squeeze %dma_start3A_158 : memref<1x512xf32, #tpu.memory_space<vmem>> -> memref<512xf32, #tpu.memory_space<vmem>>
      tpu.enqueue_dma source(%dma_start3A_159 : memref<512xf32, #tpu.memory_space<vmem>>) target(%dma_start3A_156 : memref<512xf32, #tpu.memory_space<hbm>>) target_semaphore(%arg7 : memref<!tpu.dma_semaphore, #tpu.memory_space<semaphore_mem>>)
      %slice3A_160 = vector.extract_strided_slice %get3A_63 {offsets = [6], sizes = [1], strides = [1]} : vector<16xi32> to vector<1xi32>
      %squeeze3A_161 = vector.extract %slice3A_160[0] : i32 from vector<1xi32>
      %add3A_162 = arith.constant 6 : i32
      %add3A_163 = arith.addi %add3A_66, %add3A_162 : i32
      %dma_start3A_164 = arith.constant 0 : i32
      %dma_start3A_165 = tpu.memref_slice %arg6[%squeeze3A_161, %dma_start3A_164] : memref<54x512xf32, #tpu.memory_space<vmem>> -> memref<1x512xf32, #tpu.memory_space<vmem>>
      %dma_start3A_166 = tpu.memref_squeeze %dma_start3A_165 : memref<1x512xf32, #tpu.memory_space<vmem>> -> memref<512xf32, #tpu.memory_space<vmem>>
      %dma_start3A_167 = arith.constant 0 : i32
      %dma_start3A_168 = tpu.memref_slice %arg4[%add3A_163, %dma_start3A_167] : memref<204800x512xf32, #tpu.memory_space<hbm>> -> memref<1x512xf32, #tpu.memory_space<hbm>>
      %dma_start3A_169 = tpu.memref_squeeze %dma_start3A_168 : memref<1x512xf32, #tpu.memory_space<hbm>> -> memref<512xf32, #tpu.memory_space<hbm>>
      %dma_start3A_170 = arith.constant 0 : i32
      %dma_start3A_171 = tpu.memref_slice %arg4[%add3A_163, %dma_start3A_170] : memref<204800x512xf32, #tpu.memory_space<hbm>> -> memref<1x512xf32, #tpu.memory_space<hbm>>
      %dma_start3A_172 = tpu.memref_squeeze %dma_start3A_171 : memref<1x512xf32, #tpu.memory_space<hbm>> -> memref<512xf32, #tpu.memory_space<hbm>>
      %dma_start3A_173 = arith.constant 0 : i32
      %dma_start3A_174 = tpu.memref_slice %arg6[%squeeze3A_161, %dma_start3A_173] : memref<54x512xf32, #tpu.memory_space<vmem>> -> memref<1x512xf32, #tpu.memory_space<vmem>>
      %dma_start3A_175 = tpu.memref_squeeze %dma_start3A_174 : memref<1x512xf32, #tpu.memory_space<vmem>> -> memref<512xf32, #tpu.memory_space<vmem>>
      tpu.enqueue_dma source(%dma_start3A_175 : memref<512xf32, #tpu.memory_space<vmem>>) target(%dma_start3A_172 : memref<512xf32, #tpu.memory_space<hbm>>) target_semaphore(%arg7 : memref<!tpu.dma_semaphore, #tpu.memory_space<semaphore_mem>>)
      %slice3A_176 = vector.extract_strided_slice %get3A_63 {offsets = [7], sizes = [1], strides = [1]} : vector<16xi32> to vector<1xi32>
      %squeeze3A_177 = vector.extract %slice3A_176[0] : i32 from vector<1xi32>
      %add3A_178 = arith.constant 7 : i32
      %add3A_179 = arith.addi %add3A_66, %add3A_178 : i32
      %dma_start3A_180 = arith.constant 0 : i32
      %dma_start3A_181 = tpu.memref_slice %arg6[%squeeze3A_177, %dma_start3A_180] : memref<54x512xf32, #tpu.memory_space<vmem>> -> memref<1x512xf32, #tpu.memory_space<vmem>>
      %dma_start3A_182 = tpu.memref_squeeze %dma_start3A_181 : memref<1x512xf32, #tpu.memory_space<vmem>> -> memref<512xf32, #tpu.memory_space<vmem>>
      %dma_start3A_183 = arith.constant 0 : i32
      %dma_start3A_184 = tpu.memref_slice %arg4[%add3A_179, %dma_start3A_183] : memref<204800x512xf32, #tpu.memory_space<hbm>> -> memref<1x512xf32, #tpu.memory_space<hbm>>
      %dma_start3A_185 = tpu.memref_squeeze %dma_start3A_184 : memref<1x512xf32, #tpu.memory_space<hbm>> -> memref<512xf32, #tpu.memory_space<hbm>>
      %dma_start3A_186 = arith.constant 0 : i32
      %dma_start3A_187 = tpu.memref_slice %arg4[%add3A_179, %dma_start3A_186] : memref<204800x512xf32, #tpu.memory_space<hbm>> -> memref<1x512xf32, #tpu.memory_space<hbm>>
      %dma_start3A_188 = tpu.memref_squeeze %dma_start3A_187 : memref<1x512xf32, #tpu.memory_space<hbm>> -> memref<512xf32, #tpu.memory_space<hbm>>
      %dma_start3A_189 = arith.constant 0 : i32
      %dma_start3A_190 = tpu.memref_slice %arg6[%squeeze3A_177, %dma_start3A_189] : memref<54x512xf32, #tpu.memory_space<vmem>> -> memref<1x512xf32, #tpu.memory_space<vmem>>
      %dma_start3A_191 = tpu.memref_squeeze %dma_start3A_190 : memref<1x512xf32, #tpu.memory_space<vmem>> -> memref<512xf32, #tpu.memory_space<vmem>>
      tpu.enqueue_dma source(%dma_start3A_191 : memref<512xf32, #tpu.memory_space<vmem>>) target(%dma_start3A_188 : memref<512xf32, #tpu.memory_space<hbm>>) target_semaphore(%arg7 : memref<!tpu.dma_semaphore, #tpu.memory_space<semaphore_mem>>)
      %slice3A_192 = vector.extract_strided_slice %get3A_63 {offsets = [8], sizes = [1], strides = [1]} : vector<16xi32> to vector<1xi32>
      %squeeze3A_193 = vector.extract %slice3A_192[0] : i32 from vector<1xi32>
      %add3A_194 = arith.constant 8 : i32
      %add3A_195 = arith.addi %add3A_66, %add3A_194 : i32
      %dma_start3A_196 = arith.constant 0 : i32
      %dma_start3A_197 = tpu.memref_slice %arg6[%squeeze3A_193, %dma_start3A_196] : memref<54x512xf32, #tpu.memory_space<vmem>> -> memref<1x512xf32, #tpu.memory_space<vmem>>
      %dma_start3A_198 = tpu.memref_squeeze %dma_start3A_197 : memref<1x512xf32, #tpu.memory_space<vmem>> -> memref<512xf32, #tpu.memory_space<vmem>>
      %dma_start3A_199 = arith.constant 0 : i32
      %dma_start3A_200 = tpu.memref_slice %arg4[%add3A_195, %dma_start3A_199] : memref<204800x512xf32, #tpu.memory_space<hbm>> -> memref<1x512xf32, #tpu.memory_space<hbm>>
      %dma_start3A_201 = tpu.memref_squeeze %dma_start3A_200 : memref<1x512xf32, #tpu.memory_space<hbm>> -> memref<512xf32, #tpu.memory_space<hbm>>
      %dma_start3A_202 = arith.constant 0 : i32
      %dma_start3A_203 = tpu.memref_slice %arg4[%add3A_195, %dma_start3A_202] : memref<204800x512xf32, #tpu.memory_space<hbm>> -> memref<1x512xf32, #tpu.memory_space<hbm>>
      %dma_start3A_204 = tpu.memref_squeeze %dma_start3A_203 : memref<1x512xf32, #tpu.memory_space<hbm>> -> memref<512xf32, #tpu.memory_space<hbm>>
      %dma_start3A_205 = arith.constant 0 : i32
      %dma_start3A_206 = tpu.memref_slice %arg6[%squeeze3A_193, %dma_start3A_205] : memref<54x512xf32, #tpu.memory_space<vmem>> -> memref<1x512xf32, #tpu.memory_space<vmem>>
      %dma_start3A_207 = tpu.memref_squeeze %dma_start3A_206 : memref<1x512xf32, #tpu.memory_space<vmem>> -> memref<512xf32, #tpu.memory_space<vmem>>
      tpu.enqueue_dma source(%dma_start3A_207 : memref<512xf32, #tpu.memory_space<vmem>>) target(%dma_start3A_204 : memref<512xf32, #tpu.memory_space<hbm>>) target_semaphore(%arg7 : memref<!tpu.dma_semaphore, #tpu.memory_space<semaphore_mem>>)
      %slice3A_208 = vector.extract_strided_slice %get3A_63 {offsets = [9], sizes = [1], strides = [1]} : vector<16xi32> to vector<1xi32>
      %squeeze3A_209 = vector.extract %slice3A_208[0] : i32 from vector<1xi32>
      %add3A_210 = arith.constant 9 : i32
      %add3A_211 = arith.addi %add3A_66, %add3A_210 : i32
      %dma_start3A_212 = arith.constant 0 : i32
      %dma_start3A_213 = tpu.memref_slice %arg6[%squeeze3A_209, %dma_start3A_212] : memref<54x512xf32, #tpu.memory_space<vmem>> -> memref<1x512xf32, #tpu.memory_space<vmem>>
      %dma_start3A_214 = tpu.memref_squeeze %dma_start3A_213 : memref<1x512xf32, #tpu.memory_space<vmem>> -> memref<512xf32, #tpu.memory_space<vmem>>
      %dma_start3A_215 = arith.constant 0 : i32
      %dma_start3A_216 = tpu.memref_slice %arg4[%add3A_211, %dma_start3A_215] : memref<204800x512xf32, #tpu.memory_space<hbm>> -> memref<1x512xf32, #tpu.memory_space<hbm>>
      %dma_start3A_217 = tpu.memref_squeeze %dma_start3A_216 : memref<1x512xf32, #tpu.memory_space<hbm>> -> memref<512xf32, #tpu.memory_space<hbm>>
      %dma_start3A_218 = arith.constant 0 : i32
      %dma_start3A_219 = tpu.memref_slice %arg4[%add3A_211, %dma_start3A_218] : memref<204800x512xf32, #tpu.memory_space<hbm>> -> memref<1x512xf32, #tpu.memory_space<hbm>>
      %dma_start3A_220 = tpu.memref_squeeze %dma_start3A_219 : memref<1x512xf32, #tpu.memory_space<hbm>> -> memref<512xf32, #tpu.memory_space<hbm>>
      %dma_start3A_221 = arith.constant 0 : i32
      %dma_start3A_222 = tpu.memref_slice %arg6[%squeeze3A_209, %dma_start3A_221] : memref<54x512xf32, #tpu.memory_space<vmem>> -> memref<1x512xf32, #tpu.memory_space<vmem>>
      %dma_start3A_223 = tpu.memref_squeeze %dma_start3A_222 : memref<1x512xf32, #tpu.memory_space<vmem>> -> memref<512xf32, #tpu.memory_space<vmem>>
      tpu.enqueue_dma source(%dma_start3A_223 : memref<512xf32, #tpu.memory_space<vmem>>) target(%dma_start3A_220 : memref<512xf32, #tpu.memory_space<hbm>>) target_semaphore(%arg7 : memref<!tpu.dma_semaphore, #tpu.memory_space<semaphore_mem>>)
      %slice3A_224 = vector.extract_strided_slice %get3A_63 {offsets = [10], sizes = [1], strides = [1]} : vector<16xi32> to vector<1xi32>
      %squeeze3A_225 = vector.extract %slice3A_224[0] : i32 from vector<1xi32>
      %add3A_226 = arith.constant 10 : i32
      %add3A_227 = arith.addi %add3A_66, %add3A_226 : i32
      %dma_start3A_228 = arith.constant 0 : i32
      %dma_start3A_229 = tpu.memref_slice %arg6[%squeeze3A_225, %dma_start3A_228] : memref<54x512xf32, #tpu.memory_space<vmem>> -> memref<1x512xf32, #tpu.memory_space<vmem>>
      %dma_start3A_230 = tpu.memref_squeeze %dma_start3A_229 : memref<1x512xf32, #tpu.memory_space<vmem>> -> memref<512xf32, #tpu.memory_space<vmem>>
      %dma_start3A_231 = arith.constant 0 : i32
      %dma_start3A_232 = tpu.memref_slice %arg4[%add3A_227, %dma_start3A_231] : memref<204800x512xf32, #tpu.memory_space<hbm>> -> memref<1x512xf32, #tpu.memory_space<hbm>>
      %dma_start3A_233 = tpu.memref_squeeze %dma_start3A_232 : memref<1x512xf32, #tpu.memory_space<hbm>> -> memref<512xf32, #tpu.memory_space<hbm>>
      %dma_start3A_234 = arith.constant 0 : i32
      %dma_start3A_235 = tpu.memref_slice %arg4[%add3A_227, %dma_start3A_234] : memref<204800x512xf32, #tpu.memory_space<hbm>> -> memref<1x512xf32, #tpu.memory_space<hbm>>
      %dma_start3A_236 = tpu.memref_squeeze %dma_start3A_235 : memref<1x512xf32, #tpu.memory_space<hbm>> -> memref<512xf32, #tpu.memory_space<hbm>>
      %dma_start3A_237 = arith.constant 0 : i32
      %dma_start3A_238 = tpu.memref_slice %arg6[%squeeze3A_225, %dma_start3A_237] : memref<54x512xf32, #tpu.memory_space<vmem>> -> memref<1x512xf32, #tpu.memory_space<vmem>>
      %dma_start3A_239 = tpu.memref_squeeze %dma_start3A_238 : memref<1x512xf32, #tpu.memory_space<vmem>> -> memref<512xf32, #tpu.memory_space<vmem>>
      tpu.enqueue_dma source(%dma_start3A_239 : memref<512xf32, #tpu.memory_space<vmem>>) target(%dma_start3A_236 : memref<512xf32, #tpu.memory_space<hbm>>) target_semaphore(%arg7 : memref<!tpu.dma_semaphore, #tpu.memory_space<semaphore_mem>>)
      %slice3A_240 = vector.extract_strided_slice %get3A_63 {offsets = [11], sizes = [1], strides = [1]} : vector<16xi32> to vector<1xi32>
      %squeeze3A_241 = vector.extract %slice3A_240[0] : i32 from vector<1xi32>
      %add3A_242 = arith.constant 11 : i32
      %add3A_243 = arith.addi %add3A_66, %add3A_242 : i32
      %dma_start3A_244 = arith.constant 0 : i32
      %dma_start3A_245 = tpu.memref_slice %arg6[%squeeze3A_241, %dma_start3A_244] : memref<54x512xf32, #tpu.memory_space<vmem>> -> memref<1x512xf32, #tpu.memory_space<vmem>>
      %dma_start3A_246 = tpu.memref_squeeze %dma_start3A_245 : memref<1x512xf32, #tpu.memory_space<vmem>> -> memref<512xf32, #tpu.memory_space<vmem>>
      %dma_start3A_247 = arith.constant 0 : i32
      %dma_start3A_248 = tpu.memref_slice %arg4[%add3A_243, %dma_start3A_247] : memref<204800x512xf32, #tpu.memory_space<hbm>> -> memref<1x512xf32, #tpu.memory_space<hbm>>
      %dma_start3A_249 = tpu.memref_squeeze %dma_start3A_248 : memref<1x512xf32, #tpu.memory_space<hbm>> -> memref<512xf32, #tpu.memory_space<hbm>>
      %dma_start3A_250 = arith.constant 0 : i32
      %dma_start3A_251 = tpu.memref_slice %arg4[%add3A_243, %dma_start3A_250] : memref<204800x512xf32, #tpu.memory_space<hbm>> -> memref<1x512xf32, #tpu.memory_space<hbm>>
      %dma_start3A_252 = tpu.memref_squeeze %dma_start3A_251 : memref<1x512xf32, #tpu.memory_space<hbm>> -> memref<512xf32, #tpu.memory_space<hbm>>
      %dma_start3A_253 = arith.constant 0 : i32
      %dma_start3A_254 = tpu.memref_slice %arg6[%squeeze3A_241, %dma_start3A_253] : memref<54x512xf32, #tpu.memory_space<vmem>> -> memref<1x512xf32, #tpu.memory_space<vmem>>
      %dma_start3A_255 = tpu.memref_squeeze %dma_start3A_254 : memref<1x512xf32, #tpu.memory_space<vmem>> -> memref<512xf32, #tpu.memory_space<vmem>>
      tpu.enqueue_dma source(%dma_start3A_255 : memref<512xf32, #tpu.memory_space<vmem>>) target(%dma_start3A_252 : memref<512xf32, #tpu.memory_space<hbm>>) target_semaphore(%arg7 : memref<!tpu.dma_semaphore, #tpu.memory_space<semaphore_mem>>)
      %slice3A_256 = vector.extract_strided_slice %get3A_63 {offsets = [12], sizes = [1], strides = [1]} : vector<16xi32> to vector<1xi32>
      %squeeze3A_257 = vector.extract %slice3A_256[0] : i32 from vector<1xi32>
      %add3A_258 = arith.constant 12 : i32
      %add3A_259 = arith.addi %add3A_66, %add3A_258 : i32
      %dma_start3A_260 = arith.constant 0 : i32
      %dma_start3A_261 = tpu.memref_slice %arg6[%squeeze3A_257, %dma_start3A_260] : memref<54x512xf32, #tpu.memory_space<vmem>> -> memref<1x512xf32, #tpu.memory_space<vmem>>
      %dma_start3A_262 = tpu.memref_squeeze %dma_start3A_261 : memref<1x512xf32, #tpu.memory_space<vmem>> -> memref<512xf32, #tpu.memory_space<vmem>>
      %dma_start3A_263 = arith.constant 0 : i32
      %dma_start3A_264 = tpu.memref_slice %arg4[%add3A_259, %dma_start3A_263] : memref<204800x512xf32, #tpu.memory_space<hbm>> -> memref<1x512xf32, #tpu.memory_space<hbm>>
      %dma_start3A_265 = tpu.memref_squeeze %dma_start3A_264 : memref<1x512xf32, #tpu.memory_space<hbm>> -> memref<512xf32, #tpu.memory_space<hbm>>
      %dma_start3A_266 = arith.constant 0 : i32
      %dma_start3A_267 = tpu.memref_slice %arg4[%add3A_259, %dma_start3A_266] : memref<204800x512xf32, #tpu.memory_space<hbm>> -> memref<1x512xf32, #tpu.memory_space<hbm>>
      %dma_start3A_268 = tpu.memref_squeeze %dma_start3A_267 : memref<1x512xf32, #tpu.memory_space<hbm>> -> memref<512xf32, #tpu.memory_space<hbm>>
      %dma_start3A_269 = arith.constant 0 : i32
      %dma_start3A_270 = tpu.memref_slice %arg6[%squeeze3A_257, %dma_start3A_269] : memref<54x512xf32, #tpu.memory_space<vmem>> -> memref<1x512xf32, #tpu.memory_space<vmem>>
      %dma_start3A_271 = tpu.memref_squeeze %dma_start3A_270 : memref<1x512xf32, #tpu.memory_space<vmem>> -> memref<512xf32, #tpu.memory_space<vmem>>
      tpu.enqueue_dma source(%dma_start3A_271 : memref<512xf32, #tpu.memory_space<vmem>>) target(%dma_start3A_268 : memref<512xf32, #tpu.memory_space<hbm>>) target_semaphore(%arg7 : memref<!tpu.dma_semaphore, #tpu.memory_space<semaphore_mem>>)
      %slice3A_272 = vector.extract_strided_slice %get3A_63 {offsets = [13], sizes = [1], strides = [1]} : vector<16xi32> to vector<1xi32>
      %squeeze3A_273 = vector.extract %slice3A_272[0] : i32 from vector<1xi32>
      %add3A_274 = arith.constant 13 : i32
      %add3A_275 = arith.addi %add3A_66, %add3A_274 : i32
      %dma_start3A_276 = arith.constant 0 : i32
      %dma_start3A_277 = tpu.memref_slice %arg6[%squeeze3A_273, %dma_start3A_276] : memref<54x512xf32, #tpu.memory_space<vmem>> -> memref<1x512xf32, #tpu.memory_space<vmem>>
      %dma_start3A_278 = tpu.memref_squeeze %dma_start3A_277 : memref<1x512xf32, #tpu.memory_space<vmem>> -> memref<512xf32, #tpu.memory_space<vmem>>
      %dma_start3A_279 = arith.constant 0 : i32
      %dma_start3A_280 = tpu.memref_slice %arg4[%add3A_275, %dma_start3A_279] : memref<204800x512xf32, #tpu.memory_space<hbm>> -> memref<1x512xf32, #tpu.memory_space<hbm>>
      %dma_start3A_281 = tpu.memref_squeeze %dma_start3A_280 : memref<1x512xf32, #tpu.memory_space<hbm>> -> memref<512xf32, #tpu.memory_space<hbm>>
      %dma_start3A_282 = arith.constant 0 : i32
      %dma_start3A_283 = tpu.memref_slice %arg4[%add3A_275, %dma_start3A_282] : memref<204800x512xf32, #tpu.memory_space<hbm>> -> memref<1x512xf32, #tpu.memory_space<hbm>>
      %dma_start3A_284 = tpu.memref_squeeze %dma_start3A_283 : memref<1x512xf32, #tpu.memory_space<hbm>> -> memref<512xf32, #tpu.memory_space<hbm>>
      %dma_start3A_285 = arith.constant 0 : i32
      %dma_start3A_286 = tpu.memref_slice %arg6[%squeeze3A_273, %dma_start3A_285] : memref<54x512xf32, #tpu.memory_space<vmem>> -> memref<1x512xf32, #tpu.memory_space<vmem>>
      %dma_start3A_287 = tpu.memref_squeeze %dma_start3A_286 : memref<1x512xf32, #tpu.memory_space<vmem>> -> memref<512xf32, #tpu.memory_space<vmem>>
      tpu.enqueue_dma source(%dma_start3A_287 : memref<512xf32, #tpu.memory_space<vmem>>) target(%dma_start3A_284 : memref<512xf32, #tpu.memory_space<hbm>>) target_semaphore(%arg7 : memref<!tpu.dma_semaphore, #tpu.memory_space<semaphore_mem>>)
      %slice3A_288 = vector.extract_strided_slice %get3A_63 {offsets = [14], sizes = [1], strides = [1]} : vector<16xi32> to vector<1xi32>
      %squeeze3A_289 = vector.extract %slice3A_288[0] : i32 from vector<1xi32>
      %add3A_290 = arith.constant 14 : i32
      %add3A_291 = arith.addi %add3A_66, %add3A_290 : i32
      %dma_start3A_292 = arith.constant 0 : i32
      %dma_start3A_293 = tpu.memref_slice %arg6[%squeeze3A_289, %dma_start3A_292] : memref<54x512xf32, #tpu.memory_space<vmem>> -> memref<1x512xf32, #tpu.memory_space<vmem>>
      %dma_start3A_294 = tpu.memref_squeeze %dma_start3A_293 : memref<1x512xf32, #tpu.memory_space<vmem>> -> memref<512xf32, #tpu.memory_space<vmem>>
      %dma_start3A_295 = arith.constant 0 : i32
      %dma_start3A_296 = tpu.memref_slice %arg4[%add3A_291, %dma_start3A_295] : memref<204800x512xf32, #tpu.memory_space<hbm>> -> memref<1x512xf32, #tpu.memory_space<hbm>>
      %dma_start3A_297 = tpu.memref_squeeze %dma_start3A_296 : memref<1x512xf32, #tpu.memory_space<hbm>> -> memref<512xf32, #tpu.memory_space<hbm>>
      %dma_start3A_298 = arith.constant 0 : i32
      %dma_start3A_299 = tpu.memref_slice %arg4[%add3A_291, %dma_start3A_298] : memref<204800x512xf32, #tpu.memory_space<hbm>> -> memref<1x512xf32, #tpu.memory_space<hbm>>
      %dma_start3A_300 = tpu.memref_squeeze %dma_start3A_299 : memref<1x512xf32, #tpu.memory_space<hbm>> -> memref<512xf32, #tpu.memory_space<hbm>>
      %dma_start3A_301 = arith.constant 0 : i32
      %dma_start3A_302 = tpu.memref_slice %arg6[%squeeze3A_289, %dma_start3A_301] : memref<54x512xf32, #tpu.memory_space<vmem>> -> memref<1x512xf32, #tpu.memory_space<vmem>>
      %dma_start3A_303 = tpu.memref_squeeze %dma_start3A_302 : memref<1x512xf32, #tpu.memory_space<vmem>> -> memref<512xf32, #tpu.memory_space<vmem>>
      tpu.enqueue_dma source(%dma_start3A_303 : memref<512xf32, #tpu.memory_space<vmem>>) target(%dma_start3A_300 : memref<512xf32, #tpu.memory_space<hbm>>) target_semaphore(%arg7 : memref<!tpu.dma_semaphore, #tpu.memory_space<semaphore_mem>>)
      %slice3A_304 = vector.extract_strided_slice %get3A_63 {offsets = [15], sizes = [1], strides = [1]} : vector<16xi32> to vector<1xi32>
      %squeeze3A_305 = vector.extract %slice3A_304[0] : i32 from vector<1xi32>
      %add3A_306 = arith.constant 15 : i32
      %add3A_307 = arith.addi %add3A_66, %add3A_306 : i32
      %dma_start3A_308 = arith.constant 0 : i32
      %dma_start3A_309 = tpu.memref_slice %arg6[%squeeze3A_305, %dma_start3A_308] : memref<54x512xf32, #tpu.memory_space<vmem>> -> memref<1x512xf32, #tpu.memory_space<vmem>>
      %dma_start3A_310 = tpu.memref_squeeze %dma_start3A_309 : memref<1x512xf32, #tpu.memory_space<vmem>> -> memref<512xf32, #tpu.memory_space<vmem>>
      %dma_start3A_311 = arith.constant 0 : i32
      %dma_start3A_312 = tpu.memref_slice %arg4[%add3A_307, %dma_start3A_311] : memref<204800x512xf32, #tpu.memory_space<hbm>> -> memref<1x512xf32, #tpu.memory_space<hbm>>
      %dma_start3A_313 = tpu.memref_squeeze %dma_start3A_312 : memref<1x512xf32, #tpu.memory_space<hbm>> -> memref<512xf32, #tpu.memory_space<hbm>>
      %dma_start3A_314 = arith.constant 0 : i32
      %dma_start3A_315 = tpu.memref_slice %arg4[%add3A_307, %dma_start3A_314] : memref<204800x512xf32, #tpu.memory_space<hbm>> -> memref<1x512xf32, #tpu.memory_space<hbm>>
      %dma_start3A_316 = tpu.memref_squeeze %dma_start3A_315 : memref<1x512xf32, #tpu.memory_space<hbm>> -> memref<512xf32, #tpu.memory_space<hbm>>
      %dma_start3A_317 = arith.constant 0 : i32
      %dma_start3A_318 = tpu.memref_slice %arg6[%squeeze3A_305, %dma_start3A_317] : memref<54x512xf32, #tpu.memory_space<vmem>> -> memref<1x512xf32, #tpu.memory_space<vmem>>
      %dma_start3A_319 = tpu.memref_squeeze %dma_start3A_318 : memref<1x512xf32, #tpu.memory_space<vmem>> -> memref<512xf32, #tpu.memory_space<vmem>>
      tpu.enqueue_dma source(%dma_start3A_319 : memref<512xf32, #tpu.memory_space<vmem>>) target(%dma_start3A_316 : memref<512xf32, #tpu.memory_space<hbm>>) target_semaphore(%arg7 : memref<!tpu.dma_semaphore, #tpu.memory_space<semaphore_mem>>)
      %mul3A_320 = arith.constant 4 : i32
      %mul3A_321 = arith.muli %scan3A_53, %mul3A_320 : i32
      %add3A_322 = arith.constant 1 : i32
      %add3A_323 = arith.addi %mul3A_321, %add3A_322 : i32
      %gt3A_324 = arith.constant 0 : i32
      %gt3A_325 = arith.cmpi sgt, %scan3A_53, %gt3A_324 : i32
      %convert_element_type3A_326 = arith.extui %gt3A_325 : i1 to i32
      %cond3A_327 = arith.constant 0 : i32
      %cond3A_328 = arith.cmpi ne, %convert_element_type3A_326, %cond3A_327 : i32
      scf.if %cond3A_328 {
        %dma_wait3A_1139 = arith.constant 0 : i32
        %dma_wait3A_1140 = arith.constant 0 : i32
        %dma_wait3A_1141 = tpu.memref_slice %arg6[%dma_wait3A_1139, %dma_wait3A_1140] : memref<54x512xf32, #tpu.memory_space<vmem>> -> memref<16x512xf32, #tpu.memory_space<vmem>>
        %dma_wait3A_1142 = arith.constant 0 : i32
        %dma_wait3A_1143 = tpu.memref_slice %arg4[%mul3A_2, %dma_wait3A_1142] : memref<204800x512xf32, #tpu.memory_space<hbm>> -> memref<16x512xf32, #tpu.memory_space<hbm>>
        %dma_wait3A_1144 = arith.constant 0 : i32
        %dma_wait3A_1145 = tpu.memref_slice %arg4[%mul3A_2, %dma_wait3A_1144] : memref<204800x512xf32, #tpu.memory_space<hbm>> -> memref<16x512xf32, #tpu.memory_space<hbm>>
        %dma_wait3A_1146 = arith.constant 0 : i32
        %dma_wait3A_1147 = arith.constant 0 : i32
        %dma_wait3A_1148 = tpu.memref_slice %arg6[%dma_wait3A_1146, %dma_wait3A_1147] : memref<54x512xf32, #tpu.memory_space<vmem>> -> memref<16x512xf32, #tpu.memory_space<vmem>>
        tpu.wait_dma2 semaphore(%arg8 : memref<!tpu.dma_semaphore, #tpu.memory_space<semaphore_mem>>) src(%dma_wait3A_1148 : memref<16x512xf32, #tpu.memory_space<vmem>>) dst(%dma_wait3A_1145 : memref<16x512xf32, #tpu.memory_space<hbm>>)
      } else {
      }
      %mul3A_329 = arith.constant 16 : i32
      %mul3A_330 = arith.muli %add3A_323, %mul3A_329 : i32
      %get3A_331 = arith.index_cast %mul3A_330 : i32 to index
      %get3A_332 = tpu.vector_load %arg5[%get3A_331] {strides = array<i32>} : memref<6400xi32, #tpu.memory_space<vmem>>, vector<16xi32>,
      %get3A_333 = vector.shape_cast %get3A_332 : vector<16xi32> to vector<16xi32>
      %mul3A_334 = arith.constant 16 : i32
      %mul3A_335 = arith.muli %add3A_323, %mul3A_334 : i32
      %add3A_336 = arith.addi %mul3A_2, %mul3A_335 : i32
      %slice3A_337 = vector.extract_strided_slice %get3A_333 {offsets = [0], sizes = [1], strides = [1]} : vector<16xi32> to vector<1xi32>
      %squeeze3A_338 = vector.extract %slice3A_337[0] : i32 from vector<1xi32>
      %add3A_339 = arith.constant 0 : i32
      %add3A_340 = arith.addi %add3A_336, %add3A_339 : i32
      %dma_start3A_341 = arith.constant 0 : i32
      %dma_start3A_342 = tpu.memref_slice %arg6[%squeeze3A_338, %dma_start3A_341] : memref<54x512xf32, #tpu.memory_space<vmem>> -> memref<1x512xf32, #tpu.memory_space<vmem>>
      %dma_start3A_343 = tpu.memref_squeeze %dma_start3A_342 : memref<1x512xf32, #tpu.memory_space<vmem>> -> memref<512xf32, #tpu.memory_space<vmem>>
      %dma_start3A_344 = arith.constant 0 : i32
      %dma_start3A_345 = tpu.memref_slice %arg4[%add3A_340, %dma_start3A_344] : memref<204800x512xf32, #tpu.memory_space<hbm>> -> memref<1x512xf32, #tpu.memory_space<hbm>>
      %dma_start3A_346 = tpu.memref_squeeze %dma_start3A_345 : memref<1x512xf32, #tpu.memory_space<hbm>> -> memref<512xf32, #tpu.memory_space<hbm>>
      %dma_start3A_347 = arith.constant 0 : i32
      %dma_start3A_348 = tpu.memref_slice %arg4[%add3A_340, %dma_start3A_347] : memref<204800x512xf32, #tpu.memory_space<hbm>> -> memref<1x512xf32, #tpu.memory_space<hbm>>
      %dma_start3A_349 = tpu.memref_squeeze %dma_start3A_348 : memref<1x512xf32, #tpu.memory_space<hbm>> -> memref<512xf32, #tpu.memory_space<hbm>>
      %dma_start3A_350 = arith.constant 0 : i32
      %dma_start3A_351 = tpu.memref_slice %arg6[%squeeze3A_338, %dma_start3A_350] : memref<54x512xf32, #tpu.memory_space<vmem>> -> memref<1x512xf32, #tpu.memory_space<vmem>>
      %dma_start3A_352 = tpu.memref_squeeze %dma_start3A_351 : memref<1x512xf32, #tpu.memory_space<vmem>> -> memref<512xf32, #tpu.memory_space<vmem>>
      tpu.enqueue_dma source(%dma_start3A_352 : memref<512xf32, #tpu.memory_space<vmem>>) target(%dma_start3A_349 : memref<512xf32, #tpu.memory_space<hbm>>) target_semaphore(%arg8 : memref<!tpu.dma_semaphore, #tpu.memory_space<semaphore_mem>>)
      %slice3A_353 = vector.extract_strided_slice %get3A_333 {offsets = [1], sizes = [1], strides = [1]} : vector<16xi32> to vector<1xi32>
      %squeeze3A_354 = vector.extract %slice3A_353[0] : i32 from vector<1xi32>
      %add3A_355 = arith.constant 1 : i32
      %add3A_356 = arith.addi %add3A_336, %add3A_355 : i32
      %dma_start3A_357 = arith.constant 0 : i32
      %dma_start3A_358 = tpu.memref_slice %arg6[%squeeze3A_354, %dma_start3A_357] : memref<54x512xf32, #tpu.memory_space<vmem>> -> memref<1x512xf32, #tpu.memory_space<vmem>>
      %dma_start3A_359 = tpu.memref_squeeze %dma_start3A_358 : memref<1x512xf32, #tpu.memory_space<vmem>> -> memref<512xf32, #tpu.memory_space<vmem>>
      %dma_start3A_360 = arith.constant 0 : i32
      %dma_start3A_361 = tpu.memref_slice %arg4[%add3A_356, %dma_start3A_360] : memref<204800x512xf32, #tpu.memory_space<hbm>> -> memref<1x512xf32, #tpu.memory_space<hbm>>
      %dma_start3A_362 = tpu.memref_squeeze %dma_start3A_361 : memref<1x512xf32, #tpu.memory_space<hbm>> -> memref<512xf32, #tpu.memory_space<hbm>>
      %dma_start3A_363 = arith.constant 0 : i32
      %dma_start3A_364 = tpu.memref_slice %arg4[%add3A_356, %dma_start3A_363] : memref<204800x512xf32, #tpu.memory_space<hbm>> -> memref<1x512xf32, #tpu.memory_space<hbm>>
      %dma_start3A_365 = tpu.memref_squeeze %dma_start3A_364 : memref<1x512xf32, #tpu.memory_space<hbm>> -> memref<512xf32, #tpu.memory_space<hbm>>
      %dma_start3A_366 = arith.constant 0 : i32
      %dma_start3A_367 = tpu.memref_slice %arg6[%squeeze3A_354, %dma_start3A_366] : memref<54x512xf32, #tpu.memory_space<vmem>> -> memref<1x512xf32, #tpu.memory_space<vmem>>
      %dma_start3A_368 = tpu.memref_squeeze %dma_start3A_367 : memref<1x512xf32, #tpu.memory_space<vmem>> -> memref<512xf32, #tpu.memory_space<vmem>>
      tpu.enqueue_dma source(%dma_start3A_368 : memref<512xf32, #tpu.memory_space<vmem>>) target(%dma_start3A_365 : memref<512xf32, #tpu.memory_space<hbm>>) target_semaphore(%arg8 : memref<!tpu.dma_semaphore, #tpu.memory_space<semaphore_mem>>)
      %slice3A_369 = vector.extract_strided_slice %get3A_333 {offsets = [2], sizes = [1], strides = [1]} : vector<16xi32> to vector<1xi32>
      %squeeze3A_370 = vector.extract %slice3A_369[0] : i32 from vector<1xi32>
      %add3A_371 = arith.constant 2 : i32
      %add3A_372 = arith.addi %add3A_336, %add3A_371 : i32
      %dma_start3A_373 = arith.constant 0 : i32
      %dma_start3A_374 = tpu.memref_slice %arg6[%squeeze3A_370, %dma_start3A_373] : memref<54x512xf32, #tpu.memory_space<vmem>> -> memref<1x512xf32, #tpu.memory_space<vmem>>
      %dma_start3A_375 = tpu.memref_squeeze %dma_start3A_374 : memref<1x512xf32, #tpu.memory_space<vmem>> -> memref<512xf32, #tpu.memory_space<vmem>>
      %dma_start3A_376 = arith.constant 0 : i32
      %dma_start3A_377 = tpu.memref_slice %arg4[%add3A_372, %dma_start3A_376] : memref<204800x512xf32, #tpu.memory_space<hbm>> -> memref<1x512xf32, #tpu.memory_space<hbm>>
      %dma_start3A_378 = tpu.memref_squeeze %dma_start3A_377 : memref<1x512xf32, #tpu.memory_space<hbm>> -> memref<512xf32, #tpu.memory_space<hbm>>
      %dma_start3A_379 = arith.constant 0 : i32
      %dma_start3A_380 = tpu.memref_slice %arg4[%add3A_372, %dma_start3A_379] : memref<204800x512xf32, #tpu.memory_space<hbm>> -> memref<1x512xf32, #tpu.memory_space<hbm>>
      %dma_start3A_381 = tpu.memref_squeeze %dma_start3A_380 : memref<1x512xf32, #tpu.memory_space<hbm>> -> memref<512xf32, #tpu.memory_space<hbm>>
      %dma_start3A_382 = arith.constant 0 : i32
      %dma_start3A_383 = tpu.memref_slice %arg6[%squeeze3A_370, %dma_start3A_382] : memref<54x512xf32, #tpu.memory_space<vmem>> -> memref<1x512xf32, #tpu.memory_space<vmem>>
      %dma_start3A_384 = tpu.memref_squeeze %dma_start3A_383 : memref<1x512xf32, #tpu.memory_space<vmem>> -> memref<512xf32, #tpu.memory_space<vmem>>
      tpu.enqueue_dma source(%dma_start3A_384 : memref<512xf32, #tpu.memory_space<vmem>>) target(%dma_start3A_381 : memref<512xf32, #tpu.memory_space<hbm>>) target_semaphore(%arg8 : memref<!tpu.dma_semaphore, #tpu.memory_space<semaphore_mem>>)
      %slice3A_385 = vector.extract_strided_slice %get3A_333 {offsets = [3], sizes = [1], strides = [1]} : vector<16xi32> to vector<1xi32>
      %squeeze3A_386 = vector.extract %slice3A_385[0] : i32 from vector<1xi32>
      %add3A_387 = arith.constant 3 : i32
      %add3A_388 = arith.addi %add3A_336, %add3A_387 : i32
      %dma_start3A_389 = arith.constant 0 : i32
      %dma_start3A_390 = tpu.memref_slice %arg6[%squeeze3A_386, %dma_start3A_389] : memref<54x512xf32, #tpu.memory_space<vmem>> -> memref<1x512xf32, #tpu.memory_space<vmem>>
      %dma_start3A_391 = tpu.memref_squeeze %dma_start3A_390 : memref<1x512xf32, #tpu.memory_space<vmem>> -> memref<512xf32, #tpu.memory_space<vmem>>
      %dma_start3A_392 = arith.constant 0 : i32
      %dma_start3A_393 = tpu.memref_slice %arg4[%add3A_388, %dma_start3A_392] : memref<204800x512xf32, #tpu.memory_space<hbm>> -> memref<1x512xf32, #tpu.memory_space<hbm>>
      %dma_start3A_394 = tpu.memref_squeeze %dma_start3A_393 : memref<1x512xf32, #tpu.memory_space<hbm>> -> memref<512xf32, #tpu.memory_space<hbm>>
      %dma_start3A_395 = arith.constant 0 : i32
      %dma_start3A_396 = tpu.memref_slice %arg4[%add3A_388, %dma_start3A_395] : memref<204800x512xf32, #tpu.memory_space<hbm>> -> memref<1x512xf32, #tpu.memory_space<hbm>>
      %dma_start3A_397 = tpu.memref_squeeze %dma_start3A_396 : memref<1x512xf32, #tpu.memory_space<hbm>> -> memref<512xf32, #tpu.memory_space<hbm>>
      %dma_start3A_398 = arith.constant 0 : i32
      %dma_start3A_399 = tpu.memref_slice %arg6[%squeeze3A_386, %dma_start3A_398] : memref<54x512xf32, #tpu.memory_space<vmem>> -> memref<1x512xf32, #tpu.memory_space<vmem>>
      %dma_start3A_400 = tpu.memref_squeeze %dma_start3A_399 : memref<1x512xf32, #tpu.memory_space<vmem>> -> memref<512xf32, #tpu.memory_space<vmem>>
      tpu.enqueue_dma source(%dma_start3A_400 : memref<512xf32, #tpu.memory_space<vmem>>) target(%dma_start3A_397 : memref<512xf32, #tpu.memory_space<hbm>>) target_semaphore(%arg8 : memref<!tpu.dma_semaphore, #tpu.memory_space<semaphore_mem>>)
      %slice3A_401 = vector.extract_strided_slice %get3A_333 {offsets = [4], sizes = [1], strides = [1]} : vector<16xi32> to vector<1xi32>
      %squeeze3A_402 = vector.extract %slice3A_401[0] : i32 from vector<1xi32>
      %add3A_403 = arith.constant 4 : i32
      %add3A_404 = arith.addi %add3A_336, %add3A_403 : i32
      %dma_start3A_405 = arith.constant 0 : i32
      %dma_start3A_406 = tpu.memref_slice %arg6[%squeeze3A_402, %dma_start3A_405] : memref<54x512xf32, #tpu.memory_space<vmem>> -> memref<1x512xf32, #tpu.memory_space<vmem>>
      %dma_start3A_407 = tpu.memref_squeeze %dma_start3A_406 : memref<1x512xf32, #tpu.memory_space<vmem>> -> memref<512xf32, #tpu.memory_space<vmem>>
      %dma_start3A_408 = arith.constant 0 : i32
      %dma_start3A_409 = tpu.memref_slice %arg4[%add3A_404, %dma_start3A_408] : memref<204800x512xf32, #tpu.memory_space<hbm>> -> memref<1x512xf32, #tpu.memory_space<hbm>>
      %dma_start3A_410 = tpu.memref_squeeze %dma_start3A_409 : memref<1x512xf32, #tpu.memory_space<hbm>> -> memref<512xf32, #tpu.memory_space<hbm>>
      %dma_start3A_411 = arith.constant 0 : i32
      %dma_start3A_412 = tpu.memref_slice %arg4[%add3A_404, %dma_start3A_411] : memref<204800x512xf32, #tpu.memory_space<hbm>> -> memref<1x512xf32, #tpu.memory_space<hbm>>
      %dma_start3A_413 = tpu.memref_squeeze %dma_start3A_412 : memref<1x512xf32, #tpu.memory_space<hbm>> -> memref<512xf32, #tpu.memory_space<hbm>>
      %dma_start3A_414 = arith.constant 0 : i32
      %dma_start3A_415 = tpu.memref_slice %arg6[%squeeze3A_402, %dma_start3A_414] : memref<54x512xf32, #tpu.memory_space<vmem>> -> memref<1x512xf32, #tpu.memory_space<vmem>>
      %dma_start3A_416 = tpu.memref_squeeze %dma_start3A_415 : memref<1x512xf32, #tpu.memory_space<vmem>> -> memref<512xf32, #tpu.memory_space<vmem>>
      tpu.enqueue_dma source(%dma_start3A_416 : memref<512xf32, #tpu.memory_space<vmem>>) target(%dma_start3A_413 : memref<512xf32, #tpu.memory_space<hbm>>) target_semaphore(%arg8 : memref<!tpu.dma_semaphore, #tpu.memory_space<semaphore_mem>>)
      %slice3A_417 = vector.extract_strided_slice %get3A_333 {offsets = [5], sizes = [1], strides = [1]} : vector<16xi32> to vector<1xi32>
      %squeeze3A_418 = vector.extract %slice3A_417[0] : i32 from vector<1xi32>
      %add3A_419 = arith.constant 5 : i32
      %add3A_420 = arith.addi %add3A_336, %add3A_419 : i32
      %dma_start3A_421 = arith.constant 0 : i32
      %dma_start3A_422 = tpu.memref_slice %arg6[%squeeze3A_418, %dma_start3A_421] : memref<54x512xf32, #tpu.memory_space<vmem>> -> memref<1x512xf32, #tpu.memory_space<vmem>>
      %dma_start3A_423 = tpu.memref_squeeze %dma_start3A_422 : memref<1x512xf32, #tpu.memory_space<vmem>> -> memref<512xf32, #tpu.memory_space<vmem>>
      %dma_start3A_424 = arith.constant 0 : i32
      %dma_start3A_425 = tpu.memref_slice %arg4[%add3A_420, %dma_start3A_424] : memref<204800x512xf32, #tpu.memory_space<hbm>> -> memref<1x512xf32, #tpu.memory_space<hbm>>
      %dma_start3A_426 = tpu.memref_squeeze %dma_start3A_425 : memref<1x512xf32, #tpu.memory_space<hbm>> -> memref<512xf32, #tpu.memory_space<hbm>>
      %dma_start3A_427 = arith.constant 0 : i32
      %dma_start3A_428 = tpu.memref_slice %arg4[%add3A_420, %dma_start3A_427] : memref<204800x512xf32, #tpu.memory_space<hbm>> -> memref<1x512xf32, #tpu.memory_space<hbm>>
      %dma_start3A_429 = tpu.memref_squeeze %dma_start3A_428 : memref<1x512xf32, #tpu.memory_space<hbm>> -> memref<512xf32, #tpu.memory_space<hbm>>
      %dma_start3A_430 = arith.constant 0 : i32
      %dma_start3A_431 = tpu.memref_slice %arg6[%squeeze3A_418, %dma_start3A_430] : memref<54x512xf32, #tpu.memory_space<vmem>> -> memref<1x512xf32, #tpu.memory_space<vmem>>
      %dma_start3A_432 = tpu.memref_squeeze %dma_start3A_431 : memref<1x512xf32, #tpu.memory_space<vmem>> -> memref<512xf32, #tpu.memory_space<vmem>>
      tpu.enqueue_dma source(%dma_start3A_432 : memref<512xf32, #tpu.memory_space<vmem>>) target(%dma_start3A_429 : memref<512xf32, #tpu.memory_space<hbm>>) target_semaphore(%arg8 : memref<!tpu.dma_semaphore, #tpu.memory_space<semaphore_mem>>)
      %slice3A_433 = vector.extract_strided_slice %get3A_333 {offsets = [6], sizes = [1], strides = [1]} : vector<16xi32> to vector<1xi32>
      %squeeze3A_434 = vector.extract %slice3A_433[0] : i32 from vector<1xi32>
      %add3A_435 = arith.constant 6 : i32
      %add3A_436 = arith.addi %add3A_336, %add3A_435 : i32
      %dma_start3A_437 = arith.constant 0 : i32
      %dma_start3A_438 = tpu.memref_slice %arg6[%squeeze3A_434, %dma_start3A_437] : memref<54x512xf32, #tpu.memory_space<vmem>> -> memref<1x512xf32, #tpu.memory_space<vmem>>
      %dma_start3A_439 = tpu.memref_squeeze %dma_start3A_438 : memref<1x512xf32, #tpu.memory_space<vmem>> -> memref<512xf32, #tpu.memory_space<vmem>>
      %dma_start3A_440 = arith.constant 0 : i32
      %dma_start3A_441 = tpu.memref_slice %arg4[%add3A_436, %dma_start3A_440] : memref<204800x512xf32, #tpu.memory_space<hbm>> -> memref<1x512xf32, #tpu.memory_space<hbm>>
      %dma_start3A_442 = tpu.memref_squeeze %dma_start3A_441 : memref<1x512xf32, #tpu.memory_space<hbm>> -> memref<512xf32, #tpu.memory_space<hbm>>
      %dma_start3A_443 = arith.constant 0 : i32
      %dma_start3A_444 = tpu.memref_slice %arg4[%add3A_436, %dma_start3A_443] : memref<204800x512xf32, #tpu.memory_space<hbm>> -> memref<1x512xf32, #tpu.memory_space<hbm>>
      %dma_start3A_445 = tpu.memref_squeeze %dma_start3A_444 : memref<1x512xf32, #tpu.memory_space<hbm>> -> memref<512xf32, #tpu.memory_space<hbm>>
      %dma_start3A_446 = arith.constant 0 : i32
      %dma_start3A_447 = tpu.memref_slice %arg6[%squeeze3A_434, %dma_start3A_446] : memref<54x512xf32, #tpu.memory_space<vmem>> -> memref<1x512xf32, #tpu.memory_space<vmem>>
      %dma_start3A_448 = tpu.memref_squeeze %dma_start3A_447 : memref<1x512xf32, #tpu.memory_space<vmem>> -> memref<512xf32, #tpu.memory_space<vmem>>
      tpu.enqueue_dma source(%dma_start3A_448 : memref<512xf32, #tpu.memory_space<vmem>>) target(%dma_start3A_445 : memref<512xf32, #tpu.memory_space<hbm>>) target_semaphore(%arg8 : memref<!tpu.dma_semaphore, #tpu.memory_space<semaphore_mem>>)
      %slice3A_449 = vector.extract_strided_slice %get3A_333 {offsets = [7], sizes = [1], strides = [1]} : vector<16xi32> to vector<1xi32>
      %squeeze3A_450 = vector.extract %slice3A_449[0] : i32 from vector<1xi32>
      %add3A_451 = arith.constant 7 : i32
      %add3A_452 = arith.addi %add3A_336, %add3A_451 : i32
      %dma_start3A_453 = arith.constant 0 : i32
      %dma_start3A_454 = tpu.memref_slice %arg6[%squeeze3A_450, %dma_start3A_453] : memref<54x512xf32, #tpu.memory_space<vmem>> -> memref<1x512xf32, #tpu.memory_space<vmem>>
      %dma_start3A_455 = tpu.memref_squeeze %dma_start3A_454 : memref<1x512xf32, #tpu.memory_space<vmem>> -> memref<512xf32, #tpu.memory_space<vmem>>
      %dma_start3A_456 = arith.constant 0 : i32
      %dma_start3A_457 = tpu.memref_slice %arg4[%add3A_452, %dma_start3A_456] : memref<204800x512xf32, #tpu.memory_space<hbm>> -> memref<1x512xf32, #tpu.memory_space<hbm>>
      %dma_start3A_458 = tpu.memref_squeeze %dma_start3A_457 : memref<1x512xf32, #tpu.memory_space<hbm>> -> memref<512xf32, #tpu.memory_space<hbm>>
      %dma_start3A_459 = arith.constant 0 : i32
      %dma_start3A_460 = tpu.memref_slice %arg4[%add3A_452, %dma_start3A_459] : memref<204800x512xf32, #tpu.memory_space<hbm>> -> memref<1x512xf32, #tpu.memory_space<hbm>>
      %dma_start3A_461 = tpu.memref_squeeze %dma_start3A_460 : memref<1x512xf32, #tpu.memory_space<hbm>> -> memref<512xf32, #tpu.memory_space<hbm>>
      %dma_start3A_462 = arith.constant 0 : i32
      %dma_start3A_463 = tpu.memref_slice %arg6[%squeeze3A_450, %dma_start3A_462] : memref<54x512xf32, #tpu.memory_space<vmem>> -> memref<1x512xf32, #tpu.memory_space<vmem>>
      %dma_start3A_464 = tpu.memref_squeeze %dma_start3A_463 : memref<1x512xf32, #tpu.memory_space<vmem>> -> memref<512xf32, #tpu.memory_space<vmem>>
      tpu.enqueue_dma source(%dma_start3A_464 : memref<512xf32, #tpu.memory_space<vmem>>) target(%dma_start3A_461 : memref<512xf32, #tpu.memory_space<hbm>>) target_semaphore(%arg8 : memref<!tpu.dma_semaphore, #tpu.memory_space<semaphore_mem>>)
      %slice3A_465 = vector.extract_strided_slice %get3A_333 {offsets = [8], sizes = [1], strides = [1]} : vector<16xi32> to vector<1xi32>
      %squeeze3A_466 = vector.extract %slice3A_465[0] : i32 from vector<1xi32>
      %add3A_467 = arith.constant 8 : i32
      %add3A_468 = arith.addi %add3A_336, %add3A_467 : i32
      %dma_start3A_469 = arith.constant 0 : i32
      %dma_start3A_470 = tpu.memref_slice %arg6[%squeeze3A_466, %dma_start3A_469] : memref<54x512xf32, #tpu.memory_space<vmem>> -> memref<1x512xf32, #tpu.memory_space<vmem>>
      %dma_start3A_471 = tpu.memref_squeeze %dma_start3A_470 : memref<1x512xf32, #tpu.memory_space<vmem>> -> memref<512xf32, #tpu.memory_space<vmem>>
      %dma_start3A_472 = arith.constant 0 : i32
      %dma_start3A_473 = tpu.memref_slice %arg4[%add3A_468, %dma_start3A_472] : memref<204800x512xf32, #tpu.memory_space<hbm>> -> memref<1x512xf32, #tpu.memory_space<hbm>>
      %dma_start3A_474 = tpu.memref_squeeze %dma_start3A_473 : memref<1x512xf32, #tpu.memory_space<hbm>> -> memref<512xf32, #tpu.memory_space<hbm>>
      %dma_start3A_475 = arith.constant 0 : i32
      %dma_start3A_476 = tpu.memref_slice %arg4[%add3A_468, %dma_start3A_475] : memref<204800x512xf32, #tpu.memory_space<hbm>> -> memref<1x512xf32, #tpu.memory_space<hbm>>
      %dma_start3A_477 = tpu.memref_squeeze %dma_start3A_476 : memref<1x512xf32, #tpu.memory_space<hbm>> -> memref<512xf32, #tpu.memory_space<hbm>>
      %dma_start3A_478 = arith.constant 0 : i32
      %dma_start3A_479 = tpu.memref_slice %arg6[%squeeze3A_466, %dma_start3A_478] : memref<54x512xf32, #tpu.memory_space<vmem>> -> memref<1x512xf32, #tpu.memory_space<vmem>>
      %dma_start3A_480 = tpu.memref_squeeze %dma_start3A_479 : memref<1x512xf32, #tpu.memory_space<vmem>> -> memref<512xf32, #tpu.memory_space<vmem>>
      tpu.enqueue_dma source(%dma_start3A_480 : memref<512xf32, #tpu.memory_space<vmem>>) target(%dma_start3A_477 : memref<512xf32, #tpu.memory_space<hbm>>) target_semaphore(%arg8 : memref<!tpu.dma_semaphore, #tpu.memory_space<semaphore_mem>>)
      %slice3A_481 = vector.extract_strided_slice %get3A_333 {offsets = [9], sizes = [1], strides = [1]} : vector<16xi32> to vector<1xi32>
      %squeeze3A_482 = vector.extract %slice3A_481[0] : i32 from vector<1xi32>
      %add3A_483 = arith.constant 9 : i32
      %add3A_484 = arith.addi %add3A_336, %add3A_483 : i32
      %dma_start3A_485 = arith.constant 0 : i32
      %dma_start3A_486 = tpu.memref_slice %arg6[%squeeze3A_482, %dma_start3A_485] : memref<54x512xf32, #tpu.memory_space<vmem>> -> memref<1x512xf32, #tpu.memory_space<vmem>>
      %dma_start3A_487 = tpu.memref_squeeze %dma_start3A_486 : memref<1x512xf32, #tpu.memory_space<vmem>> -> memref<512xf32, #tpu.memory_space<vmem>>
      %dma_start3A_488 = arith.constant 0 : i32
      %dma_start3A_489 = tpu.memref_slice %arg4[%add3A_484, %dma_start3A_488] : memref<204800x512xf32, #tpu.memory_space<hbm>> -> memref<1x512xf32, #tpu.memory_space<hbm>>
      %dma_start3A_490 = tpu.memref_squeeze %dma_start3A_489 : memref<1x512xf32, #tpu.memory_space<hbm>> -> memref<512xf32, #tpu.memory_space<hbm>>
      %dma_start3A_491 = arith.constant 0 : i32
      %dma_start3A_492 = tpu.memref_slice %arg4[%add3A_484, %dma_start3A_491] : memref<204800x512xf32, #tpu.memory_space<hbm>> -> memref<1x512xf32, #tpu.memory_space<hbm>>
      %dma_start3A_493 = tpu.memref_squeeze %dma_start3A_492 : memref<1x512xf32, #tpu.memory_space<hbm>> -> memref<512xf32, #tpu.memory_space<hbm>>
      %dma_start3A_494 = arith.constant 0 : i32
      %dma_start3A_495 = tpu.memref_slice %arg6[%squeeze3A_482, %dma_start3A_494] : memref<54x512xf32, #tpu.memory_space<vmem>> -> memref<1x512xf32, #tpu.memory_space<vmem>>
      %dma_start3A_496 = tpu.memref_squeeze %dma_start3A_495 : memref<1x512xf32, #tpu.memory_space<vmem>> -> memref<512xf32, #tpu.memory_space<vmem>>
      tpu.enqueue_dma source(%dma_start3A_496 : memref<512xf32, #tpu.memory_space<vmem>>) target(%dma_start3A_493 : memref<512xf32, #tpu.memory_space<hbm>>) target_semaphore(%arg8 : memref<!tpu.dma_semaphore, #tpu.memory_space<semaphore_mem>>)
      %slice3A_497 = vector.extract_strided_slice %get3A_333 {offsets = [10], sizes = [1], strides = [1]} : vector<16xi32> to vector<1xi32>
      %squeeze3A_498 = vector.extract %slice3A_497[0] : i32 from vector<1xi32>
      %add3A_499 = arith.constant 10 : i32
      %add3A_500 = arith.addi %add3A_336, %add3A_499 : i32
      %dma_start3A_501 = arith.constant 0 : i32
      %dma_start3A_502 = tpu.memref_slice %arg6[%squeeze3A_498, %dma_start3A_501] : memref<54x512xf32, #tpu.memory_space<vmem>> -> memref<1x512xf32, #tpu.memory_space<vmem>>
      %dma_start3A_503 = tpu.memref_squeeze %dma_start3A_502 : memref<1x512xf32, #tpu.memory_space<vmem>> -> memref<512xf32, #tpu.memory_space<vmem>>
      %dma_start3A_504 = arith.constant 0 : i32
      %dma_start3A_505 = tpu.memref_slice %arg4[%add3A_500, %dma_start3A_504] : memref<204800x512xf32, #tpu.memory_space<hbm>> -> memref<1x512xf32, #tpu.memory_space<hbm>>
      %dma_start3A_506 = tpu.memref_squeeze %dma_start3A_505 : memref<1x512xf32, #tpu.memory_space<hbm>> -> memref<512xf32, #tpu.memory_space<hbm>>
      %dma_start3A_507 = arith.constant 0 : i32
      %dma_start3A_508 = tpu.memref_slice %arg4[%add3A_500, %dma_start3A_507] : memref<204800x512xf32, #tpu.memory_space<hbm>> -> memref<1x512xf32, #tpu.memory_space<hbm>>
      %dma_start3A_509 = tpu.memref_squeeze %dma_start3A_508 : memref<1x512xf32, #tpu.memory_space<hbm>> -> memref<512xf32, #tpu.memory_space<hbm>>
      %dma_start3A_510 = arith.constant 0 : i32
      %dma_start3A_511 = tpu.memref_slice %arg6[%squeeze3A_498, %dma_start3A_510] : memref<54x512xf32, #tpu.memory_space<vmem>> -> memref<1x512xf32, #tpu.memory_space<vmem>>
      %dma_start3A_512 = tpu.memref_squeeze %dma_start3A_511 : memref<1x512xf32, #tpu.memory_space<vmem>> -> memref<512xf32, #tpu.memory_space<vmem>>
      tpu.enqueue_dma source(%dma_start3A_512 : memref<512xf32, #tpu.memory_space<vmem>>) target(%dma_start3A_509 : memref<512xf32, #tpu.memory_space<hbm>>) target_semaphore(%arg8 : memref<!tpu.dma_semaphore, #tpu.memory_space<semaphore_mem>>)
      %slice3A_513 = vector.extract_strided_slice %get3A_333 {offsets = [11], sizes = [1], strides = [1]} : vector<16xi32> to vector<1xi32>
      %squeeze3A_514 = vector.extract %slice3A_513[0] : i32 from vector<1xi32>
      %add3A_515 = arith.constant 11 : i32
      %add3A_516 = arith.addi %add3A_336, %add3A_515 : i32
      %dma_start3A_517 = arith.constant 0 : i32
      %dma_start3A_518 = tpu.memref_slice %arg6[%squeeze3A_514, %dma_start3A_517] : memref<54x512xf32, #tpu.memory_space<vmem>> -> memref<1x512xf32, #tpu.memory_space<vmem>>
      %dma_start3A_519 = tpu.memref_squeeze %dma_start3A_518 : memref<1x512xf32, #tpu.memory_space<vmem>> -> memref<512xf32, #tpu.memory_space<vmem>>
      %dma_start3A_520 = arith.constant 0 : i32
      %dma_start3A_521 = tpu.memref_slice %arg4[%add3A_516, %dma_start3A_520] : memref<204800x512xf32, #tpu.memory_space<hbm>> -> memref<1x512xf32, #tpu.memory_space<hbm>>
      %dma_start3A_522 = tpu.memref_squeeze %dma_start3A_521 : memref<1x512xf32, #tpu.memory_space<hbm>> -> memref<512xf32, #tpu.memory_space<hbm>>
      %dma_start3A_523 = arith.constant 0 : i32
      %dma_start3A_524 = tpu.memref_slice %arg4[%add3A_516, %dma_start3A_523] : memref<204800x512xf32, #tpu.memory_space<hbm>> -> memref<1x512xf32, #tpu.memory_space<hbm>>
      %dma_start3A_525 = tpu.memref_squeeze %dma_start3A_524 : memref<1x512xf32, #tpu.memory_space<hbm>> -> memref<512xf32, #tpu.memory_space<hbm>>
      %dma_start3A_526 = arith.constant 0 : i32
      %dma_start3A_527 = tpu.memref_slice %arg6[%squeeze3A_514, %dma_start3A_526] : memref<54x512xf32, #tpu.memory_space<vmem>> -> memref<1x512xf32, #tpu.memory_space<vmem>>
      %dma_start3A_528 = tpu.memref_squeeze %dma_start3A_527 : memref<1x512xf32, #tpu.memory_space<vmem>> -> memref<512xf32, #tpu.memory_space<vmem>>
      tpu.enqueue_dma source(%dma_start3A_528 : memref<512xf32, #tpu.memory_space<vmem>>) target(%dma_start3A_525 : memref<512xf32, #tpu.memory_space<hbm>>) target_semaphore(%arg8 : memref<!tpu.dma_semaphore, #tpu.memory_space<semaphore_mem>>)
      %slice3A_529 = vector.extract_strided_slice %get3A_333 {offsets = [12], sizes = [1], strides = [1]} : vector<16xi32> to vector<1xi32>
      %squeeze3A_530 = vector.extract %slice3A_529[0] : i32 from vector<1xi32>
      %add3A_531 = arith.constant 12 : i32
      %add3A_532 = arith.addi %add3A_336, %add3A_531 : i32
      %dma_start3A_533 = arith.constant 0 : i32
      %dma_start3A_534 = tpu.memref_slice %arg6[%squeeze3A_530, %dma_start3A_533] : memref<54x512xf32, #tpu.memory_space<vmem>> -> memref<1x512xf32, #tpu.memory_space<vmem>>
      %dma_start3A_535 = tpu.memref_squeeze %dma_start3A_534 : memref<1x512xf32, #tpu.memory_space<vmem>> -> memref<512xf32, #tpu.memory_space<vmem>>
      %dma_start3A_536 = arith.constant 0 : i32
      %dma_start3A_537 = tpu.memref_slice %arg4[%add3A_532, %dma_start3A_536] : memref<204800x512xf32, #tpu.memory_space<hbm>> -> memref<1x512xf32, #tpu.memory_space<hbm>>
      %dma_start3A_538 = tpu.memref_squeeze %dma_start3A_537 : memref<1x512xf32, #tpu.memory_space<hbm>> -> memref<512xf32, #tpu.memory_space<hbm>>
      %dma_start3A_539 = arith.constant 0 : i32
      %dma_start3A_540 = tpu.memref_slice %arg4[%add3A_532, %dma_start3A_539] : memref<204800x512xf32, #tpu.memory_space<hbm>> -> memref<1x512xf32, #tpu.memory_space<hbm>>
      %dma_start3A_541 = tpu.memref_squeeze %dma_start3A_540 : memref<1x512xf32, #tpu.memory_space<hbm>> -> memref<512xf32, #tpu.memory_space<hbm>>
      %dma_start3A_542 = arith.constant 0 : i32
      %dma_start3A_543 = tpu.memref_slice %arg6[%squeeze3A_530, %dma_start3A_542] : memref<54x512xf32, #tpu.memory_space<vmem>> -> memref<1x512xf32, #tpu.memory_space<vmem>>
      %dma_start3A_544 = tpu.memref_squeeze %dma_start3A_543 : memref<1x512xf32, #tpu.memory_space<vmem>> -> memref<512xf32, #tpu.memory_space<vmem>>
      tpu.enqueue_dma source(%dma_start3A_544 : memref<512xf32, #tpu.memory_space<vmem>>) target(%dma_start3A_541 : memref<512xf32, #tpu.memory_space<hbm>>) target_semaphore(%arg8 : memref<!tpu.dma_semaphore, #tpu.memory_space<semaphore_mem>>)
      %slice3A_545 = vector.extract_strided_slice %get3A_333 {offsets = [13], sizes = [1], strides = [1]} : vector<16xi32> to vector<1xi32>
      %squeeze3A_546 = vector.extract %slice3A_545[0] : i32 from vector<1xi32>
      %add3A_547 = arith.constant 13 : i32
      %add3A_548 = arith.addi %add3A_336, %add3A_547 : i32
      %dma_start3A_549 = arith.constant 0 : i32
      %dma_start3A_550 = tpu.memref_slice %arg6[%squeeze3A_546, %dma_start3A_549] : memref<54x512xf32, #tpu.memory_space<vmem>> -> memref<1x512xf32, #tpu.memory_space<vmem>>
      %dma_start3A_551 = tpu.memref_squeeze %dma_start3A_550 : memref<1x512xf32, #tpu.memory_space<vmem>> -> memref<512xf32, #tpu.memory_space<vmem>>
      %dma_start3A_552 = arith.constant 0 : i32
      %dma_start3A_553 = tpu.memref_slice %arg4[%add3A_548, %dma_start3A_552] : memref<204800x512xf32, #tpu.memory_space<hbm>> -> memref<1x512xf32, #tpu.memory_space<hbm>>
      %dma_start3A_554 = tpu.memref_squeeze %dma_start3A_553 : memref<1x512xf32, #tpu.memory_space<hbm>> -> memref<512xf32, #tpu.memory_space<hbm>>
      %dma_start3A_555 = arith.constant 0 : i32
      %dma_start3A_556 = tpu.memref_slice %arg4[%add3A_548, %dma_start3A_555] : memref<204800x512xf32, #tpu.memory_space<hbm>> -> memref<1x512xf32, #tpu.memory_space<hbm>>
      %dma_start3A_557 = tpu.memref_squeeze %dma_start3A_556 : memref<1x512xf32, #tpu.memory_space<hbm>> -> memref<512xf32, #tpu.memory_space<hbm>>
      %dma_start3A_558 = arith.constant 0 : i32
      %dma_start3A_559 = tpu.memref_slice %arg6[%squeeze3A_546, %dma_start3A_558] : memref<54x512xf32, #tpu.memory_space<vmem>> -> memref<1x512xf32, #tpu.memory_space<vmem>>
      %dma_start3A_560 = tpu.memref_squeeze %dma_start3A_559 : memref<1x512xf32, #tpu.memory_space<vmem>> -> memref<512xf32, #tpu.memory_space<vmem>>
      tpu.enqueue_dma source(%dma_start3A_560 : memref<512xf32, #tpu.memory_space<vmem>>) target(%dma_start3A_557 : memref<512xf32, #tpu.memory_space<hbm>>) target_semaphore(%arg8 : memref<!tpu.dma_semaphore, #tpu.memory_space<semaphore_mem>>)
      %slice3A_561 = vector.extract_strided_slice %get3A_333 {offsets = [14], sizes = [1], strides = [1]} : vector<16xi32> to vector<1xi32>
      %squeeze3A_562 = vector.extract %slice3A_561[0] : i32 from vector<1xi32>
      %add3A_563 = arith.constant 14 : i32
      %add3A_564 = arith.addi %add3A_336, %add3A_563 : i32
      %dma_start3A_565 = arith.constant 0 : i32
      %dma_start3A_566 = tpu.memref_slice %arg6[%squeeze3A_562, %dma_start3A_565] : memref<54x512xf32, #tpu.memory_space<vmem>> -> memref<1x512xf32, #tpu.memory_space<vmem>>
      %dma_start3A_567 = tpu.memref_squeeze %dma_start3A_566 : memref<1x512xf32, #tpu.memory_space<vmem>> -> memref<512xf32, #tpu.memory_space<vmem>>
      %dma_start3A_568 = arith.constant 0 : i32
      %dma_start3A_569 = tpu.memref_slice %arg4[%add3A_564, %dma_start3A_568] : memref<204800x512xf32, #tpu.memory_space<hbm>> -> memref<1x512xf32, #tpu.memory_space<hbm>>
      %dma_start3A_570 = tpu.memref_squeeze %dma_start3A_569 : memref<1x512xf32, #tpu.memory_space<hbm>> -> memref<512xf32, #tpu.memory_space<hbm>>
      %dma_start3A_571 = arith.constant 0 : i32
      %dma_start3A_572 = tpu.memref_slice %arg4[%add3A_564, %dma_start3A_571] : memref<204800x512xf32, #tpu.memory_space<hbm>> -> memref<1x512xf32, #tpu.memory_space<hbm>>
      %dma_start3A_573 = tpu.memref_squeeze %dma_start3A_572 : memref<1x512xf32, #tpu.memory_space<hbm>> -> memref<512xf32, #tpu.memory_space<hbm>>
      %dma_start3A_574 = arith.constant 0 : i32
      %dma_start3A_575 = tpu.memref_slice %arg6[%squeeze3A_562, %dma_start3A_574] : memref<54x512xf32, #tpu.memory_space<vmem>> -> memref<1x512xf32, #tpu.memory_space<vmem>>
      %dma_start3A_576 = tpu.memref_squeeze %dma_start3A_575 : memref<1x512xf32, #tpu.memory_space<vmem>> -> memref<512xf32, #tpu.memory_space<vmem>>
      tpu.enqueue_dma source(%dma_start3A_576 : memref<512xf32, #tpu.memory_space<vmem>>) target(%dma_start3A_573 : memref<512xf32, #tpu.memory_space<hbm>>) target_semaphore(%arg8 : memref<!tpu.dma_semaphore, #tpu.memory_space<semaphore_mem>>)
      %slice3A_577 = vector.extract_strided_slice %get3A_333 {offsets = [15], sizes = [1], strides = [1]} : vector<16xi32> to vector<1xi32>
      %squeeze3A_578 = vector.extract %slice3A_577[0] : i32 from vector<1xi32>
      %add3A_579 = arith.constant 15 : i32
      %add3A_580 = arith.addi %add3A_336, %add3A_579 : i32
      %dma_start3A_581 = arith.constant 0 : i32
      %dma_start3A_582 = tpu.memref_slice %arg6[%squeeze3A_578, %dma_start3A_581] : memref<54x512xf32, #tpu.memory_space<vmem>> -> memref<1x512xf32, #tpu.memory_space<vmem>>
      %dma_start3A_583 = tpu.memref_squeeze %dma_start3A_582 : memref<1x512xf32, #tpu.memory_space<vmem>> -> memref<512xf32, #tpu.memory_space<vmem>>
      %dma_start3A_584 = arith.constant 0 : i32
      %dma_start3A_585 = tpu.memref_slice %arg4[%add3A_580, %dma_start3A_584] : memref<204800x512xf32, #tpu.memory_space<hbm>> -> memref<1x512xf32, #tpu.memory_space<hbm>>
      %dma_start3A_586 = tpu.memref_squeeze %dma_start3A_585 : memref<1x512xf32, #tpu.memory_space<hbm>> -> memref<512xf32, #tpu.memory_space<hbm>>
      %dma_start3A_587 = arith.constant 0 : i32
      %dma_start3A_588 = tpu.memref_slice %arg4[%add3A_580, %dma_start3A_587] : memref<204800x512xf32, #tpu.memory_space<hbm>> -> memref<1x512xf32, #tpu.memory_space<hbm>>
      %dma_start3A_589 = tpu.memref_squeeze %dma_start3A_588 : memref<1x512xf32, #tpu.memory_space<hbm>> -> memref<512xf32, #tpu.memory_space<hbm>>
      %dma_start3A_590 = arith.constant 0 : i32
      %dma_start3A_591 = tpu.memref_slice %arg6[%squeeze3A_578, %dma_start3A_590] : memref<54x512xf32, #tpu.memory_space<vmem>> -> memref<1x512xf32, #tpu.memory_space<vmem>>
      %dma_start3A_592 = tpu.memref_squeeze %dma_start3A_591 : memref<1x512xf32, #tpu.memory_space<vmem>> -> memref<512xf32, #tpu.memory_space<vmem>>
      tpu.enqueue_dma source(%dma_start3A_592 : memref<512xf32, #tpu.memory_space<vmem>>) target(%dma_start3A_589 : memref<512xf32, #tpu.memory_space<hbm>>) target_semaphore(%arg8 : memref<!tpu.dma_semaphore, #tpu.memory_space<semaphore_mem>>)
      %mul3A_593 = arith.constant 4 : i32
      %mul3A_594 = arith.muli %scan3A_53, %mul3A_593 : i32
      %add3A_595 = arith.constant 2 : i32
      %add3A_596 = arith.addi %mul3A_594, %add3A_595 : i32
      %gt3A_597 = arith.constant 0 : i32
      %gt3A_598 = arith.cmpi sgt, %scan3A_53, %gt3A_597 : i32
      %convert_element_type3A_599 = arith.extui %gt3A_598 : i1 to i32
      %cond3A_600 = arith.constant 0 : i32
      %cond3A_601 = arith.cmpi ne, %convert_element_type3A_599, %cond3A_600 : i32
      scf.if %cond3A_601 {
        %dma_wait3A_1139 = arith.constant 0 : i32
        %dma_wait3A_1140 = arith.constant 0 : i32
        %dma_wait3A_1141 = tpu.memref_slice %arg6[%dma_wait3A_1139, %dma_wait3A_1140] : memref<54x512xf32, #tpu.memory_space<vmem>> -> memref<16x512xf32, #tpu.memory_space<vmem>>
        %dma_wait3A_1142 = arith.constant 0 : i32
        %dma_wait3A_1143 = tpu.memref_slice %arg4[%mul3A_2, %dma_wait3A_1142] : memref<204800x512xf32, #tpu.memory_space<hbm>> -> memref<16x512xf32, #tpu.memory_space<hbm>>
        %dma_wait3A_1144 = arith.constant 0 : i32
        %dma_wait3A_1145 = tpu.memref_slice %arg4[%mul3A_2, %dma_wait3A_1144] : memref<204800x512xf32, #tpu.memory_space<hbm>> -> memref<16x512xf32, #tpu.memory_space<hbm>>
        %dma_wait3A_1146 = arith.constant 0 : i32
        %dma_wait3A_1147 = arith.constant 0 : i32
        %dma_wait3A_1148 = tpu.memref_slice %arg6[%dma_wait3A_1146, %dma_wait3A_1147] : memref<54x512xf32, #tpu.memory_space<vmem>> -> memref<16x512xf32, #tpu.memory_space<vmem>>
        tpu.wait_dma2 semaphore(%arg9 : memref<!tpu.dma_semaphore, #tpu.memory_space<semaphore_mem>>) src(%dma_wait3A_1148 : memref<16x512xf32, #tpu.memory_space<vmem>>) dst(%dma_wait3A_1145 : memref<16x512xf32, #tpu.memory_space<hbm>>)
      } else {
      }
      %mul3A_602 = arith.constant 16 : i32
      %mul3A_603 = arith.muli %add3A_596, %mul3A_602 : i32
      %get3A_604 = arith.index_cast %mul3A_603 : i32 to index
      %get3A_605 = tpu.vector_load %arg5[%get3A_604] {strides = array<i32>} : memref<6400xi32, #tpu.memory_space<vmem>>, vector<16xi32>,
      %get3A_606 = vector.shape_cast %get3A_605 : vector<16xi32> to vector<16xi32>
      %mul3A_607 = arith.constant 16 : i32
      %mul3A_608 = arith.muli %add3A_596, %mul3A_607 : i32
      %add3A_609 = arith.addi %mul3A_2, %mul3A_608 : i32
      %slice3A_610 = vector.extract_strided_slice %get3A_606 {offsets = [0], sizes = [1], strides = [1]} : vector<16xi32> to vector<1xi32>
      %squeeze3A_611 = vector.extract %slice3A_610[0] : i32 from vector<1xi32>
      %add3A_612 = arith.constant 0 : i32
      %add3A_613 = arith.addi %add3A_609, %add3A_612 : i32
      %dma_start3A_614 = arith.constant 0 : i32
      %dma_start3A_615 = tpu.memref_slice %arg6[%squeeze3A_611, %dma_start3A_614] : memref<54x512xf32, #tpu.memory_space<vmem>> -> memref<1x512xf32, #tpu.memory_space<vmem>>
      %dma_start3A_616 = tpu.memref_squeeze %dma_start3A_615 : memref<1x512xf32, #tpu.memory_space<vmem>> -> memref<512xf32, #tpu.memory_space<vmem>>
      %dma_start3A_617 = arith.constant 0 : i32
      %dma_start3A_618 = tpu.memref_slice %arg4[%add3A_613, %dma_start3A_617] : memref<204800x512xf32, #tpu.memory_space<hbm>> -> memref<1x512xf32, #tpu.memory_space<hbm>>
      %dma_start3A_619 = tpu.memref_squeeze %dma_start3A_618 : memref<1x512xf32, #tpu.memory_space<hbm>> -> memref<512xf32, #tpu.memory_space<hbm>>
      %dma_start3A_620 = arith.constant 0 : i32
      %dma_start3A_621 = tpu.memref_slice %arg4[%add3A_613, %dma_start3A_620] : memref<204800x512xf32, #tpu.memory_space<hbm>> -> memref<1x512xf32, #tpu.memory_space<hbm>>
      %dma_start3A_622 = tpu.memref_squeeze %dma_start3A_621 : memref<1x512xf32, #tpu.memory_space<hbm>> -> memref<512xf32, #tpu.memory_space<hbm>>
      %dma_start3A_623 = arith.constant 0 : i32
      %dma_start3A_624 = tpu.memref_slice %arg6[%squeeze3A_611, %dma_start3A_623] : memref<54x512xf32, #tpu.memory_space<vmem>> -> memref<1x512xf32, #tpu.memory_space<vmem>>
      %dma_start3A_625 = tpu.memref_squeeze %dma_start3A_624 : memref<1x512xf32, #tpu.memory_space<vmem>> -> memref<512xf32, #tpu.memory_space<vmem>>
      tpu.enqueue_dma source(%dma_start3A_625 : memref<512xf32, #tpu.memory_space<vmem>>) target(%dma_start3A_622 : memref<512xf32, #tpu.memory_space<hbm>>) target_semaphore(%arg9 : memref<!tpu.dma_semaphore, #tpu.memory_space<semaphore_mem>>)
      %slice3A_626 = vector.extract_strided_slice %get3A_606 {offsets = [1], sizes = [1], strides = [1]} : vector<16xi32> to vector<1xi32>
      %squeeze3A_627 = vector.extract %slice3A_626[0] : i32 from vector<1xi32>
      %add3A_628 = arith.constant 1 : i32
      %add3A_629 = arith.addi %add3A_609, %add3A_628 : i32
      %dma_start3A_630 = arith.constant 0 : i32
      %dma_start3A_631 = tpu.memref_slice %arg6[%squeeze3A_627, %dma_start3A_630] : memref<54x512xf32, #tpu.memory_space<vmem>> -> memref<1x512xf32, #tpu.memory_space<vmem>>
      %dma_start3A_632 = tpu.memref_squeeze %dma_start3A_631 : memref<1x512xf32, #tpu.memory_space<vmem>> -> memref<512xf32, #tpu.memory_space<vmem>>
      %dma_start3A_633 = arith.constant 0 : i32
      %dma_start3A_634 = tpu.memref_slice %arg4[%add3A_629, %dma_start3A_633] : memref<204800x512xf32, #tpu.memory_space<hbm>> -> memref<1x512xf32, #tpu.memory_space<hbm>>
      %dma_start3A_635 = tpu.memref_squeeze %dma_start3A_634 : memref<1x512xf32, #tpu.memory_space<hbm>> -> memref<512xf32, #tpu.memory_space<hbm>>
      %dma_start3A_636 = arith.constant 0 : i32
      %dma_start3A_637 = tpu.memref_slice %arg4[%add3A_629, %dma_start3A_636] : memref<204800x512xf32, #tpu.memory_space<hbm>> -> memref<1x512xf32, #tpu.memory_space<hbm>>
      %dma_start3A_638 = tpu.memref_squeeze %dma_start3A_637 : memref<1x512xf32, #tpu.memory_space<hbm>> -> memref<512xf32, #tpu.memory_space<hbm>>
      %dma_start3A_639 = arith.constant 0 : i32
      %dma_start3A_640 = tpu.memref_slice %arg6[%squeeze3A_627, %dma_start3A_639] : memref<54x512xf32, #tpu.memory_space<vmem>> -> memref<1x512xf32, #tpu.memory_space<vmem>>
      %dma_start3A_641 = tpu.memref_squeeze %dma_start3A_640 : memref<1x512xf32, #tpu.memory_space<vmem>> -> memref<512xf32, #tpu.memory_space<vmem>>
      tpu.enqueue_dma source(%dma_start3A_641 : memref<512xf32, #tpu.memory_space<vmem>>) target(%dma_start3A_638 : memref<512xf32, #tpu.memory_space<hbm>>) target_semaphore(%arg9 : memref<!tpu.dma_semaphore, #tpu.memory_space<semaphore_mem>>)
      %slice3A_642 = vector.extract_strided_slice %get3A_606 {offsets = [2], sizes = [1], strides = [1]} : vector<16xi32> to vector<1xi32>
      %squeeze3A_643 = vector.extract %slice3A_642[0] : i32 from vector<1xi32>
      %add3A_644 = arith.constant 2 : i32
      %add3A_645 = arith.addi %add3A_609, %add3A_644 : i32
      %dma_start3A_646 = arith.constant 0 : i32
      %dma_start3A_647 = tpu.memref_slice %arg6[%squeeze3A_643, %dma_start3A_646] : memref<54x512xf32, #tpu.memory_space<vmem>> -> memref<1x512xf32, #tpu.memory_space<vmem>>
      %dma_start3A_648 = tpu.memref_squeeze %dma_start3A_647 : memref<1x512xf32, #tpu.memory_space<vmem>> -> memref<512xf32, #tpu.memory_space<vmem>>
      %dma_start3A_649 = arith.constant 0 : i32
      %dma_start3A_650 = tpu.memref_slice %arg4[%add3A_645, %dma_start3A_649] : memref<204800x512xf32, #tpu.memory_space<hbm>> -> memref<1x512xf32, #tpu.memory_space<hbm>>
      %dma_start3A_651 = tpu.memref_squeeze %dma_start3A_650 : memref<1x512xf32, #tpu.memory_space<hbm>> -> memref<512xf32, #tpu.memory_space<hbm>>
      %dma_start3A_652 = arith.constant 0 : i32
      %dma_start3A_653 = tpu.memref_slice %arg4[%add3A_645, %dma_start3A_652] : memref<204800x512xf32, #tpu.memory_space<hbm>> -> memref<1x512xf32, #tpu.memory_space<hbm>>
      %dma_start3A_654 = tpu.memref_squeeze %dma_start3A_653 : memref<1x512xf32, #tpu.memory_space<hbm>> -> memref<512xf32, #tpu.memory_space<hbm>>
      %dma_start3A_655 = arith.constant 0 : i32
      %dma_start3A_656 = tpu.memref_slice %arg6[%squeeze3A_643, %dma_start3A_655] : memref<54x512xf32, #tpu.memory_space<vmem>> -> memref<1x512xf32, #tpu.memory_space<vmem>>
      %dma_start3A_657 = tpu.memref_squeeze %dma_start3A_656 : memref<1x512xf32, #tpu.memory_space<vmem>> -> memref<512xf32, #tpu.memory_space<vmem>>
      tpu.enqueue_dma source(%dma_start3A_657 : memref<512xf32, #tpu.memory_space<vmem>>) target(%dma_start3A_654 : memref<512xf32, #tpu.memory_space<hbm>>) target_semaphore(%arg9 : memref<!tpu.dma_semaphore, #tpu.memory_space<semaphore_mem>>)
      %slice3A_658 = vector.extract_strided_slice %get3A_606 {offsets = [3], sizes = [1], strides = [1]} : vector<16xi32> to vector<1xi32>
      %squeeze3A_659 = vector.extract %slice3A_658[0] : i32 from vector<1xi32>
      %add3A_660 = arith.constant 3 : i32
      %add3A_661 = arith.addi %add3A_609, %add3A_660 : i32
      %dma_start3A_662 = arith.constant 0 : i32
      %dma_start3A_663 = tpu.memref_slice %arg6[%squeeze3A_659, %dma_start3A_662] : memref<54x512xf32, #tpu.memory_space<vmem>> -> memref<1x512xf32, #tpu.memory_space<vmem>>
      %dma_start3A_664 = tpu.memref_squeeze %dma_start3A_663 : memref<1x512xf32, #tpu.memory_space<vmem>> -> memref<512xf32, #tpu.memory_space<vmem>>
      %dma_start3A_665 = arith.constant 0 : i32
      %dma_start3A_666 = tpu.memref_slice %arg4[%add3A_661, %dma_start3A_665] : memref<204800x512xf32, #tpu.memory_space<hbm>> -> memref<1x512xf32, #tpu.memory_space<hbm>>
      %dma_start3A_667 = tpu.memref_squeeze %dma_start3A_666 : memref<1x512xf32, #tpu.memory_space<hbm>> -> memref<512xf32, #tpu.memory_space<hbm>>
      %dma_start3A_668 = arith.constant 0 : i32
      %dma_start3A_669 = tpu.memref_slice %arg4[%add3A_661, %dma_start3A_668] : memref<204800x512xf32, #tpu.memory_space<hbm>> -> memref<1x512xf32, #tpu.memory_space<hbm>>
      %dma_start3A_670 = tpu.memref_squeeze %dma_start3A_669 : memref<1x512xf32, #tpu.memory_space<hbm>> -> memref<512xf32, #tpu.memory_space<hbm>>
      %dma_start3A_671 = arith.constant 0 : i32
      %dma_start3A_672 = tpu.memref_slice %arg6[%squeeze3A_659, %dma_start3A_671] : memref<54x512xf32, #tpu.memory_space<vmem>> -> memref<1x512xf32, #tpu.memory_space<vmem>>
      %dma_start3A_673 = tpu.memref_squeeze %dma_start3A_672 : memref<1x512xf32, #tpu.memory_space<vmem>> -> memref<512xf32, #tpu.memory_space<vmem>>
      tpu.enqueue_dma source(%dma_start3A_673 : memref<512xf32, #tpu.memory_space<vmem>>) target(%dma_start3A_670 : memref<512xf32, #tpu.memory_space<hbm>>) target_semaphore(%arg9 : memref<!tpu.dma_semaphore, #tpu.memory_space<semaphore_mem>>)
      %slice3A_674 = vector.extract_strided_slice %get3A_606 {offsets = [4], sizes = [1], strides = [1]} : vector<16xi32> to vector<1xi32>
      %squeeze3A_675 = vector.extract %slice3A_674[0] : i32 from vector<1xi32>
      %add3A_676 = arith.constant 4 : i32
      %add3A_677 = arith.addi %add3A_609, %add3A_676 : i32
      %dma_start3A_678 = arith.constant 0 : i32
      %dma_start3A_679 = tpu.memref_slice %arg6[%squeeze3A_675, %dma_start3A_678] : memref<54x512xf32, #tpu.memory_space<vmem>> -> memref<1x512xf32, #tpu.memory_space<vmem>>
      %dma_start3A_680 = tpu.memref_squeeze %dma_start3A_679 : memref<1x512xf32, #tpu.memory_space<vmem>> -> memref<512xf32, #tpu.memory_space<vmem>>
      %dma_start3A_681 = arith.constant 0 : i32
      %dma_start3A_682 = tpu.memref_slice %arg4[%add3A_677, %dma_start3A_681] : memref<204800x512xf32, #tpu.memory_space<hbm>> -> memref<1x512xf32, #tpu.memory_space<hbm>>
      %dma_start3A_683 = tpu.memref_squeeze %dma_start3A_682 : memref<1x512xf32, #tpu.memory_space<hbm>> -> memref<512xf32, #tpu.memory_space<hbm>>
      %dma_start3A_684 = arith.constant 0 : i32
      %dma_start3A_685 = tpu.memref_slice %arg4[%add3A_677, %dma_start3A_684] : memref<204800x512xf32, #tpu.memory_space<hbm>> -> memref<1x512xf32, #tpu.memory_space<hbm>>
      %dma_start3A_686 = tpu.memref_squeeze %dma_start3A_685 : memref<1x512xf32, #tpu.memory_space<hbm>> -> memref<512xf32, #tpu.memory_space<hbm>>
      %dma_start3A_687 = arith.constant 0 : i32
      %dma_start3A_688 = tpu.memref_slice %arg6[%squeeze3A_675, %dma_start3A_687] : memref<54x512xf32, #tpu.memory_space<vmem>> -> memref<1x512xf32, #tpu.memory_space<vmem>>
      %dma_start3A_689 = tpu.memref_squeeze %dma_start3A_688 : memref<1x512xf32, #tpu.memory_space<vmem>> -> memref<512xf32, #tpu.memory_space<vmem>>
      tpu.enqueue_dma source(%dma_start3A_689 : memref<512xf32, #tpu.memory_space<vmem>>) target(%dma_start3A_686 : memref<512xf32, #tpu.memory_space<hbm>>) target_semaphore(%arg9 : memref<!tpu.dma_semaphore, #tpu.memory_space<semaphore_mem>>)
      %slice3A_690 = vector.extract_strided_slice %get3A_606 {offsets = [5], sizes = [1], strides = [1]} : vector<16xi32> to vector<1xi32>
      %squeeze3A_691 = vector.extract %slice3A_690[0] : i32 from vector<1xi32>
      %add3A_692 = arith.constant 5 : i32
      %add3A_693 = arith.addi %add3A_609, %add3A_692 : i32
      %dma_start3A_694 = arith.constant 0 : i32
      %dma_start3A_695 = tpu.memref_slice %arg6[%squeeze3A_691, %dma_start3A_694] : memref<54x512xf32, #tpu.memory_space<vmem>> -> memref<1x512xf32, #tpu.memory_space<vmem>>
      %dma_start3A_696 = tpu.memref_squeeze %dma_start3A_695 : memref<1x512xf32, #tpu.memory_space<vmem>> -> memref<512xf32, #tpu.memory_space<vmem>>
      %dma_start3A_697 = arith.constant 0 : i32
      %dma_start3A_698 = tpu.memref_slice %arg4[%add3A_693, %dma_start3A_697] : memref<204800x512xf32, #tpu.memory_space<hbm>> -> memref<1x512xf32, #tpu.memory_space<hbm>>
      %dma_start3A_699 = tpu.memref_squeeze %dma_start3A_698 : memref<1x512xf32, #tpu.memory_space<hbm>> -> memref<512xf32, #tpu.memory_space<hbm>>
      %dma_start3A_700 = arith.constant 0 : i32
      %dma_start3A_701 = tpu.memref_slice %arg4[%add3A_693, %dma_start3A_700] : memref<204800x512xf32, #tpu.memory_space<hbm>> -> memref<1x512xf32, #tpu.memory_space<hbm>>
      %dma_start3A_702 = tpu.memref_squeeze %dma_start3A_701 : memref<1x512xf32, #tpu.memory_space<hbm>> -> memref<512xf32, #tpu.memory_space<hbm>>
      %dma_start3A_703 = arith.constant 0 : i32
      %dma_start3A_704 = tpu.memref_slice %arg6[%squeeze3A_691, %dma_start3A_703] : memref<54x512xf32, #tpu.memory_space<vmem>> -> memref<1x512xf32, #tpu.memory_space<vmem>>
      %dma_start3A_705 = tpu.memref_squeeze %dma_start3A_704 : memref<1x512xf32, #tpu.memory_space<vmem>> -> memref<512xf32, #tpu.memory_space<vmem>>
      tpu.enqueue_dma source(%dma_start3A_705 : memref<512xf32, #tpu.memory_space<vmem>>) target(%dma_start3A_702 : memref<512xf32, #tpu.memory_space<hbm>>) target_semaphore(%arg9 : memref<!tpu.dma_semaphore, #tpu.memory_space<semaphore_mem>>)
      %slice3A_706 = vector.extract_strided_slice %get3A_606 {offsets = [6], sizes = [1], strides = [1]} : vector<16xi32> to vector<1xi32>
      %squeeze3A_707 = vector.extract %slice3A_706[0] : i32 from vector<1xi32>
      %add3A_708 = arith.constant 6 : i32
      %add3A_709 = arith.addi %add3A_609, %add3A_708 : i32
      %dma_start3A_710 = arith.constant 0 : i32
      %dma_start3A_711 = tpu.memref_slice %arg6[%squeeze3A_707, %dma_start3A_710] : memref<54x512xf32, #tpu.memory_space<vmem>> -> memref<1x512xf32, #tpu.memory_space<vmem>>
      %dma_start3A_712 = tpu.memref_squeeze %dma_start3A_711 : memref<1x512xf32, #tpu.memory_space<vmem>> -> memref<512xf32, #tpu.memory_space<vmem>>
      %dma_start3A_713 = arith.constant 0 : i32
      %dma_start3A_714 = tpu.memref_slice %arg4[%add3A_709, %dma_start3A_713] : memref<204800x512xf32, #tpu.memory_space<hbm>> -> memref<1x512xf32, #tpu.memory_space<hbm>>
      %dma_start3A_715 = tpu.memref_squeeze %dma_start3A_714 : memref<1x512xf32, #tpu.memory_space<hbm>> -> memref<512xf32, #tpu.memory_space<hbm>>
      %dma_start3A_716 = arith.constant 0 : i32
      %dma_start3A_717 = tpu.memref_slice %arg4[%add3A_709, %dma_start3A_716] : memref<204800x512xf32, #tpu.memory_space<hbm>> -> memref<1x512xf32, #tpu.memory_space<hbm>>
      %dma_start3A_718 = tpu.memref_squeeze %dma_start3A_717 : memref<1x512xf32, #tpu.memory_space<hbm>> -> memref<512xf32, #tpu.memory_space<hbm>>
      %dma_start3A_719 = arith.constant 0 : i32
      %dma_start3A_720 = tpu.memref_slice %arg6[%squeeze3A_707, %dma_start3A_719] : memref<54x512xf32, #tpu.memory_space<vmem>> -> memref<1x512xf32, #tpu.memory_space<vmem>>
      %dma_start3A_721 = tpu.memref_squeeze %dma_start3A_720 : memref<1x512xf32, #tpu.memory_space<vmem>> -> memref<512xf32, #tpu.memory_space<vmem>>
      tpu.enqueue_dma source(%dma_start3A_721 : memref<512xf32, #tpu.memory_space<vmem>>) target(%dma_start3A_718 : memref<512xf32, #tpu.memory_space<hbm>>) target_semaphore(%arg9 : memref<!tpu.dma_semaphore, #tpu.memory_space<semaphore_mem>>)
      %slice3A_722 = vector.extract_strided_slice %get3A_606 {offsets = [7], sizes = [1], strides = [1]} : vector<16xi32> to vector<1xi32>
      %squeeze3A_723 = vector.extract %slice3A_722[0] : i32 from vector<1xi32>
      %add3A_724 = arith.constant 7 : i32
      %add3A_725 = arith.addi %add3A_609, %add3A_724 : i32
      %dma_start3A_726 = arith.constant 0 : i32
      %dma_start3A_727 = tpu.memref_slice %arg6[%squeeze3A_723, %dma_start3A_726] : memref<54x512xf32, #tpu.memory_space<vmem>> -> memref<1x512xf32, #tpu.memory_space<vmem>>
      %dma_start3A_728 = tpu.memref_squeeze %dma_start3A_727 : memref<1x512xf32, #tpu.memory_space<vmem>> -> memref<512xf32, #tpu.memory_space<vmem>>
      %dma_start3A_729 = arith.constant 0 : i32
      %dma_start3A_730 = tpu.memref_slice %arg4[%add3A_725, %dma_start3A_729] : memref<204800x512xf32, #tpu.memory_space<hbm>> -> memref<1x512xf32, #tpu.memory_space<hbm>>
      %dma_start3A_731 = tpu.memref_squeeze %dma_start3A_730 : memref<1x512xf32, #tpu.memory_space<hbm>> -> memref<512xf32, #tpu.memory_space<hbm>>
      %dma_start3A_732 = arith.constant 0 : i32
      %dma_start3A_733 = tpu.memref_slice %arg4[%add3A_725, %dma_start3A_732] : memref<204800x512xf32, #tpu.memory_space<hbm>> -> memref<1x512xf32, #tpu.memory_space<hbm>>
      %dma_start3A_734 = tpu.memref_squeeze %dma_start3A_733 : memref<1x512xf32, #tpu.memory_space<hbm>> -> memref<512xf32, #tpu.memory_space<hbm>>
      %dma_start3A_735 = arith.constant 0 : i32
      %dma_start3A_736 = tpu.memref_slice %arg6[%squeeze3A_723, %dma_start3A_735] : memref<54x512xf32, #tpu.memory_space<vmem>> -> memref<1x512xf32, #tpu.memory_space<vmem>>
      %dma_start3A_737 = tpu.memref_squeeze %dma_start3A_736 : memref<1x512xf32, #tpu.memory_space<vmem>> -> memref<512xf32, #tpu.memory_space<vmem>>
      tpu.enqueue_dma source(%dma_start3A_737 : memref<512xf32, #tpu.memory_space<vmem>>) target(%dma_start3A_734 : memref<512xf32, #tpu.memory_space<hbm>>) target_semaphore(%arg9 : memref<!tpu.dma_semaphore, #tpu.memory_space<semaphore_mem>>)
      %slice3A_738 = vector.extract_strided_slice %get3A_606 {offsets = [8], sizes = [1], strides = [1]} : vector<16xi32> to vector<1xi32>
      %squeeze3A_739 = vector.extract %slice3A_738[0] : i32 from vector<1xi32>
      %add3A_740 = arith.constant 8 : i32
      %add3A_741 = arith.addi %add3A_609, %add3A_740 : i32
      %dma_start3A_742 = arith.constant 0 : i32
      %dma_start3A_743 = tpu.memref_slice %arg6[%squeeze3A_739, %dma_start3A_742] : memref<54x512xf32, #tpu.memory_space<vmem>> -> memref<1x512xf32, #tpu.memory_space<vmem>>
      %dma_start3A_744 = tpu.memref_squeeze %dma_start3A_743 : memref<1x512xf32, #tpu.memory_space<vmem>> -> memref<512xf32, #tpu.memory_space<vmem>>
      %dma_start3A_745 = arith.constant 0 : i32
      %dma_start3A_746 = tpu.memref_slice %arg4[%add3A_741, %dma_start3A_745] : memref<204800x512xf32, #tpu.memory_space<hbm>> -> memref<1x512xf32, #tpu.memory_space<hbm>>
      %dma_start3A_747 = tpu.memref_squeeze %dma_start3A_746 : memref<1x512xf32, #tpu.memory_space<hbm>> -> memref<512xf32, #tpu.memory_space<hbm>>
      %dma_start3A_748 = arith.constant 0 : i32
      %dma_start3A_749 = tpu.memref_slice %arg4[%add3A_741, %dma_start3A_748] : memref<204800x512xf32, #tpu.memory_space<hbm>> -> memref<1x512xf32, #tpu.memory_space<hbm>>
      %dma_start3A_750 = tpu.memref_squeeze %dma_start3A_749 : memref<1x512xf32, #tpu.memory_space<hbm>> -> memref<512xf32, #tpu.memory_space<hbm>>
      %dma_start3A_751 = arith.constant 0 : i32
      %dma_start3A_752 = tpu.memref_slice %arg6[%squeeze3A_739, %dma_start3A_751] : memref<54x512xf32, #tpu.memory_space<vmem>> -> memref<1x512xf32, #tpu.memory_space<vmem>>
      %dma_start3A_753 = tpu.memref_squeeze %dma_start3A_752 : memref<1x512xf32, #tpu.memory_space<vmem>> -> memref<512xf32, #tpu.memory_space<vmem>>
      tpu.enqueue_dma source(%dma_start3A_753 : memref<512xf32, #tpu.memory_space<vmem>>) target(%dma_start3A_750 : memref<512xf32, #tpu.memory_space<hbm>>) target_semaphore(%arg9 : memref<!tpu.dma_semaphore, #tpu.memory_space<semaphore_mem>>)
      %slice3A_754 = vector.extract_strided_slice %get3A_606 {offsets = [9], sizes = [1], strides = [1]} : vector<16xi32> to vector<1xi32>
      %squeeze3A_755 = vector.extract %slice3A_754[0] : i32 from vector<1xi32>
      %add3A_756 = arith.constant 9 : i32
      %add3A_757 = arith.addi %add3A_609, %add3A_756 : i32
      %dma_start3A_758 = arith.constant 0 : i32
      %dma_start3A_759 = tpu.memref_slice %arg6[%squeeze3A_755, %dma_start3A_758] : memref<54x512xf32, #tpu.memory_space<vmem>> -> memref<1x512xf32, #tpu.memory_space<vmem>>
      %dma_start3A_760 = tpu.memref_squeeze %dma_start3A_759 : memref<1x512xf32, #tpu.memory_space<vmem>> -> memref<512xf32, #tpu.memory_space<vmem>>
      %dma_start3A_761 = arith.constant 0 : i32
      %dma_start3A_762 = tpu.memref_slice %arg4[%add3A_757, %dma_start3A_761] : memref<204800x512xf32, #tpu.memory_space<hbm>> -> memref<1x512xf32, #tpu.memory_space<hbm>>
      %dma_start3A_763 = tpu.memref_squeeze %dma_start3A_762 : memref<1x512xf32, #tpu.memory_space<hbm>> -> memref<512xf32, #tpu.memory_space<hbm>>
      %dma_start3A_764 = arith.constant 0 : i32
      %dma_start3A_765 = tpu.memref_slice %arg4[%add3A_757, %dma_start3A_764] : memref<204800x512xf32, #tpu.memory_space<hbm>> -> memref<1x512xf32, #tpu.memory_space<hbm>>
      %dma_start3A_766 = tpu.memref_squeeze %dma_start3A_765 : memref<1x512xf32, #tpu.memory_space<hbm>> -> memref<512xf32, #tpu.memory_space<hbm>>
      %dma_start3A_767 = arith.constant 0 : i32
      %dma_start3A_768 = tpu.memref_slice %arg6[%squeeze3A_755, %dma_start3A_767] : memref<54x512xf32, #tpu.memory_space<vmem>> -> memref<1x512xf32, #tpu.memory_space<vmem>>
      %dma_start3A_769 = tpu.memref_squeeze %dma_start3A_768 : memref<1x512xf32, #tpu.memory_space<vmem>> -> memref<512xf32, #tpu.memory_space<vmem>>
      tpu.enqueue_dma source(%dma_start3A_769 : memref<512xf32, #tpu.memory_space<vmem>>) target(%dma_start3A_766 : memref<512xf32, #tpu.memory_space<hbm>>) target_semaphore(%arg9 : memref<!tpu.dma_semaphore, #tpu.memory_space<semaphore_mem>>)
      %slice3A_770 = vector.extract_strided_slice %get3A_606 {offsets = [10], sizes = [1], strides = [1]} : vector<16xi32> to vector<1xi32>
      %squeeze3A_771 = vector.extract %slice3A_770[0] : i32 from vector<1xi32>
      %add3A_772 = arith.constant 10 : i32
      %add3A_773 = arith.addi %add3A_609, %add3A_772 : i32
      %dma_start3A_774 = arith.constant 0 : i32
      %dma_start3A_775 = tpu.memref_slice %arg6[%squeeze3A_771, %dma_start3A_774] : memref<54x512xf32, #tpu.memory_space<vmem>> -> memref<1x512xf32, #tpu.memory_space<vmem>>
      %dma_start3A_776 = tpu.memref_squeeze %dma_start3A_775 : memref<1x512xf32, #tpu.memory_space<vmem>> -> memref<512xf32, #tpu.memory_space<vmem>>
      %dma_start3A_777 = arith.constant 0 : i32
      %dma_start3A_778 = tpu.memref_slice %arg4[%add3A_773, %dma_start3A_777] : memref<204800x512xf32, #tpu.memory_space<hbm>> -> memref<1x512xf32, #tpu.memory_space<hbm>>
      %dma_start3A_779 = tpu.memref_squeeze %dma_start3A_778 : memref<1x512xf32, #tpu.memory_space<hbm>> -> memref<512xf32, #tpu.memory_space<hbm>>
      %dma_start3A_780 = arith.constant 0 : i32
      %dma_start3A_781 = tpu.memref_slice %arg4[%add3A_773, %dma_start3A_780] : memref<204800x512xf32, #tpu.memory_space<hbm>> -> memref<1x512xf32, #tpu.memory_space<hbm>>
      %dma_start3A_782 = tpu.memref_squeeze %dma_start3A_781 : memref<1x512xf32, #tpu.memory_space<hbm>> -> memref<512xf32, #tpu.memory_space<hbm>>
      %dma_start3A_783 = arith.constant 0 : i32
      %dma_start3A_784 = tpu.memref_slice %arg6[%squeeze3A_771, %dma_start3A_783] : memref<54x512xf32, #tpu.memory_space<vmem>> -> memref<1x512xf32, #tpu.memory_space<vmem>>
      %dma_start3A_785 = tpu.memref_squeeze %dma_start3A_784 : memref<1x512xf32, #tpu.memory_space<vmem>> -> memref<512xf32, #tpu.memory_space<vmem>>
      tpu.enqueue_dma source(%dma_start3A_785 : memref<512xf32, #tpu.memory_space<vmem>>) target(%dma_start3A_782 : memref<512xf32, #tpu.memory_space<hbm>>) target_semaphore(%arg9 : memref<!tpu.dma_semaphore, #tpu.memory_space<semaphore_mem>>)
      %slice3A_786 = vector.extract_strided_slice %get3A_606 {offsets = [11], sizes = [1], strides = [1]} : vector<16xi32> to vector<1xi32>
      %squeeze3A_787 = vector.extract %slice3A_786[0] : i32 from vector<1xi32>
      %add3A_788 = arith.constant 11 : i32
      %add3A_789 = arith.addi %add3A_609, %add3A_788 : i32
      %dma_start3A_790 = arith.constant 0 : i32
      %dma_start3A_791 = tpu.memref_slice %arg6[%squeeze3A_787, %dma_start3A_790] : memref<54x512xf32, #tpu.memory_space<vmem>> -> memref<1x512xf32, #tpu.memory_space<vmem>>
      %dma_start3A_792 = tpu.memref_squeeze %dma_start3A_791 : memref<1x512xf32, #tpu.memory_space<vmem>> -> memref<512xf32, #tpu.memory_space<vmem>>
      %dma_start3A_793 = arith.constant 0 : i32
      %dma_start3A_794 = tpu.memref_slice %arg4[%add3A_789, %dma_start3A_793] : memref<204800x512xf32, #tpu.memory_space<hbm>> -> memref<1x512xf32, #tpu.memory_space<hbm>>
      %dma_start3A_795 = tpu.memref_squeeze %dma_start3A_794 : memref<1x512xf32, #tpu.memory_space<hbm>> -> memref<512xf32, #tpu.memory_space<hbm>>
      %dma_start3A_796 = arith.constant 0 : i32
      %dma_start3A_797 = tpu.memref_slice %arg4[%add3A_789, %dma_start3A_796] : memref<204800x512xf32, #tpu.memory_space<hbm>> -> memref<1x512xf32, #tpu.memory_space<hbm>>
      %dma_start3A_798 = tpu.memref_squeeze %dma_start3A_797 : memref<1x512xf32, #tpu.memory_space<hbm>> -> memref<512xf32, #tpu.memory_space<hbm>>
      %dma_start3A_799 = arith.constant 0 : i32
      %dma_start3A_800 = tpu.memref_slice %arg6[%squeeze3A_787, %dma_start3A_799] : memref<54x512xf32, #tpu.memory_space<vmem>> -> memref<1x512xf32, #tpu.memory_space<vmem>>
      %dma_start3A_801 = tpu.memref_squeeze %dma_start3A_800 : memref<1x512xf32, #tpu.memory_space<vmem>> -> memref<512xf32, #tpu.memory_space<vmem>>
      tpu.enqueue_dma source(%dma_start3A_801 : memref<512xf32, #tpu.memory_space<vmem>>) target(%dma_start3A_798 : memref<512xf32, #tpu.memory_space<hbm>>) target_semaphore(%arg9 : memref<!tpu.dma_semaphore, #tpu.memory_space<semaphore_mem>>)
      %slice3A_802 = vector.extract_strided_slice %get3A_606 {offsets = [12], sizes = [1], strides = [1]} : vector<16xi32> to vector<1xi32>
      %squeeze3A_803 = vector.extract %slice3A_802[0] : i32 from vector<1xi32>
      %add3A_804 = arith.constant 12 : i32
      %add3A_805 = arith.addi %add3A_609, %add3A_804 : i32
      %dma_start3A_806 = arith.constant 0 : i32
      %dma_start3A_807 = tpu.memref_slice %arg6[%squeeze3A_803, %dma_start3A_806] : memref<54x512xf32, #tpu.memory_space<vmem>> -> memref<1x512xf32, #tpu.memory_space<vmem>>
      %dma_start3A_808 = tpu.memref_squeeze %dma_start3A_807 : memref<1x512xf32, #tpu.memory_space<vmem>> -> memref<512xf32, #tpu.memory_space<vmem>>
      %dma_start3A_809 = arith.constant 0 : i32
      %dma_start3A_810 = tpu.memref_slice %arg4[%add3A_805, %dma_start3A_809] : memref<204800x512xf32, #tpu.memory_space<hbm>> -> memref<1x512xf32, #tpu.memory_space<hbm>>
      %dma_start3A_811 = tpu.memref_squeeze %dma_start3A_810 : memref<1x512xf32, #tpu.memory_space<hbm>> -> memref<512xf32, #tpu.memory_space<hbm>>
      %dma_start3A_812 = arith.constant 0 : i32
      %dma_start3A_813 = tpu.memref_slice %arg4[%add3A_805, %dma_start3A_812] : memref<204800x512xf32, #tpu.memory_space<hbm>> -> memref<1x512xf32, #tpu.memory_space<hbm>>
      %dma_start3A_814 = tpu.memref_squeeze %dma_start3A_813 : memref<1x512xf32, #tpu.memory_space<hbm>> -> memref<512xf32, #tpu.memory_space<hbm>>
      %dma_start3A_815 = arith.constant 0 : i32
      %dma_start3A_816 = tpu.memref_slice %arg6[%squeeze3A_803, %dma_start3A_815] : memref<54x512xf32, #tpu.memory_space<vmem>> -> memref<1x512xf32, #tpu.memory_space<vmem>>
      %dma_start3A_817 = tpu.memref_squeeze %dma_start3A_816 : memref<1x512xf32, #tpu.memory_space<vmem>> -> memref<512xf32, #tpu.memory_space<vmem>>
      tpu.enqueue_dma source(%dma_start3A_817 : memref<512xf32, #tpu.memory_space<vmem>>) target(%dma_start3A_814 : memref<512xf32, #tpu.memory_space<hbm>>) target_semaphore(%arg9 : memref<!tpu.dma_semaphore, #tpu.memory_space<semaphore_mem>>)
      %slice3A_818 = vector.extract_strided_slice %get3A_606 {offsets = [13], sizes = [1], strides = [1]} : vector<16xi32> to vector<1xi32>
      %squeeze3A_819 = vector.extract %slice3A_818[0] : i32 from vector<1xi32>
      %add3A_820 = arith.constant 13 : i32
      %add3A_821 = arith.addi %add3A_609, %add3A_820 : i32
      %dma_start3A_822 = arith.constant 0 : i32
      %dma_start3A_823 = tpu.memref_slice %arg6[%squeeze3A_819, %dma_start3A_822] : memref<54x512xf32, #tpu.memory_space<vmem>> -> memref<1x512xf32, #tpu.memory_space<vmem>>
      %dma_start3A_824 = tpu.memref_squeeze %dma_start3A_823 : memref<1x512xf32, #tpu.memory_space<vmem>> -> memref<512xf32, #tpu.memory_space<vmem>>
      %dma_start3A_825 = arith.constant 0 : i32
      %dma_start3A_826 = tpu.memref_slice %arg4[%add3A_821, %dma_start3A_825] : memref<204800x512xf32, #tpu.memory_space<hbm>> -> memref<1x512xf32, #tpu.memory_space<hbm>>
      %dma_start3A_827 = tpu.memref_squeeze %dma_start3A_826 : memref<1x512xf32, #tpu.memory_space<hbm>> -> memref<512xf32, #tpu.memory_space<hbm>>
      %dma_start3A_828 = arith.constant 0 : i32
      %dma_start3A_829 = tpu.memref_slice %arg4[%add3A_821, %dma_start3A_828] : memref<204800x512xf32, #tpu.memory_space<hbm>> -> memref<1x512xf32, #tpu.memory_space<hbm>>
      %dma_start3A_830 = tpu.memref_squeeze %dma_start3A_829 : memref<1x512xf32, #tpu.memory_space<hbm>> -> memref<512xf32, #tpu.memory_space<hbm>>
      %dma_start3A_831 = arith.constant 0 : i32
      %dma_start3A_832 = tpu.memref_slice %arg6[%squeeze3A_819, %dma_start3A_831] : memref<54x512xf32, #tpu.memory_space<vmem>> -> memref<1x512xf32, #tpu.memory_space<vmem>>
      %dma_start3A_833 = tpu.memref_squeeze %dma_start3A_832 : memref<1x512xf32, #tpu.memory_space<vmem>> -> memref<512xf32, #tpu.memory_space<vmem>>
      tpu.enqueue_dma source(%dma_start3A_833 : memref<512xf32, #tpu.memory_space<vmem>>) target(%dma_start3A_830 : memref<512xf32, #tpu.memory_space<hbm>>) target_semaphore(%arg9 : memref<!tpu.dma_semaphore, #tpu.memory_space<semaphore_mem>>)
      %slice3A_834 = vector.extract_strided_slice %get3A_606 {offsets = [14], sizes = [1], strides = [1]} : vector<16xi32> to vector<1xi32>
      %squeeze3A_835 = vector.extract %slice3A_834[0] : i32 from vector<1xi32>
      %add3A_836 = arith.constant 14 : i32
      %add3A_837 = arith.addi %add3A_609, %add3A_836 : i32
      %dma_start3A_838 = arith.constant 0 : i32
      %dma_start3A_839 = tpu.memref_slice %arg6[%squeeze3A_835, %dma_start3A_838] : memref<54x512xf32, #tpu.memory_space<vmem>> -> memref<1x512xf32, #tpu.memory_space<vmem>>
      %dma_start3A_840 = tpu.memref_squeeze %dma_start3A_839 : memref<1x512xf32, #tpu.memory_space<vmem>> -> memref<512xf32, #tpu.memory_space<vmem>>
      %dma_start3A_841 = arith.constant 0 : i32
      %dma_start3A_842 = tpu.memref_slice %arg4[%add3A_837, %dma_start3A_841] : memref<204800x512xf32, #tpu.memory_space<hbm>> -> memref<1x512xf32, #tpu.memory_space<hbm>>
      %dma_start3A_843 = tpu.memref_squeeze %dma_start3A_842 : memref<1x512xf32, #tpu.memory_space<hbm>> -> memref<512xf32, #tpu.memory_space<hbm>>
      %dma_start3A_844 = arith.constant 0 : i32
      %dma_start3A_845 = tpu.memref_slice %arg4[%add3A_837, %dma_start3A_844] : memref<204800x512xf32, #tpu.memory_space<hbm>> -> memref<1x512xf32, #tpu.memory_space<hbm>>
      %dma_start3A_846 = tpu.memref_squeeze %dma_start3A_845 : memref<1x512xf32, #tpu.memory_space<hbm>> -> memref<512xf32, #tpu.memory_space<hbm>>
      %dma_start3A_847 = arith.constant 0 : i32
      %dma_start3A_848 = tpu.memref_slice %arg6[%squeeze3A_835, %dma_start3A_847] : memref<54x512xf32, #tpu.memory_space<vmem>> -> memref<1x512xf32, #tpu.memory_space<vmem>>
      %dma_start3A_849 = tpu.memref_squeeze %dma_start3A_848 : memref<1x512xf32, #tpu.memory_space<vmem>> -> memref<512xf32, #tpu.memory_space<vmem>>
      tpu.enqueue_dma source(%dma_start3A_849 : memref<512xf32, #tpu.memory_space<vmem>>) target(%dma_start3A_846 : memref<512xf32, #tpu.memory_space<hbm>>) target_semaphore(%arg9 : memref<!tpu.dma_semaphore, #tpu.memory_space<semaphore_mem>>)
      %slice3A_850 = vector.extract_strided_slice %get3A_606 {offsets = [15], sizes = [1], strides = [1]} : vector<16xi32> to vector<1xi32>
      %squeeze3A_851 = vector.extract %slice3A_850[0] : i32 from vector<1xi32>
      %add3A_852 = arith.constant 15 : i32
      %add3A_853 = arith.addi %add3A_609, %add3A_852 : i32
      %dma_start3A_854 = arith.constant 0 : i32
      %dma_start3A_855 = tpu.memref_slice %arg6[%squeeze3A_851, %dma_start3A_854] : memref<54x512xf32, #tpu.memory_space<vmem>> -> memref<1x512xf32, #tpu.memory_space<vmem>>
      %dma_start3A_856 = tpu.memref_squeeze %dma_start3A_855 : memref<1x512xf32, #tpu.memory_space<vmem>> -> memref<512xf32, #tpu.memory_space<vmem>>
      %dma_start3A_857 = arith.constant 0 : i32
      %dma_start3A_858 = tpu.memref_slice %arg4[%add3A_853, %dma_start3A_857] : memref<204800x512xf32, #tpu.memory_space<hbm>> -> memref<1x512xf32, #tpu.memory_space<hbm>>
      %dma_start3A_859 = tpu.memref_squeeze %dma_start3A_858 : memref<1x512xf32, #tpu.memory_space<hbm>> -> memref<512xf32, #tpu.memory_space<hbm>>
      %dma_start3A_860 = arith.constant 0 : i32
      %dma_start3A_861 = tpu.memref_slice %arg4[%add3A_853, %dma_start3A_860] : memref<204800x512xf32, #tpu.memory_space<hbm>> -> memref<1x512xf32, #tpu.memory_space<hbm>>
      %dma_start3A_862 = tpu.memref_squeeze %dma_start3A_861 : memref<1x512xf32, #tpu.memory_space<hbm>> -> memref<512xf32, #tpu.memory_space<hbm>>
      %dma_start3A_863 = arith.constant 0 : i32
      %dma_start3A_864 = tpu.memref_slice %arg6[%squeeze3A_851, %dma_start3A_863] : memref<54x512xf32, #tpu.memory_space<vmem>> -> memref<1x512xf32, #tpu.memory_space<vmem>>
      %dma_start3A_865 = tpu.memref_squeeze %dma_start3A_864 : memref<1x512xf32, #tpu.memory_space<vmem>> -> memref<512xf32, #tpu.memory_space<vmem>>
      tpu.enqueue_dma source(%dma_start3A_865 : memref<512xf32, #tpu.memory_space<vmem>>) target(%dma_start3A_862 : memref<512xf32, #tpu.memory_space<hbm>>) target_semaphore(%arg9 : memref<!tpu.dma_semaphore, #tpu.memory_space<semaphore_mem>>)
      %mul3A_866 = arith.constant 4 : i32
      %mul3A_867 = arith.muli %scan3A_53, %mul3A_866 : i32
      %add3A_868 = arith.constant 3 : i32
      %add3A_869 = arith.addi %mul3A_867, %add3A_868 : i32
      %gt3A_870 = arith.constant 0 : i32
      %gt3A_871 = arith.cmpi sgt, %scan3A_53, %gt3A_870 : i32
      %convert_element_type3A_872 = arith.extui %gt3A_871 : i1 to i32
      %cond3A_873 = arith.constant 0 : i32
      %cond3A_874 = arith.cmpi ne, %convert_element_type3A_872, %cond3A_873 : i32
      scf.if %cond3A_874 {
        %dma_wait3A_1139 = arith.constant 0 : i32
        %dma_wait3A_1140 = arith.constant 0 : i32
        %dma_wait3A_1141 = tpu.memref_slice %arg6[%dma_wait3A_1139, %dma_wait3A_1140] : memref<54x512xf32, #tpu.memory_space<vmem>> -> memref<16x512xf32, #tpu.memory_space<vmem>>
        %dma_wait3A_1142 = arith.constant 0 : i32
        %dma_wait3A_1143 = tpu.memref_slice %arg4[%mul3A_2, %dma_wait3A_1142] : memref<204800x512xf32, #tpu.memory_space<hbm>> -> memref<16x512xf32, #tpu.memory_space<hbm>>
        %dma_wait3A_1144 = arith.constant 0 : i32
        %dma_wait3A_1145 = tpu.memref_slice %arg4[%mul3A_2, %dma_wait3A_1144] : memref<204800x512xf32, #tpu.memory_space<hbm>> -> memref<16x512xf32, #tpu.memory_space<hbm>>
        %dma_wait3A_1146 = arith.constant 0 : i32
        %dma_wait3A_1147 = arith.constant 0 : i32
        %dma_wait3A_1148 = tpu.memref_slice %arg6[%dma_wait3A_1146, %dma_wait3A_1147] : memref<54x512xf32, #tpu.memory_space<vmem>> -> memref<16x512xf32, #tpu.memory_space<vmem>>
        tpu.wait_dma2 semaphore(%arg10 : memref<!tpu.dma_semaphore, #tpu.memory_space<semaphore_mem>>) src(%dma_wait3A_1148 : memref<16x512xf32, #tpu.memory_space<vmem>>) dst(%dma_wait3A_1145 : memref<16x512xf32, #tpu.memory_space<hbm>>)
      } else {
      }
      %mul3A_875 = arith.constant 16 : i32
      %mul3A_876 = arith.muli %add3A_869, %mul3A_875 : i32
      %get3A_877 = arith.index_cast %mul3A_876 : i32 to index
      %get3A_878 = tpu.vector_load %arg5[%get3A_877] {strides = array<i32>} : memref<6400xi32, #tpu.memory_space<vmem>>, vector<16xi32>,
      %get3A_879 = vector.shape_cast %get3A_878 : vector<16xi32> to vector<16xi32>
      %mul3A_880 = arith.constant 16 : i32
      %mul3A_881 = arith.muli %add3A_869, %mul3A_880 : i32
      %add3A_882 = arith.addi %mul3A_2, %mul3A_881 : i32
      %slice3A_883 = vector.extract_strided_slice %get3A_879 {offsets = [0], sizes = [1], strides = [1]} : vector<16xi32> to vector<1xi32>
      %squeeze3A_884 = vector.extract %slice3A_883[0] : i32 from vector<1xi32>
      %add3A_885 = arith.constant 0 : i32
      %add3A_886 = arith.addi %add3A_882, %add3A_885 : i32
      %dma_start3A_887 = arith.constant 0 : i32
      %dma_start3A_888 = tpu.memref_slice %arg6[%squeeze3A_884, %dma_start3A_887] : memref<54x512xf32, #tpu.memory_space<vmem>> -> memref<1x512xf32, #tpu.memory_space<vmem>>
      %dma_start3A_889 = tpu.memref_squeeze %dma_start3A_888 : memref<1x512xf32, #tpu.memory_space<vmem>> -> memref<512xf32, #tpu.memory_space<vmem>>
      %dma_start3A_890 = arith.constant 0 : i32
      %dma_start3A_891 = tpu.memref_slice %arg4[%add3A_886, %dma_start3A_890] : memref<204800x512xf32, #tpu.memory_space<hbm>> -> memref<1x512xf32, #tpu.memory_space<hbm>>
      %dma_start3A_892 = tpu.memref_squeeze %dma_start3A_891 : memref<1x512xf32, #tpu.memory_space<hbm>> -> memref<512xf32, #tpu.memory_space<hbm>>
      %dma_start3A_893 = arith.constant 0 : i32
      %dma_start3A_894 = tpu.memref_slice %arg4[%add3A_886, %dma_start3A_893] : memref<204800x512xf32, #tpu.memory_space<hbm>> -> memref<1x512xf32, #tpu.memory_space<hbm>>
      %dma_start3A_895 = tpu.memref_squeeze %dma_start3A_894 : memref<1x512xf32, #tpu.memory_space<hbm>> -> memref<512xf32, #tpu.memory_space<hbm>>
      %dma_start3A_896 = arith.constant 0 : i32
      %dma_start3A_897 = tpu.memref_slice %arg6[%squeeze3A_884, %dma_start3A_896] : memref<54x512xf32, #tpu.memory_space<vmem>> -> memref<1x512xf32, #tpu.memory_space<vmem>>
      %dma_start3A_898 = tpu.memref_squeeze %dma_start3A_897 : memref<1x512xf32, #tpu.memory_space<vmem>> -> memref<512xf32, #tpu.memory_space<vmem>>
      tpu.enqueue_dma source(%dma_start3A_898 : memref<512xf32, #tpu.memory_space<vmem>>) target(%dma_start3A_895 : memref<512xf32, #tpu.memory_space<hbm>>) target_semaphore(%arg10 : memref<!tpu.dma_semaphore, #tpu.memory_space<semaphore_mem>>)
      %slice3A_899 = vector.extract_strided_slice %get3A_879 {offsets = [1], sizes = [1], strides = [1]} : vector<16xi32> to vector<1xi32>
      %squeeze3A_900 = vector.extract %slice3A_899[0] : i32 from vector<1xi32>
      %add3A_901 = arith.constant 1 : i32
      %add3A_902 = arith.addi %add3A_882, %add3A_901 : i32
      %dma_start3A_903 = arith.constant 0 : i32
      %dma_start3A_904 = tpu.memref_slice %arg6[%squeeze3A_900, %dma_start3A_903] : memref<54x512xf32, #tpu.memory_space<vmem>> -> memref<1x512xf32, #tpu.memory_space<vmem>>
      %dma_start3A_905 = tpu.memref_squeeze %dma_start3A_904 : memref<1x512xf32, #tpu.memory_space<vmem>> -> memref<512xf32, #tpu.memory_space<vmem>>
      %dma_start3A_906 = arith.constant 0 : i32
      %dma_start3A_907 = tpu.memref_slice %arg4[%add3A_902, %dma_start3A_906] : memref<204800x512xf32, #tpu.memory_space<hbm>> -> memref<1x512xf32, #tpu.memory_space<hbm>>
      %dma_start3A_908 = tpu.memref_squeeze %dma_start3A_907 : memref<1x512xf32, #tpu.memory_space<hbm>> -> memref<512xf32, #tpu.memory_space<hbm>>
      %dma_start3A_909 = arith.constant 0 : i32
      %dma_start3A_910 = tpu.memref_slice %arg4[%add3A_902, %dma_start3A_909] : memref<204800x512xf32, #tpu.memory_space<hbm>> -> memref<1x512xf32, #tpu.memory_space<hbm>>
      %dma_start3A_911 = tpu.memref_squeeze %dma_start3A_910 : memref<1x512xf32, #tpu.memory_space<hbm>> -> memref<512xf32, #tpu.memory_space<hbm>>
      %dma_start3A_912 = arith.constant 0 : i32
      %dma_start3A_913 = tpu.memref_slice %arg6[%squeeze3A_900, %dma_start3A_912] : memref<54x512xf32, #tpu.memory_space<vmem>> -> memref<1x512xf32, #tpu.memory_space<vmem>>
      %dma_start3A_914 = tpu.memref_squeeze %dma_start3A_913 : memref<1x512xf32, #tpu.memory_space<vmem>> -> memref<512xf32, #tpu.memory_space<vmem>>
      tpu.enqueue_dma source(%dma_start3A_914 : memref<512xf32, #tpu.memory_space<vmem>>) target(%dma_start3A_911 : memref<512xf32, #tpu.memory_space<hbm>>) target_semaphore(%arg10 : memref<!tpu.dma_semaphore, #tpu.memory_space<semaphore_mem>>)
      %slice3A_915 = vector.extract_strided_slice %get3A_879 {offsets = [2], sizes = [1], strides = [1]} : vector<16xi32> to vector<1xi32>
      %squeeze3A_916 = vector.extract %slice3A_915[0] : i32 from vector<1xi32>
      %add3A_917 = arith.constant 2 : i32
      %add3A_918 = arith.addi %add3A_882, %add3A_917 : i32
      %dma_start3A_919 = arith.constant 0 : i32
      %dma_start3A_920 = tpu.memref_slice %arg6[%squeeze3A_916, %dma_start3A_919] : memref<54x512xf32, #tpu.memory_space<vmem>> -> memref<1x512xf32, #tpu.memory_space<vmem>>
      %dma_start3A_921 = tpu.memref_squeeze %dma_start3A_920 : memref<1x512xf32, #tpu.memory_space<vmem>> -> memref<512xf32, #tpu.memory_space<vmem>>
      %dma_start3A_922 = arith.constant 0 : i32
      %dma_start3A_923 = tpu.memref_slice %arg4[%add3A_918, %dma_start3A_922] : memref<204800x512xf32, #tpu.memory_space<hbm>> -> memref<1x512xf32, #tpu.memory_space<hbm>>
      %dma_start3A_924 = tpu.memref_squeeze %dma_start3A_923 : memref<1x512xf32, #tpu.memory_space<hbm>> -> memref<512xf32, #tpu.memory_space<hbm>>
      %dma_start3A_925 = arith.constant 0 : i32
      %dma_start3A_926 = tpu.memref_slice %arg4[%add3A_918, %dma_start3A_925] : memref<204800x512xf32, #tpu.memory_space<hbm>> -> memref<1x512xf32, #tpu.memory_space<hbm>>
      %dma_start3A_927 = tpu.memref_squeeze %dma_start3A_926 : memref<1x512xf32, #tpu.memory_space<hbm>> -> memref<512xf32, #tpu.memory_space<hbm>>
      %dma_start3A_928 = arith.constant 0 : i32
      %dma_start3A_929 = tpu.memref_slice %arg6[%squeeze3A_916, %dma_start3A_928] : memref<54x512xf32, #tpu.memory_space<vmem>> -> memref<1x512xf32, #tpu.memory_space<vmem>>
      %dma_start3A_930 = tpu.memref_squeeze %dma_start3A_929 : memref<1x512xf32, #tpu.memory_space<vmem>> -> memref<512xf32, #tpu.memory_space<vmem>>
      tpu.enqueue_dma source(%dma_start3A_930 : memref<512xf32, #tpu.memory_space<vmem>>) target(%dma_start3A_927 : memref<512xf32, #tpu.memory_space<hbm>>) target_semaphore(%arg10 : memref<!tpu.dma_semaphore, #tpu.memory_space<semaphore_mem>>)
      %slice3A_931 = vector.extract_strided_slice %get3A_879 {offsets = [3], sizes = [1], strides = [1]} : vector<16xi32> to vector<1xi32>
      %squeeze3A_932 = vector.extract %slice3A_931[0] : i32 from vector<1xi32>
      %add3A_933 = arith.constant 3 : i32
      %add3A_934 = arith.addi %add3A_882, %add3A_933 : i32
      %dma_start3A_935 = arith.constant 0 : i32
      %dma_start3A_936 = tpu.memref_slice %arg6[%squeeze3A_932, %dma_start3A_935] : memref<54x512xf32, #tpu.memory_space<vmem>> -> memref<1x512xf32, #tpu.memory_space<vmem>>
      %dma_start3A_937 = tpu.memref_squeeze %dma_start3A_936 : memref<1x512xf32, #tpu.memory_space<vmem>> -> memref<512xf32, #tpu.memory_space<vmem>>
      %dma_start3A_938 = arith.constant 0 : i32
      %dma_start3A_939 = tpu.memref_slice %arg4[%add3A_934, %dma_start3A_938] : memref<204800x512xf32, #tpu.memory_space<hbm>> -> memref<1x512xf32, #tpu.memory_space<hbm>>
      %dma_start3A_940 = tpu.memref_squeeze %dma_start3A_939 : memref<1x512xf32, #tpu.memory_space<hbm>> -> memref<512xf32, #tpu.memory_space<hbm>>
      %dma_start3A_941 = arith.constant 0 : i32
      %dma_start3A_942 = tpu.memref_slice %arg4[%add3A_934, %dma_start3A_941] : memref<204800x512xf32, #tpu.memory_space<hbm>> -> memref<1x512xf32, #tpu.memory_space<hbm>>
      %dma_start3A_943 = tpu.memref_squeeze %dma_start3A_942 : memref<1x512xf32, #tpu.memory_space<hbm>> -> memref<512xf32, #tpu.memory_space<hbm>>
      %dma_start3A_944 = arith.constant 0 : i32
      %dma_start3A_945 = tpu.memref_slice %arg6[%squeeze3A_932, %dma_start3A_944] : memref<54x512xf32, #tpu.memory_space<vmem>> -> memref<1x512xf32, #tpu.memory_space<vmem>>
      %dma_start3A_946 = tpu.memref_squeeze %dma_start3A_945 : memref<1x512xf32, #tpu.memory_space<vmem>> -> memref<512xf32, #tpu.memory_space<vmem>>
      tpu.enqueue_dma source(%dma_start3A_946 : memref<512xf32, #tpu.memory_space<vmem>>) target(%dma_start3A_943 : memref<512xf32, #tpu.memory_space<hbm>>) target_semaphore(%arg10 : memref<!tpu.dma_semaphore, #tpu.memory_space<semaphore_mem>>)
      %slice3A_947 = vector.extract_strided_slice %get3A_879 {offsets = [4], sizes = [1], strides = [1]} : vector<16xi32> to vector<1xi32>
      %squeeze3A_948 = vector.extract %slice3A_947[0] : i32 from vector<1xi32>
      %add3A_949 = arith.constant 4 : i32
      %add3A_950 = arith.addi %add3A_882, %add3A_949 : i32
      %dma_start3A_951 = arith.constant 0 : i32
      %dma_start3A_952 = tpu.memref_slice %arg6[%squeeze3A_948, %dma_start3A_951] : memref<54x512xf32, #tpu.memory_space<vmem>> -> memref<1x512xf32, #tpu.memory_space<vmem>>
      %dma_start3A_953 = tpu.memref_squeeze %dma_start3A_952 : memref<1x512xf32, #tpu.memory_space<vmem>> -> memref<512xf32, #tpu.memory_space<vmem>>
      %dma_start3A_954 = arith.constant 0 : i32
      %dma_start3A_955 = tpu.memref_slice %arg4[%add3A_950, %dma_start3A_954] : memref<204800x512xf32, #tpu.memory_space<hbm>> -> memref<1x512xf32, #tpu.memory_space<hbm>>
      %dma_start3A_956 = tpu.memref_squeeze %dma_start3A_955 : memref<1x512xf32, #tpu.memory_space<hbm>> -> memref<512xf32, #tpu.memory_space<hbm>>
      %dma_start3A_957 = arith.constant 0 : i32
      %dma_start3A_958 = tpu.memref_slice %arg4[%add3A_950, %dma_start3A_957] : memref<204800x512xf32, #tpu.memory_space<hbm>> -> memref<1x512xf32, #tpu.memory_space<hbm>>
      %dma_start3A_959 = tpu.memref_squeeze %dma_start3A_958 : memref<1x512xf32, #tpu.memory_space<hbm>> -> memref<512xf32, #tpu.memory_space<hbm>>
      %dma_start3A_960 = arith.constant 0 : i32
      %dma_start3A_961 = tpu.memref_slice %arg6[%squeeze3A_948, %dma_start3A_960] : memref<54x512xf32, #tpu.memory_space<vmem>> -> memref<1x512xf32, #tpu.memory_space<vmem>>
      %dma_start3A_962 = tpu.memref_squeeze %dma_start3A_961 : memref<1x512xf32, #tpu.memory_space<vmem>> -> memref<512xf32, #tpu.memory_space<vmem>>
      tpu.enqueue_dma source(%dma_start3A_962 : memref<512xf32, #tpu.memory_space<vmem>>) target(%dma_start3A_959 : memref<512xf32, #tpu.memory_space<hbm>>) target_semaphore(%arg10 : memref<!tpu.dma_semaphore, #tpu.memory_space<semaphore_mem>>)
      %slice3A_963 = vector.extract_strided_slice %get3A_879 {offsets = [5], sizes = [1], strides = [1]} : vector<16xi32> to vector<1xi32>
      %squeeze3A_964 = vector.extract %slice3A_963[0] : i32 from vector<1xi32>
      %add3A_965 = arith.constant 5 : i32
      %add3A_966 = arith.addi %add3A_882, %add3A_965 : i32
      %dma_start3A_967 = arith.constant 0 : i32
      %dma_start3A_968 = tpu.memref_slice %arg6[%squeeze3A_964, %dma_start3A_967] : memref<54x512xf32, #tpu.memory_space<vmem>> -> memref<1x512xf32, #tpu.memory_space<vmem>>
      %dma_start3A_969 = tpu.memref_squeeze %dma_start3A_968 : memref<1x512xf32, #tpu.memory_space<vmem>> -> memref<512xf32, #tpu.memory_space<vmem>>
      %dma_start3A_970 = arith.constant 0 : i32
      %dma_start3A_971 = tpu.memref_slice %arg4[%add3A_966, %dma_start3A_970] : memref<204800x512xf32, #tpu.memory_space<hbm>> -> memref<1x512xf32, #tpu.memory_space<hbm>>
      %dma_start3A_972 = tpu.memref_squeeze %dma_start3A_971 : memref<1x512xf32, #tpu.memory_space<hbm>> -> memref<512xf32, #tpu.memory_space<hbm>>
      %dma_start3A_973 = arith.constant 0 : i32
      %dma_start3A_974 = tpu.memref_slice %arg4[%add3A_966, %dma_start3A_973] : memref<204800x512xf32, #tpu.memory_space<hbm>> -> memref<1x512xf32, #tpu.memory_space<hbm>>
      %dma_start3A_975 = tpu.memref_squeeze %dma_start3A_974 : memref<1x512xf32, #tpu.memory_space<hbm>> -> memref<512xf32, #tpu.memory_space<hbm>>
      %dma_start3A_976 = arith.constant 0 : i32
      %dma_start3A_977 = tpu.memref_slice %arg6[%squeeze3A_964, %dma_start3A_976] : memref<54x512xf32, #tpu.memory_space<vmem>> -> memref<1x512xf32, #tpu.memory_space<vmem>>
      %dma_start3A_978 = tpu.memref_squeeze %dma_start3A_977 : memref<1x512xf32, #tpu.memory_space<vmem>> -> memref<512xf32, #tpu.memory_space<vmem>>
      tpu.enqueue_dma source(%dma_start3A_978 : memref<512xf32, #tpu.memory_space<vmem>>) target(%dma_start3A_975 : memref<512xf32, #tpu.memory_space<hbm>>) target_semaphore(%arg10 : memref<!tpu.dma_semaphore, #tpu.memory_space<semaphore_mem>>)
      %slice3A_979 = vector.extract_strided_slice %get3A_879 {offsets = [6], sizes = [1], strides = [1]} : vector<16xi32> to vector<1xi32>
      %squeeze3A_980 = vector.extract %slice3A_979[0] : i32 from vector<1xi32>
      %add3A_981 = arith.constant 6 : i32
      %add3A_982 = arith.addi %add3A_882, %add3A_981 : i32
      %dma_start3A_983 = arith.constant 0 : i32
      %dma_start3A_984 = tpu.memref_slice %arg6[%squeeze3A_980, %dma_start3A_983] : memref<54x512xf32, #tpu.memory_space<vmem>> -> memref<1x512xf32, #tpu.memory_space<vmem>>
      %dma_start3A_985 = tpu.memref_squeeze %dma_start3A_984 : memref<1x512xf32, #tpu.memory_space<vmem>> -> memref<512xf32, #tpu.memory_space<vmem>>
      %dma_start3A_986 = arith.constant 0 : i32
      %dma_start3A_987 = tpu.memref_slice %arg4[%add3A_982, %dma_start3A_986] : memref<204800x512xf32, #tpu.memory_space<hbm>> -> memref<1x512xf32, #tpu.memory_space<hbm>>
      %dma_start3A_988 = tpu.memref_squeeze %dma_start3A_987 : memref<1x512xf32, #tpu.memory_space<hbm>> -> memref<512xf32, #tpu.memory_space<hbm>>
      %dma_start3A_989 = arith.constant 0 : i32
      %dma_start3A_990 = tpu.memref_slice %arg4[%add3A_982, %dma_start3A_989] : memref<204800x512xf32, #tpu.memory_space<hbm>> -> memref<1x512xf32, #tpu.memory_space<hbm>>
      %dma_start3A_991 = tpu.memref_squeeze %dma_start3A_990 : memref<1x512xf32, #tpu.memory_space<hbm>> -> memref<512xf32, #tpu.memory_space<hbm>>
      %dma_start3A_992 = arith.constant 0 : i32
      %dma_start3A_993 = tpu.memref_slice %arg6[%squeeze3A_980, %dma_start3A_992] : memref<54x512xf32, #tpu.memory_space<vmem>> -> memref<1x512xf32, #tpu.memory_space<vmem>>
      %dma_start3A_994 = tpu.memref_squeeze %dma_start3A_993 : memref<1x512xf32, #tpu.memory_space<vmem>> -> memref<512xf32, #tpu.memory_space<vmem>>
      tpu.enqueue_dma source(%dma_start3A_994 : memref<512xf32, #tpu.memory_space<vmem>>) target(%dma_start3A_991 : memref<512xf32, #tpu.memory_space<hbm>>) target_semaphore(%arg10 : memref<!tpu.dma_semaphore, #tpu.memory_space<semaphore_mem>>)
      %slice3A_995 = vector.extract_strided_slice %get3A_879 {offsets = [7], sizes = [1], strides = [1]} : vector<16xi32> to vector<1xi32>
      %squeeze3A_996 = vector.extract %slice3A_995[0] : i32 from vector<1xi32>
      %add3A_997 = arith.constant 7 : i32
      %add3A_998 = arith.addi %add3A_882, %add3A_997 : i32
      %dma_start3A_999 = arith.constant 0 : i32
      %dma_start3A_1000 = tpu.memref_slice %arg6[%squeeze3A_996, %dma_start3A_999] : memref<54x512xf32, #tpu.memory_space<vmem>> -> memref<1x512xf32, #tpu.memory_space<vmem>>
      %dma_start3A_1001 = tpu.memref_squeeze %dma_start3A_1000 : memref<1x512xf32, #tpu.memory_space<vmem>> -> memref<512xf32, #tpu.memory_space<vmem>>
      %dma_start3A_1002 = arith.constant 0 : i32
      %dma_start3A_1003 = tpu.memref_slice %arg4[%add3A_998, %dma_start3A_1002] : memref<204800x512xf32, #tpu.memory_space<hbm>> -> memref<1x512xf32, #tpu.memory_space<hbm>>
      %dma_start3A_1004 = tpu.memref_squeeze %dma_start3A_1003 : memref<1x512xf32, #tpu.memory_space<hbm>> -> memref<512xf32, #tpu.memory_space<hbm>>
      %dma_start3A_1005 = arith.constant 0 : i32
      %dma_start3A_1006 = tpu.memref_slice %arg4[%add3A_998, %dma_start3A_1005] : memref<204800x512xf32, #tpu.memory_space<hbm>> -> memref<1x512xf32, #tpu.memory_space<hbm>>
      %dma_start3A_1007 = tpu.memref_squeeze %dma_start3A_1006 : memref<1x512xf32, #tpu.memory_space<hbm>> -> memref<512xf32, #tpu.memory_space<hbm>>
      %dma_start3A_1008 = arith.constant 0 : i32
      %dma_start3A_1009 = tpu.memref_slice %arg6[%squeeze3A_996, %dma_start3A_1008] : memref<54x512xf32, #tpu.memory_space<vmem>> -> memref<1x512xf32, #tpu.memory_space<vmem>>
      %dma_start3A_1010 = tpu.memref_squeeze %dma_start3A_1009 : memref<1x512xf32, #tpu.memory_space<vmem>> -> memref<512xf32, #tpu.memory_space<vmem>>
      tpu.enqueue_dma source(%dma_start3A_1010 : memref<512xf32, #tpu.memory_space<vmem>>) target(%dma_start3A_1007 : memref<512xf32, #tpu.memory_space<hbm>>) target_semaphore(%arg10 : memref<!tpu.dma_semaphore, #tpu.memory_space<semaphore_mem>>)
      %slice3A_1011 = vector.extract_strided_slice %get3A_879 {offsets = [8], sizes = [1], strides = [1]} : vector<16xi32> to vector<1xi32>
      %squeeze3A_1012 = vector.extract %slice3A_1011[0] : i32 from vector<1xi32>
      %add3A_1013 = arith.constant 8 : i32
      %add3A_1014 = arith.addi %add3A_882, %add3A_1013 : i32
      %dma_start3A_1015 = arith.constant 0 : i32
      %dma_start3A_1016 = tpu.memref_slice %arg6[%squeeze3A_1012, %dma_start3A_1015] : memref<54x512xf32, #tpu.memory_space<vmem>> -> memref<1x512xf32, #tpu.memory_space<vmem>>
      %dma_start3A_1017 = tpu.memref_squeeze %dma_start3A_1016 : memref<1x512xf32, #tpu.memory_space<vmem>> -> memref<512xf32, #tpu.memory_space<vmem>>
      %dma_start3A_1018 = arith.constant 0 : i32
      %dma_start3A_1019 = tpu.memref_slice %arg4[%add3A_1014, %dma_start3A_1018] : memref<204800x512xf32, #tpu.memory_space<hbm>> -> memref<1x512xf32, #tpu.memory_space<hbm>>
      %dma_start3A_1020 = tpu.memref_squeeze %dma_start3A_1019 : memref<1x512xf32, #tpu.memory_space<hbm>> -> memref<512xf32, #tpu.memory_space<hbm>>
      %dma_start3A_1021 = arith.constant 0 : i32
      %dma_start3A_1022 = tpu.memref_slice %arg4[%add3A_1014, %dma_start3A_1021] : memref<204800x512xf32, #tpu.memory_space<hbm>> -> memref<1x512xf32, #tpu.memory_space<hbm>>
      %dma_start3A_1023 = tpu.memref_squeeze %dma_start3A_1022 : memref<1x512xf32, #tpu.memory_space<hbm>> -> memref<512xf32, #tpu.memory_space<hbm>>
      %dma_start3A_1024 = arith.constant 0 : i32
      %dma_start3A_1025 = tpu.memref_slice %arg6[%squeeze3A_1012, %dma_start3A_1024] : memref<54x512xf32, #tpu.memory_space<vmem>> -> memref<1x512xf32, #tpu.memory_space<vmem>>
      %dma_start3A_1026 = tpu.memref_squeeze %dma_start3A_1025 : memref<1x512xf32, #tpu.memory_space<vmem>> -> memref<512xf32, #tpu.memory_space<vmem>>
      tpu.enqueue_dma source(%dma_start3A_1026 : memref<512xf32, #tpu.memory_space<vmem>>) target(%dma_start3A_1023 : memref<512xf32, #tpu.memory_space<hbm>>) target_semaphore(%arg10 : memref<!tpu.dma_semaphore, #tpu.memory_space<semaphore_mem>>)
      %slice3A_1027 = vector.extract_strided_slice %get3A_879 {offsets = [9], sizes = [1], strides = [1]} : vector<16xi32> to vector<1xi32>
      %squeeze3A_1028 = vector.extract %slice3A_1027[0] : i32 from vector<1xi32>
      %add3A_1029 = arith.constant 9 : i32
      %add3A_1030 = arith.addi %add3A_882, %add3A_1029 : i32
      %dma_start3A_1031 = arith.constant 0 : i32
      %dma_start3A_1032 = tpu.memref_slice %arg6[%squeeze3A_1028, %dma_start3A_1031] : memref<54x512xf32, #tpu.memory_space<vmem>> -> memref<1x512xf32, #tpu.memory_space<vmem>>
      %dma_start3A_1033 = tpu.memref_squeeze %dma_start3A_1032 : memref<1x512xf32, #tpu.memory_space<vmem>> -> memref<512xf32, #tpu.memory_space<vmem>>
      %dma_start3A_1034 = arith.constant 0 : i32
      %dma_start3A_1035 = tpu.memref_slice %arg4[%add3A_1030, %dma_start3A_1034] : memref<204800x512xf32, #tpu.memory_space<hbm>> -> memref<1x512xf32, #tpu.memory_space<hbm>>
      %dma_start3A_1036 = tpu.memref_squeeze %dma_start3A_1035 : memref<1x512xf32, #tpu.memory_space<hbm>> -> memref<512xf32, #tpu.memory_space<hbm>>
      %dma_start3A_1037 = arith.constant 0 : i32
      %dma_start3A_1038 = tpu.memref_slice %arg4[%add3A_1030, %dma_start3A_1037] : memref<204800x512xf32, #tpu.memory_space<hbm>> -> memref<1x512xf32, #tpu.memory_space<hbm>>
      %dma_start3A_1039 = tpu.memref_squeeze %dma_start3A_1038 : memref<1x512xf32, #tpu.memory_space<hbm>> -> memref<512xf32, #tpu.memory_space<hbm>>
      %dma_start3A_1040 = arith.constant 0 : i32
      %dma_start3A_1041 = tpu.memref_slice %arg6[%squeeze3A_1028, %dma_start3A_1040] : memref<54x512xf32, #tpu.memory_space<vmem>> -> memref<1x512xf32, #tpu.memory_space<vmem>>
      %dma_start3A_1042 = tpu.memref_squeeze %dma_start3A_1041 : memref<1x512xf32, #tpu.memory_space<vmem>> -> memref<512xf32, #tpu.memory_space<vmem>>
      tpu.enqueue_dma source(%dma_start3A_1042 : memref<512xf32, #tpu.memory_space<vmem>>) target(%dma_start3A_1039 : memref<512xf32, #tpu.memory_space<hbm>>) target_semaphore(%arg10 : memref<!tpu.dma_semaphore, #tpu.memory_space<semaphore_mem>>)
      %slice3A_1043 = vector.extract_strided_slice %get3A_879 {offsets = [10], sizes = [1], strides = [1]} : vector<16xi32> to vector<1xi32>
      %squeeze3A_1044 = vector.extract %slice3A_1043[0] : i32 from vector<1xi32>
      %add3A_1045 = arith.constant 10 : i32
      %add3A_1046 = arith.addi %add3A_882, %add3A_1045 : i32
      %dma_start3A_1047 = arith.constant 0 : i32
      %dma_start3A_1048 = tpu.memref_slice %arg6[%squeeze3A_1044, %dma_start3A_1047] : memref<54x512xf32, #tpu.memory_space<vmem>> -> memref<1x512xf32, #tpu.memory_space<vmem>>
      %dma_start3A_1049 = tpu.memref_squeeze %dma_start3A_1048 : memref<1x512xf32, #tpu.memory_space<vmem>> -> memref<512xf32, #tpu.memory_space<vmem>>
      %dma_start3A_1050 = arith.constant 0 : i32
      %dma_start3A_1051 = tpu.memref_slice %arg4[%add3A_1046, %dma_start3A_1050] : memref<204800x512xf32, #tpu.memory_space<hbm>> -> memref<1x512xf32, #tpu.memory_space<hbm>>
      %dma_start3A_1052 = tpu.memref_squeeze %dma_start3A_1051 : memref<1x512xf32, #tpu.memory_space<hbm>> -> memref<512xf32, #tpu.memory_space<hbm>>
      %dma_start3A_1053 = arith.constant 0 : i32
      %dma_start3A_1054 = tpu.memref_slice %arg4[%add3A_1046, %dma_start3A_1053] : memref<204800x512xf32, #tpu.memory_space<hbm>> -> memref<1x512xf32, #tpu.memory_space<hbm>>
      %dma_start3A_1055 = tpu.memref_squeeze %dma_start3A_1054 : memref<1x512xf32, #tpu.memory_space<hbm>> -> memref<512xf32, #tpu.memory_space<hbm>>
      %dma_start3A_1056 = arith.constant 0 : i32
      %dma_start3A_1057 = tpu.memref_slice %arg6[%squeeze3A_1044, %dma_start3A_1056] : memref<54x512xf32, #tpu.memory_space<vmem>> -> memref<1x512xf32, #tpu.memory_space<vmem>>
      %dma_start3A_1058 = tpu.memref_squeeze %dma_start3A_1057 : memref<1x512xf32, #tpu.memory_space<vmem>> -> memref<512xf32, #tpu.memory_space<vmem>>
      tpu.enqueue_dma source(%dma_start3A_1058 : memref<512xf32, #tpu.memory_space<vmem>>) target(%dma_start3A_1055 : memref<512xf32, #tpu.memory_space<hbm>>) target_semaphore(%arg10 : memref<!tpu.dma_semaphore, #tpu.memory_space<semaphore_mem>>)
      %slice3A_1059 = vector.extract_strided_slice %get3A_879 {offsets = [11], sizes = [1], strides = [1]} : vector<16xi32> to vector<1xi32>
      %squeeze3A_1060 = vector.extract %slice3A_1059[0] : i32 from vector<1xi32>
      %add3A_1061 = arith.constant 11 : i32
      %add3A_1062 = arith.addi %add3A_882, %add3A_1061 : i32
      %dma_start3A_1063 = arith.constant 0 : i32
      %dma_start3A_1064 = tpu.memref_slice %arg6[%squeeze3A_1060, %dma_start3A_1063] : memref<54x512xf32, #tpu.memory_space<vmem>> -> memref<1x512xf32, #tpu.memory_space<vmem>>
      %dma_start3A_1065 = tpu.memref_squeeze %dma_start3A_1064 : memref<1x512xf32, #tpu.memory_space<vmem>> -> memref<512xf32, #tpu.memory_space<vmem>>
      %dma_start3A_1066 = arith.constant 0 : i32
      %dma_start3A_1067 = tpu.memref_slice %arg4[%add3A_1062, %dma_start3A_1066] : memref<204800x512xf32, #tpu.memory_space<hbm>> -> memref<1x512xf32, #tpu.memory_space<hbm>>
      %dma_start3A_1068 = tpu.memref_squeeze %dma_start3A_1067 : memref<1x512xf32, #tpu.memory_space<hbm>> -> memref<512xf32, #tpu.memory_space<hbm>>
      %dma_start3A_1069 = arith.constant 0 : i32
      %dma_start3A_1070 = tpu.memref_slice %arg4[%add3A_1062, %dma_start3A_1069] : memref<204800x512xf32, #tpu.memory_space<hbm>> -> memref<1x512xf32, #tpu.memory_space<hbm>>
      %dma_start3A_1071 = tpu.memref_squeeze %dma_start3A_1070 : memref<1x512xf32, #tpu.memory_space<hbm>> -> memref<512xf32, #tpu.memory_space<hbm>>
      %dma_start3A_1072 = arith.constant 0 : i32
      %dma_start3A_1073 = tpu.memref_slice %arg6[%squeeze3A_1060, %dma_start3A_1072] : memref<54x512xf32, #tpu.memory_space<vmem>> -> memref<1x512xf32, #tpu.memory_space<vmem>>
      %dma_start3A_1074 = tpu.memref_squeeze %dma_start3A_1073 : memref<1x512xf32, #tpu.memory_space<vmem>> -> memref<512xf32, #tpu.memory_space<vmem>>
      tpu.enqueue_dma source(%dma_start3A_1074 : memref<512xf32, #tpu.memory_space<vmem>>) target(%dma_start3A_1071 : memref<512xf32, #tpu.memory_space<hbm>>) target_semaphore(%arg10 : memref<!tpu.dma_semaphore, #tpu.memory_space<semaphore_mem>>)
      %slice3A_1075 = vector.extract_strided_slice %get3A_879 {offsets = [12], sizes = [1], strides = [1]} : vector<16xi32> to vector<1xi32>
      %squeeze3A_1076 = vector.extract %slice3A_1075[0] : i32 from vector<1xi32>
      %add3A_1077 = arith.constant 12 : i32
      %add3A_1078 = arith.addi %add3A_882, %add3A_1077 : i32
      %dma_start3A_1079 = arith.constant 0 : i32
      %dma_start3A_1080 = tpu.memref_slice %arg6[%squeeze3A_1076, %dma_start3A_1079] : memref<54x512xf32, #tpu.memory_space<vmem>> -> memref<1x512xf32, #tpu.memory_space<vmem>>
      %dma_start3A_1081 = tpu.memref_squeeze %dma_start3A_1080 : memref<1x512xf32, #tpu.memory_space<vmem>> -> memref<512xf32, #tpu.memory_space<vmem>>
      %dma_start3A_1082 = arith.constant 0 : i32
      %dma_start3A_1083 = tpu.memref_slice %arg4[%add3A_1078, %dma_start3A_1082] : memref<204800x512xf32, #tpu.memory_space<hbm>> -> memref<1x512xf32, #tpu.memory_space<hbm>>
      %dma_start3A_1084 = tpu.memref_squeeze %dma_start3A_1083 : memref<1x512xf32, #tpu.memory_space<hbm>> -> memref<512xf32, #tpu.memory_space<hbm>>
      %dma_start3A_1085 = arith.constant 0 : i32
      %dma_start3A_1086 = tpu.memref_slice %arg4[%add3A_1078, %dma_start3A_1085] : memref<204800x512xf32, #tpu.memory_space<hbm>> -> memref<1x512xf32, #tpu.memory_space<hbm>>
      %dma_start3A_1087 = tpu.memref_squeeze %dma_start3A_1086 : memref<1x512xf32, #tpu.memory_space<hbm>> -> memref<512xf32, #tpu.memory_space<hbm>>
      %dma_start3A_1088 = arith.constant 0 : i32
      %dma_start3A_1089 = tpu.memref_slice %arg6[%squeeze3A_1076, %dma_start3A_1088] : memref<54x512xf32, #tpu.memory_space<vmem>> -> memref<1x512xf32, #tpu.memory_space<vmem>>
      %dma_start3A_1090 = tpu.memref_squeeze %dma_start3A_1089 : memref<1x512xf32, #tpu.memory_space<vmem>> -> memref<512xf32, #tpu.memory_space<vmem>>
      tpu.enqueue_dma source(%dma_start3A_1090 : memref<512xf32, #tpu.memory_space<vmem>>) target(%dma_start3A_1087 : memref<512xf32, #tpu.memory_space<hbm>>) target_semaphore(%arg10 : memref<!tpu.dma_semaphore, #tpu.memory_space<semaphore_mem>>)
      %slice3A_1091 = vector.extract_strided_slice %get3A_879 {offsets = [13], sizes = [1], strides = [1]} : vector<16xi32> to vector<1xi32>
      %squeeze3A_1092 = vector.extract %slice3A_1091[0] : i32 from vector<1xi32>
      %add3A_1093 = arith.constant 13 : i32
      %add3A_1094 = arith.addi %add3A_882, %add3A_1093 : i32
      %dma_start3A_1095 = arith.constant 0 : i32
      %dma_start3A_1096 = tpu.memref_slice %arg6[%squeeze3A_1092, %dma_start3A_1095] : memref<54x512xf32, #tpu.memory_space<vmem>> -> memref<1x512xf32, #tpu.memory_space<vmem>>
      %dma_start3A_1097 = tpu.memref_squeeze %dma_start3A_1096 : memref<1x512xf32, #tpu.memory_space<vmem>> -> memref<512xf32, #tpu.memory_space<vmem>>
      %dma_start3A_1098 = arith.constant 0 : i32
      %dma_start3A_1099 = tpu.memref_slice %arg4[%add3A_1094, %dma_start3A_1098] : memref<204800x512xf32, #tpu.memory_space<hbm>> -> memref<1x512xf32, #tpu.memory_space<hbm>>
      %dma_start3A_1100 = tpu.memref_squeeze %dma_start3A_1099 : memref<1x512xf32, #tpu.memory_space<hbm>> -> memref<512xf32, #tpu.memory_space<hbm>>
      %dma_start3A_1101 = arith.constant 0 : i32
      %dma_start3A_1102 = tpu.memref_slice %arg4[%add3A_1094, %dma_start3A_1101] : memref<204800x512xf32, #tpu.memory_space<hbm>> -> memref<1x512xf32, #tpu.memory_space<hbm>>
      %dma_start3A_1103 = tpu.memref_squeeze %dma_start3A_1102 : memref<1x512xf32, #tpu.memory_space<hbm>> -> memref<512xf32, #tpu.memory_space<hbm>>
      %dma_start3A_1104 = arith.constant 0 : i32
      %dma_start3A_1105 = tpu.memref_slice %arg6[%squeeze3A_1092, %dma_start3A_1104] : memref<54x512xf32, #tpu.memory_space<vmem>> -> memref<1x512xf32, #tpu.memory_space<vmem>>
      %dma_start3A_1106 = tpu.memref_squeeze %dma_start3A_1105 : memref<1x512xf32, #tpu.memory_space<vmem>> -> memref<512xf32, #tpu.memory_space<vmem>>
      tpu.enqueue_dma source(%dma_start3A_1106 : memref<512xf32, #tpu.memory_space<vmem>>) target(%dma_start3A_1103 : memref<512xf32, #tpu.memory_space<hbm>>) target_semaphore(%arg10 : memref<!tpu.dma_semaphore, #tpu.memory_space<semaphore_mem>>)
      %slice3A_1107 = vector.extract_strided_slice %get3A_879 {offsets = [14], sizes = [1], strides = [1]} : vector<16xi32> to vector<1xi32>
      %squeeze3A_1108 = vector.extract %slice3A_1107[0] : i32 from vector<1xi32>
      %add3A_1109 = arith.constant 14 : i32
      %add3A_1110 = arith.addi %add3A_882, %add3A_1109 : i32
      %dma_start3A_1111 = arith.constant 0 : i32
      %dma_start3A_1112 = tpu.memref_slice %arg6[%squeeze3A_1108, %dma_start3A_1111] : memref<54x512xf32, #tpu.memory_space<vmem>> -> memref<1x512xf32, #tpu.memory_space<vmem>>
      %dma_start3A_1113 = tpu.memref_squeeze %dma_start3A_1112 : memref<1x512xf32, #tpu.memory_space<vmem>> -> memref<512xf32, #tpu.memory_space<vmem>>
      %dma_start3A_1114 = arith.constant 0 : i32
      %dma_start3A_1115 = tpu.memref_slice %arg4[%add3A_1110, %dma_start3A_1114] : memref<204800x512xf32, #tpu.memory_space<hbm>> -> memref<1x512xf32, #tpu.memory_space<hbm>>
      %dma_start3A_1116 = tpu.memref_squeeze %dma_start3A_1115 : memref<1x512xf32, #tpu.memory_space<hbm>> -> memref<512xf32, #tpu.memory_space<hbm>>
      %dma_start3A_1117 = arith.constant 0 : i32
      %dma_start3A_1118 = tpu.memref_slice %arg4[%add3A_1110, %dma_start3A_1117] : memref<204800x512xf32, #tpu.memory_space<hbm>> -> memref<1x512xf32, #tpu.memory_space<hbm>>
      %dma_start3A_1119 = tpu.memref_squeeze %dma_start3A_1118 : memref<1x512xf32, #tpu.memory_space<hbm>> -> memref<512xf32, #tpu.memory_space<hbm>>
      %dma_start3A_1120 = arith.constant 0 : i32
      %dma_start3A_1121 = tpu.memref_slice %arg6[%squeeze3A_1108, %dma_start3A_1120] : memref<54x512xf32, #tpu.memory_space<vmem>> -> memref<1x512xf32, #tpu.memory_space<vmem>>
      %dma_start3A_1122 = tpu.memref_squeeze %dma_start3A_1121 : memref<1x512xf32, #tpu.memory_space<vmem>> -> memref<512xf32, #tpu.memory_space<vmem>>
      tpu.enqueue_dma source(%dma_start3A_1122 : memref<512xf32, #tpu.memory_space<vmem>>) target(%dma_start3A_1119 : memref<512xf32, #tpu.memory_space<hbm>>) target_semaphore(%arg10 : memref<!tpu.dma_semaphore, #tpu.memory_space<semaphore_mem>>)
      %slice3A_1123 = vector.extract_strided_slice %get3A_879 {offsets = [15], sizes = [1], strides = [1]} : vector<16xi32> to vector<1xi32>
      %squeeze3A_1124 = vector.extract %slice3A_1123[0] : i32 from vector<1xi32>
      %add3A_1125 = arith.constant 15 : i32
      %add3A_1126 = arith.addi %add3A_882, %add3A_1125 : i32
      %dma_start3A_1127 = arith.constant 0 : i32
      %dma_start3A_1128 = tpu.memref_slice %arg6[%squeeze3A_1124, %dma_start3A_1127] : memref<54x512xf32, #tpu.memory_space<vmem>> -> memref<1x512xf32, #tpu.memory_space<vmem>>
      %dma_start3A_1129 = tpu.memref_squeeze %dma_start3A_1128 : memref<1x512xf32, #tpu.memory_space<vmem>> -> memref<512xf32, #tpu.memory_space<vmem>>
      %dma_start3A_1130 = arith.constant 0 : i32
      %dma_start3A_1131 = tpu.memref_slice %arg4[%add3A_1126, %dma_start3A_1130] : memref<204800x512xf32, #tpu.memory_space<hbm>> -> memref<1x512xf32, #tpu.memory_space<hbm>>
      %dma_start3A_1132 = tpu.memref_squeeze %dma_start3A_1131 : memref<1x512xf32, #tpu.memory_space<hbm>> -> memref<512xf32, #tpu.memory_space<hbm>>
      %dma_start3A_1133 = arith.constant 0 : i32
      %dma_start3A_1134 = tpu.memref_slice %arg4[%add3A_1126, %dma_start3A_1133] : memref<204800x512xf32, #tpu.memory_space<hbm>> -> memref<1x512xf32, #tpu.memory_space<hbm>>
      %dma_start3A_1135 = tpu.memref_squeeze %dma_start3A_1134 : memref<1x512xf32, #tpu.memory_space<hbm>> -> memref<512xf32, #tpu.memory_space<hbm>>
      %dma_start3A_1136 = arith.constant 0 : i32
      %dma_start3A_1137 = tpu.memref_slice %arg6[%squeeze3A_1124, %dma_start3A_1136] : memref<54x512xf32, #tpu.memory_space<vmem>> -> memref<1x512xf32, #tpu.memory_space<vmem>>
      %dma_start3A_1138 = tpu.memref_squeeze %dma_start3A_1137 : memref<1x512xf32, #tpu.memory_space<vmem>> -> memref<512xf32, #tpu.memory_space<vmem>>
      tpu.enqueue_dma source(%dma_start3A_1138 : memref<512xf32, #tpu.memory_space<vmem>>) target(%dma_start3A_1135 : memref<512xf32, #tpu.memory_space<hbm>>) target_semaphore(%arg10 : memref<!tpu.dma_semaphore, #tpu.memory_space<semaphore_mem>>)
    }
    %scan3A_13 = arith.constant 100 : i32
    %dma_wait3A = arith.constant 0 : i32
    %dma_wait3A_14 = arith.constant 0 : i32
    %dma_wait3A_15 = tpu.memref_slice %arg6[%dma_wait3A, %dma_wait3A_14] : memref<54x512xf32, #tpu.memory_space<vmem>> -> memref<16x512xf32, #tpu.memory_space<vmem>>
    %dma_wait3A_16 = arith.constant 0 : i32
    %dma_wait3A_17 = tpu.memref_slice %arg4[%mul3A_2, %dma_wait3A_16] : memref<204800x512xf32, #tpu.memory_space<hbm>> -> memref<16x512xf32, #tpu.memory_space<hbm>>
    %dma_wait3A_18 = arith.constant 0 : i32
    %dma_wait3A_19 = tpu.memref_slice %arg4[%mul3A_2, %dma_wait3A_18] : memref<204800x512xf32, #tpu.memory_space<hbm>> -> memref<16x512xf32, #tpu.memory_space<hbm>>
    %dma_wait3A_20 = arith.constant 0 : i32
    %dma_wait3A_21 = arith.constant 0 : i32
    %dma_wait3A_22 = tpu.memref_slice %arg6[%dma_wait3A_20, %dma_wait3A_21] : memref<54x512xf32, #tpu.memory_space<vmem>> -> memref<16x512xf32, #tpu.memory_space<vmem>>
    tpu.wait_dma2 semaphore(%arg7 : memref<!tpu.dma_semaphore, #tpu.memory_space<semaphore_mem>>) src(%dma_wait3A_22 : memref<16x512xf32, #tpu.memory_space<vmem>>) dst(%dma_wait3A_19 : memref<16x512xf32, #tpu.memory_space<hbm>>)
    %dma_wait3A_23 = arith.constant 0 : i32
    %dma_wait3A_24 = arith.constant 0 : i32
    %dma_wait3A_25 = tpu.memref_slice %arg6[%dma_wait3A_23, %dma_wait3A_24] : memref<54x512xf32, #tpu.memory_space<vmem>> -> memref<16x512xf32, #tpu.memory_space<vmem>>
    %dma_wait3A_26 = arith.constant 0 : i32
    %dma_wait3A_27 = tpu.memref_slice %arg4[%mul3A_2, %dma_wait3A_26] : memref<204800x512xf32, #tpu.memory_space<hbm>> -> memref<16x512xf32, #tpu.memory_space<hbm>>
    %dma_wait3A_28 = arith.constant 0 : i32
    %dma_wait3A_29 = tpu.memref_slice %arg4[%mul3A_2, %dma_wait3A_28] : memref<204800x512xf32, #tpu.memory_space<hbm>> -> memref<16x512xf32, #tpu.memory_space<hbm>>
    %dma_wait3A_30 = arith.constant 0 : i32
    %dma_wait3A_31 = arith.constant 0 : i32
    %dma_wait3A_32 = tpu.memref_slice %arg6[%dma_wait3A_30, %dma_wait3A_31] : memref<54x512xf32, #tpu.memory_space<vmem>> -> memref<16x512xf32, #tpu.memory_space<vmem>>
    tpu.wait_dma2 semaphore(%arg8 : memref<!tpu.dma_semaphore, #tpu.memory_space<semaphore_mem>>) src(%dma_wait3A_32 : memref<16x512xf32, #tpu.memory_space<vmem>>) dst(%dma_wait3A_29 : memref<16x512xf32, #tpu.memory_space<hbm>>)
    %dma_wait3A_33 = arith.constant 0 : i32
    %dma_wait3A_34 = arith.constant 0 : i32
    %dma_wait3A_35 = tpu.memref_slice %arg6[%dma_wait3A_33, %dma_wait3A_34] : memref<54x512xf32, #tpu.memory_space<vmem>> -> memref<16x512xf32, #tpu.memory_space<vmem>>
    %dma_wait3A_36 = arith.constant 0 : i32
    %dma_wait3A_37 = tpu.memref_slice %arg4[%mul3A_2, %dma_wait3A_36] : memref<204800x512xf32, #tpu.memory_space<hbm>> -> memref<16x512xf32, #tpu.memory_space<hbm>>
    %dma_wait3A_38 = arith.constant 0 : i32
    %dma_wait3A_39 = tpu.memref_slice %arg4[%mul3A_2, %dma_wait3A_38] : memref<204800x512xf32, #tpu.memory_space<hbm>> -> memref<16x512xf32, #tpu.memory_space<hbm>>
    %dma_wait3A_40 = arith.constant 0 : i32
    %dma_wait3A_41 = arith.constant 0 : i32
    %dma_wait3A_42 = tpu.memref_slice %arg6[%dma_wait3A_40, %dma_wait3A_41] : memref<54x512xf32, #tpu.memory_space<vmem>> -> memref<16x512xf32, #tpu.memory_space<vmem>>
    tpu.wait_dma2 semaphore(%arg9 : memref<!tpu.dma_semaphore, #tpu.memory_space<semaphore_mem>>) src(%dma_wait3A_42 : memref<16x512xf32, #tpu.memory_space<vmem>>) dst(%dma_wait3A_39 : memref<16x512xf32, #tpu.memory_space<hbm>>)
    %dma_wait3A_43 = arith.constant 0 : i32
    %dma_wait3A_44 = arith.constant 0 : i32
    %dma_wait3A_45 = tpu.memref_slice %arg6[%dma_wait3A_43, %dma_wait3A_44] : memref<54x512xf32, #tpu.memory_space<vmem>> -> memref<16x512xf32, #tpu.memory_space<vmem>>
    %dma_wait3A_46 = arith.constant 0 : i32
    %dma_wait3A_47 = tpu.memref_slice %arg4[%mul3A_2, %dma_wait3A_46] : memref<204800x512xf32, #tpu.memory_space<hbm>> -> memref<16x512xf32, #tpu.memory_space<hbm>>
    %dma_wait3A_48 = arith.constant 0 : i32
    %dma_wait3A_49 = tpu.memref_slice %arg4[%mul3A_2, %dma_wait3A_48] : memref<204800x512xf32, #tpu.memory_space<hbm>> -> memref<16x512xf32, #tpu.memory_space<hbm>>
    %dma_wait3A_50 = arith.constant 0 : i32
    %dma_wait3A_51 = arith.constant 0 : i32
    %dma_wait3A_52 = tpu.memref_slice %arg6[%dma_wait3A_50, %dma_wait3A_51] : memref<54x512xf32, #tpu.memory_space<vmem>> -> memref<16x512xf32, #tpu.memory_space<vmem>>
    tpu.wait_dma2 semaphore(%arg10 : memref<!tpu.dma_semaphore, #tpu.memory_space<semaphore_mem>>) src(%dma_wait3A_52 : memref<16x512xf32, #tpu.memory_space<vmem>>) dst(%dma_wait3A_49 : memref<16x512xf32, #tpu.memory_space<hbm>>)
    return
  }
}

</mosaic_0001>

<sc_bundles>
// kernel: kernel.3.cloned.1.call-start
scs
__scs_entry_jumppad:
0x0: {  	(pc) =	sbr.rel $0x88, $3  }
0x1: {  	(tag) =	ssettag $0x0;
	lr =	simm.s32 $0x1  }
0x2: {  	[smem:$0x3F9F] =	sst lr;
	_ =	strace $0xD0000000  }
0x3: {  	_ = 	snop  }
0x4: {  	_ = 	snop  }
0x5: {  	_ = 	snop  }
0x6: {  	_ = 	snop  }
0x7: {  	_ = 	snop  }
__scs_overlays_trampoline_lowered:
0x8: {  	[smem:$0x3FAE] =	sst s0  }
0x9: {  	[smem:$0x3FAF] =	sst s1  }
0xa: {  	[smem:$0x3FB0] =	sst s2  }
0xb: {  	[smem:$0x3FB1] =	sst s3  }
0xc: {  	[smem:$0x3FB2] =	sst s4  }
0xd: {  	[smem:$0x3FB3] =	sst s5  }
0xe: {  	[smem:$0x3FB4] =	sst s6  }
0xf: {  	[smem:$0x3FB5] =	sst s7  }
0x10: {  	[smem:$0x3FB6] =	sst s8  }
0x11: {  	[smem:$0x3FB7] =	sst s9;
	s0 =	simm.s32 @!p0 $0x0  }
0x12: {  	s1 =	sld [smem:$0x3F9D];
	s0 =	simm.s32 @p0 $0x1  }
0x13: {  	[smem:$0x3FB8] =	sst s0;
	s0 =	simm.s32 @!p1 $0x0  }
0x14: {  	s2 =	sld [smem:$0x3F9C];
	s0 =	simm.s32 @p1 $0x1  }
0x15: {  	[smem:$0x3FB9] =	sst s0;
	s0 =	simm.s32 @!p2 $0x0  }
0x16: {  	s3 =	sld [smem:$0x3FDB];
	s0 =	simm.s32 @p2 $0x1  }
0x17: {  	s4 =	simm.s32 $0x1BF5;
	[smem:$0x3FBB] =	sst s0  }
0x18: {  	s0 =	sld [smem:$0x3F9E];
	_ =	swait.ge [sflag:s4], $0x0  }
0x19: {  	s7 =	sld [smem:$0x3F9F]  }
0x1a: {  	s8 =	sadd.s32 $0xFFFFE003, lr  }
0x1b: {  	s9 =	sadd.s32 $0xFFFFFEF7, lr;
	s5 =	simm.s32 $0xFFFFFFFF;
	p2 =	slt.u32 s8, $0xFFFFF086  }
0x1c: {  	p1 =	slt.u32 s9, $0xF7A;
	s5 =	simm.s32 @!p2 $0x0  }
0x1d: {  	s5 =	simm.s32 @p1 $0x1;
	p0 =	seq.s32 s7, s2  }
0x1e: {  	s7 =	smul.u32 @!p0 $0xF7A, s2;
	p2 =	seq.s32 @!p0 s5, $0x0  }
0x1f: {  	s9 =	smul.u32 $0xF7A, s1;
	s8 =	simm.s32 @!p0 $0x1BF5;
	p2 =	por !p2, p0  }
0x20: {  	[sflag:s8] =	ssyncset.s32 @!p0 $0xFFFFF086;
	s6 =	sadd.s32 @!p0 s3, s7;
	s7 =	simm.s32 @!p0 $0x108  }
0x21: {  	s3 =	sadd.s32 s3, s9;
	s6 =	sadd.s32 @!p0 $0x88, s6;
	s7 =	simm.s32 @p2 $0x1082  }
0x22: {  	[simem:s7], [sflag:s8] =	dma.local @!p0 [hbm:s6], $0xF7A  }
0x23: {  	s9 =	sor.u32 $0xD0000000, s2;
	s6 =	simm.s32 $0x108;
	_ =	swait.ge @!p0 [sflag:s8], $0x0  }
0x24: {  	s3 =	sadd.s32 $0x88, s3;
	s6 =	simm.s32 @!p1 $0x1082;
	[sflag:s4] =	ssyncset.s32 $0xFFFFF086  }
0x25: {  	[simem:s6], [sflag:s4] =	dma.local [hbm:s3], $0xF7A  }
0x26: {  	[smem:$0x3F9F] =	sst s1;
	(tag) =	ssettag s2;
	_ =	strace s9  }
0x27: {  	s1 =	sld [smem:$0x3FAF]  }
0x28: {  	s2 =	sld [smem:$0x3FB0]  }
0x29: {  	s4 =	sld [smem:$0x3FB2]  }
0x2a: {  	p0 =	seq.s32 s5, $0x0;
	s5 =	sld [smem:$0x3FB3]  }
0x2b: {  	s6 =	sld [smem:$0x3FB4]  }
0x2c: {  	s7 =	sld [smem:$0x3FB5]  }
0x2d: {  	s3 =	simm.s32 $0x108;
	s8 =	sld [smem:$0x3FB6]  }
0x2e: {  	s3 =	simm.s32 @!p0 $0x1082;
	s9 =	sld [smem:$0x3FB7]  }
0x2f: {  	lr =	sadd.s32 s0, s3;
	s0 =	sld [smem:$0x3FAE]  }
0x30: {  	s3 =	sld [smem:$0x3FB1]  }
0x31: {  	[smem:$0x3FBA] =	sst s10  }
0x32: {  	s10 =	sld [smem:$0x3FB8];
	_ =	sdelay $0x3  }
0x33: {  	p0 =	seq.s32 s10, $0x1;
	s10 =	sld [smem:$0x3FBA];
	_ =	sdelay $0x3  }
0x34: {  	[smem:$0x3FBA] =	sst s10  }
0x35: {  	s10 =	sld [smem:$0x3FB9];
	_ =	sdelay $0x3  }
0x36: {  	p1 =	seq.s32 s10, $0x1;
	s10 =	sld [smem:$0x3FBA];
	_ =	sdelay $0x3  }
0x37: {  	[smem:$0x3FBA] =	sst s10  }
0x38: {  	s10 =	sld [smem:$0x3FBB]  }
0x39: {  	_ = 	snop;
	(pc) =	sbr.ind lr, $3  }
0x3a: {  	_ = 	snop  }
0x3b: {  	_ = 	snop  }
0x3c: {  	p2 =	seq.s32 s10, $0x1;
	s10 =	sld [smem:$0x3FBA]  }
0x3d: {  	_ =	shalt  }
0x3e: {  	_ =	shalt  }
0x3f: {  	_ =	shalt  }
0x40: {  	_ =	shalt  }
0x41: {  	_ =	shalt  }
0x42: {  	_ =	shalt  }
0x43: {  	_ =	shalt  }
0x44: {  	_ =	shalt  }
0x45: {  	_ =	shalt  }
0x46: {  	_ =	shalt  }
0x47: {  	_ =	shalt  }
0x48: {  	_ =	shalt  }
0x49: {  	_ =	shalt  }
0x4a: {  	_ =	shalt  }
0x4b: {  	_ =	shalt  }
0x4c: {  	_ =	shalt  }
0x4d: {  	_ =	shalt  }
0x4e: {  	_ =	shalt  }
0x4f: {  	_ =	shalt  }
0x50: {  	_ =	shalt  }
0x51: {  	_ =	shalt  }
0x52: {  	_ =	shalt  }
0x53: {  	_ =	shalt  }
0x54: {  	_ =	shalt  }
0x55: {  	_ =	shalt  }
0x56: {  	_ =	shalt  }
0x57: {  	_ =	shalt  }
0x58: {  	_ =	shalt  }
0x59: {  	_ =	shalt  }
0x5a: {  	_ =	shalt  }
0x5b: {  	_ =	shalt  }
0x5c: {  	_ =	shalt  }
0x5d: {  	_ =	shalt  }
0x5e: {  	_ =	shalt  }
0x5f: {  	_ =	shalt  }
0x60: {  	_ =	shalt  }
0x61: {  	_ =	shalt  }
0x62: {  	_ =	shalt  }
0x63: {  	_ =	shalt  }
0x64: {  	_ =	shalt  }
0x65: {  	_ =	shalt  }
0x66: {  	_ =	shalt  }
0x67: {  	_ =	shalt  }
0x68: {  	_ =	shalt  }
0x69: {  	_ =	shalt  }
0x6a: {  	_ =	shalt  }
0x6b: {  	_ =	shalt  }
0x6c: {  	_ =	shalt  }
0x6d: {  	_ =	shalt  }
0x6e: {  	_ =	shalt  }
0x6f: {  	_ =	shalt  }
0x70: {  	_ =	shalt  }
0x71: {  	_ =	shalt  }
0x72: {  	_ =	shalt  }
0x73: {  	_ =	shalt  }
0x74: {  	_ =	shalt  }
0x75: {  	_ =	shalt  }
0x76: {  	_ =	shalt  }
0x77: {  	_ =	shalt  }
0x78: {  	_ =	shalt  }
0x79: {  	_ =	shalt  }
0x7a: {  	_ =	shalt  }
0x7b: {  	_ =	shalt  }
0x7c: {  	_ =	shalt  }
0x7d: {  	_ =	shalt  }
0x7e: {  	_ =	shalt  }
0x7f: {  	_ =	shalt  }
0x80: {  	_ =	shalt  }
0x81: {  	_ =	shalt  }
0x82: {  	_ =	shalt  }
0x83: {  	_ =	shalt  }
0x84: {  	_ =	shalt  }
0x85: {  	_ =	shalt  }
0x86: {  	_ =	shalt  }
0x87: {  	_ =	shalt  }
.Lfunc_end0:
.L_simem_size_0:
called_computation_lowered:
.L_overlay_start_0:
0x88: {  	s2 =	sld [smem:$0x3FD9]  }
0x89: {  	s3 =	sld [smem:$0x3FFE];
	_ =	sdelay $0x1  }
0x8a: {  	s1 =	srdreg.scid  }
0x8b: {  	s0 =	sand.u32 $0x1, s1  }
0x8c: {  	s17 =	sshll.u32 s0, $0xA;
	s2 =	sadd.s32 s3, s2  }
0x8d: {  	s2 =	sadd.s32 s2, s17  }
0x8e: {  	[smem:$0x3FC6] =	sst s2  }
0x8f: {  	_ = 	snop  }
0x90: {  	s2 =	sld [smem:$0x3FC8]  }
0x91: {  	s18 =	sld [smem:$0x3FD0];
	(tm) =	ssettm $0x1  }
0x92: {  	s4 =	sld [smem:$0x3FFB];
	_ =	sdelay $0x3  }
0x93: {  	_ =	strace s4  }
0x94: {  	s4 =	sld [smem:$0x3FFC];
	_ =	sdelay $0x3  }
0x95: {  	_ =	strace s4  }
0x96: {  	s4 =	sld [smem:$0x3FFD];
	_ =	sdelay $0x3  }
0x97: {  	_ =	strace s4  }
0x98: {  	_ =	strace $0x8FFFFFFF  }
0x99: {  	s19 =	sld [smem:$0x3FDB];
	_ =	sdelay $0x1  }
0x9a: {  	s5 =	simm.s32 $_scs_section_size  }
0x9b: {  	s6 =	simm.s32 $_size__tile_overlayer_lowered;
	s7 =	simm.s32 $_tile_overlayer_lowered  }
0x9c: {  	s22 =	simm.s32 $0x1BFF;
	s21 =	sshll.u32 s7, $0x1;
	s4 =	sadd.s32 s5, s19  }
0x9d: {  	s8 =	simm.s32 $0x0;
	s20 =	sshll.u32 s6, $0x1;
	s6 =	sadd.s32 s21, s4  }
0x9e: {  	[timem:s8], [sflag:s22] =	dma.local [hbm:s6], s20  }
0x9f: {  	_ =	swait.ge [sflag:s22], s20  }
0xa0: {  	s5 =	ssub.s32 $0x0, s20;
	[sflag:s22] =	ssyncset.done $0x0  }
0xa1: {  	[sflag:s22] =	ssyncadd.s32 s5;
	_ =	sdelay $0x1  }
0xa2: {  	s23 =	simm.s32 $0x1B8B  }
0xa3: {  	_ =	swait.ge [sflag:s23], $0x1  }
0xa4: {  	[sflag:s23] =	ssyncset.done $0x0  }
0xa5: {  	s25 =	simm.s32 $0x1B8E;
	s24 =	sld [smem:$0x3FFE];
	[sflag:s23] =	ssyncadd.s32 $0xFFFFFFFF  }
0xa6: {  	s26 =	simm.s32 $execute0_lowered;
	[smem:$0x3FD2] =	sst s25  }
0xa7: {  	s6 =	sshll.u32 s26, $0x1;
	_ =	strace $0x80000046;
	[dreg:$0x1] =	wrdreg $0xFFFFFFFF  }
0xa8: {  	s28 =	simm.s32 $_size_execute0_lowered;
	s4 =	sadd.s32 s4, s6;
	[dreg:$0x0] =	wrdreg $0x0  }
0xa9: {  	s6 =	sshll.u32 s28, $0x1;
	[dreg:$0x2] =	wrdreg s4  }
0xaa: {  	[dreg:$0x3] =	wrdreg s6  }
0xab: {  	[dreg:$0x4] =	wrdreg $0xC0  }
0xac: {  	_ =	task [dreg:s8], $0x5FFFF  }
0xad: {  	[dreg:$0x1] =	wrdreg $0xFFFFFFFF  }
0xae: {  	[dreg:$0x0] =	wrdreg $0x60  }
0xaf: {  	[dreg:$0x2] =	wrdreg s2  }
0xb0: {  	[dreg:$0x3] =	wrdreg s24  }
0xb1: {  	[dreg:$0x4] =	wrdreg s18  }
0xb2: {  	[dreg:$0x5] =	wrdreg $0x9  }
0xb3: {  	_ =	task.clear_ibuf [dreg:s8], $0x6FFFF;
	_ =	strace $0x90000046  }
0xb4: {  	s29 =	simm.s32 $0x9;
	_ =	strace $0x80000048  }
0xb5: {  	_ =	swait.ge [sflag:s29], $0x1  }
0xb6: {  	[sflag:s29] =	ssyncadd.s32 $0xFFFFFFFF  }
0xb7: {  	_ =	strace $0x90000048  }
0xb8: {  	_ =	sfence  }
0xb9: {  	s30 =	sld [smem:$0x0];
	_ =	sdelay $0x2  }
0xba: {  	s31 =	sshll.u32 s1, $0xD;
	s1 =	sshrl.u32 s1, $0x2  }
0xbb: {  	s3 =	sand.u32 $0x4000, s31;
	s1 =	sadd.s32 s1, s30  }
0xbc: {  	s0 =	sor.u32 s3, s0;
	s1 =	sshll.u32 s1, $0x11  }
0xbd: {  	s0 =	sor.u32 s1, s0  }
0xbe: {  	s0 =	sadd.s32 $0x8F2B, s0  }
0xbf: {  	[sflag:s0] =	ssyncadd.remote.s32 $0x1  }
0xc0: {  	_ =	sfence.sel $0xFFFF  }
0xc1: {  	[dreg:$0x0] =	wrdreg $0xFFFFFFFF;
	(pc) =	sbr.abs _section_cstart, $3  }
0xc2: {  	[dreg:$0x1] =	wrdreg $0xFFFFFFFF  }
0xc3: {  	_ =	task.clear_ibuf [dreg:s8], $0x2FFFF;
	_ =	strace $0x9FFFFFFF  }
0xc4: {  	(tm) =	ssettm $0x7FFFFFFF  }
0xc5: {  	_ =	shalt  }
tec
execute0_lowered:
.L_overlay_start_1:
0x0: {  	(tag) =	ssettag $0x1  }
0x1: {  	s1 =	rddreg [dreg:$0x0]  }
0x2: {  	s4 =	rddreg [dreg:$0x1]  }
0x3: {  	s5 =	rddreg [dreg:$0x2]  }
0x4: {  	s0 =	rddreg [dreg:$0x3]  }
0x5: {  	s3 =	srdreg.scid;
	s2 =	stileid.u32;
	s11 =	simm.s32 $0x4  }
0x6: {  	s12 =	simm.s32 $0x0;
	s6 =	sand.u32 $0x1, s3;
	s8 =	smul.u32 $0x3200, s2  }
0x7: {  	s7 =	sshll.u32 s2, $0x1;
	s3 =	simm.s32 $0x0;
	s9 =	smul.u32 $0x1900, s6  }
0x8: {  	s26 =	smul.u32 $0xC8000, s2;
	s7 =	sor.u32 s6, s7;
	[smem:$0x7FF] =	sst s3  }
0x9: {  	s29 =	smul.u32 $0x64000, s6;
	s6 =	ssub.s32 $0x2, s6;
	s8 =	sadd.s32 s9, s8  }
0xa: {  	s7 =	smul.u32 $0x1900, s7;
	s30 =	sshrl.u32 s6, $0x1;
	s8 =	sshll.u32 s8, $0x6  }
0xb: {  	_ =	strace $0x80000047;
	s6 =	ssub.s32 s6, s30;
	s28 =	sadd.s32 s8, s5  }
0xc: {  	s9 =	simm.s32 $0x2;
	s5 =	sadd.s32 s26, s5;
	s10 =	sadd.s32 $0x800, s28  }
0xd: {  	s7 =	sshrl.u32 s7, $0x3;
	s5 =	sadd.s32 s29, s5;
	[dreg:$0x6] =	wrdreg s10  }
0xe: {  	s4 =	sadd.s32 s7, s4;
	s31 =	sadd.s32 $0x400, s28;
	[dreg:$0x4] =	wrdreg s5  }
0xf: {  	s8 =	simm.s32 $0x1;
	s7 =	sadd.s32 $0xC00, s28;
	[dreg:$0x5] =	wrdreg s31  }
0x10: {  	s4 =	sadd.s32 $0x400, s4;
	s5 =	smax.u32 s6, $0x1;
	[dreg:$0x7] =	wrdreg s7  }
0x11: {  	s6 =	simm.s32 $0x1900;
	s7 =	simm.s32 $0x5;
	s10 =	simm.s32 $0x3  }
.LBB2_1:
0x12: {  	[tilespmem:s6], [sflag:$0x5] =	stream.linear.gather [hbm4b:s1+s3], $0x7000, $0x38;
	[tilespmem:$0x8900] =	vst v63  }
0x13: {  	_ =	swait.ge [sflag:s7], $0x7000  }
0x14: {  	[sflag:s7] =	ssyncset.done $0x0  }
0x15: {  	[sflag:s7] =	ssyncadd.s32 $0xFFFF9000  }
0x16: {  	[tilespmem:s3], [sflag:$0x5] =	stream.linear.gather [hbm4b:s4+s3], $0x1900, $0x38;
	[tilespmem:$0x8900] =	vst v63  }
0x17: {  	_ =	swait.ge [sflag:s7], $0x1900  }
0x18: {  	s13 =	sand.u32 $0x7000, s3;
	s14 =	sand.u32 $0x380, s3;
	[sflag:s7] =	ssyncset.done $0x0  }
0x19: {  	s13 =	sor.u32 s14, s13;
	[sflag:s7] =	ssyncadd.s32 $0xFFFFE700  }
0x1a: {  	v0 =	vld [tilespmem:s13+$0x1D70]  }
0x1b: {  	v1 =	vld [tilespmem:s13+$0x2100]  }
0x1c: {  	v2 =	vld [tilespmem:s13+$0x2110]  }
0x1d: {  	v3 =	vld [tilespmem:s13+$0x1D60]  }
0x1e: {  	v4 =	vld [tilespmem:s13+$0x1D50]  }
0x1f: {  	v5 =	vld [tilespmem:s13+$0x2120]  }
0x20: {  	v6 =	vld [tilespmem:s13+$0x1D40]  }
0x21: {  	v7 =	vld [tilespmem:s13+$0x2570]  }
0x22: {  	v8 =	vld [tilespmem:s13+$0x2510]  }
0x23: {  	v9 =	vld [tilespmem:s13+$0x2550]  }
0x24: {  	v13 =	vld [tilespmem:s13+$0x2130]  }
0x25: {  	v14 =	vld [tilespmem:s13+$0x2140]  }
0x26: {  	v11 =	vld [tilespmem:s13+$0x2500]  }
0x27: {  	v10 =	vld [tilespmem:s13+$0x2540]  }
0x28: {  	v12 =	vld [tilespmem:s13+$0x1D30];
	v8 =	vmul.f32 $2.262741660e+01, v8  }
0x29: {  	v15 =	vld [tilespmem:s13+$0x1D20];
	v7 =	vmul.f32 $2.262741660e+01, v7  }
0x2a: {  	v16 =	vld [tilespmem:s13+$0x1D10];
	v9 =	vmul.f32 $2.262741660e+01, v9;
	[tilespmem:s13+$0x2510] =	vst v8  }
0x2b: {  	v21 =	vld [tilespmem:s13+$0x1900];
	v11 =	vmul.f32 $2.262741660e+01, v11;
	[tilespmem:s13+$0x2570] =	vst v7  }
0x2c: {  	v7 =	vld [tilespmem:s13+$0x2520];
	v8 =	vmul.f32 $2.262741660e+01, v10;
	[tilespmem:s13+$0x2550] =	vst v9  }
0x2d: {  	v12 =	vmul.f32 $2.262741660e+01, v12;
	v10 =	vld [tilespmem:s13+$0x1D00];
	[tilespmem:s13+$0x2500] =	vst v11  }
0x2e: {  	v9 =	vld [tilespmem:s13+$0x1970];
	[tilespmem:s13+$0x2540] =	vst v8;
	v8 =	vmul.f32 $2.262741660e+01, v15  }
0x2f: {  	v17 =	vld [tilespmem:s13+$0x1960];
	[tilespmem:s13+$0x1D30] =	vst v12;
	v15 =	vmul.f32 $2.262741660e+01, v6;
	v6 =	vmul.f32 $2.262741660e+01, v16  }
0x30: {  	v19 =	vld [tilespmem:s13+$0x2160];
	v18 =	vmul.f32 $2.262741660e+01, v4;
	[tilespmem:s13+$0x1D20] =	vst v8;
	v8 =	vmul.f32 $2.262741660e+01, v3  }
0x31: {  	v16 =	vld [tilespmem:s13+$0x2150];
	[tilespmem:s13+$0x1D10] =	vst v6;
	v6 =	vmul.f32 $2.262741660e+01, v5;
	v5 =	vmul.f32 $2.262741660e+01, v21  }
0x32: {  	v20 =	vld [tilespmem:s13+$0x2170];
	[tilespmem:s13+$0x1D50] =	vst v18;
	v4 =	vmul.f32 $2.262741660e+01, v7;
	v3 =	vmul.f32 $2.262741660e+01, v10  }
0x33: {  	v11 =	vld [tilespmem:s13+$0x1910];
	[tilespmem:s13+$0x1D40] =	vst v15;
	v7 =	vmul.f32 $2.262741660e+01, v0;
	v0 =	vmul.f32 $2.262741660e+01, v9  }
0x34: {  	v12 =	vld [tilespmem:s13+$0x1940];
	v9 =	vmul.f32 $2.262741660e+01, v1;
	v1 =	vmul.f32 $2.262741660e+01, v17;
	[tilespmem:s13+$0x2520] =	vst v4  }
0x35: {  	v10 =	vmul.f32 $2.262741660e+01, v2;
	[tilespmem:s13+$0x1970] =	vst v0;
	v0 =	vmul.f32 $2.262741660e+01, v13;
	v13 =	vld [tilespmem:s13+$0x1920]  }
0x36: {  	[tilespmem:s13+$0x1D00] =	vst v3;
	v4 =	vmul.f32 $2.262741660e+01, v14;
	v2 =	vmul.f32 $2.262741660e+01, v16;
	v14 =	vld [tilespmem:s13+$0x1930]  }
0x37: {  	s15 =	simm.s32 $0x80;
	s14 =	simm.s32 $0x200;
	v15 =	vld [tilespmem:s13+$0x2530];
	[tilespmem:s13+$0x1960] =	vst v1;
	v3 =	vmul.f32 $2.262741660e+01, v19;
	v1 =	vmul.f32 $2.262741660e+01, v20  }
.LBB2_2:
0x38: {  	s16 =	sand.u32 $0x7000, s14;
	s17 =	sand.u32 $0x380, s15;
	v11 =	vmul.f32 $2.262741660e+01, v11;
	[tilespmem:s13+$0x1D60] =	vst v8;
	v8 =	vld [tilespmem:s13+$0x2560]  }
0x39: {  	p0 =	sne.s32 s14, $0x6A00;
	s14 =	sadd.s32 $0x200, s14;
	s16 =	sor.u32 s17, s16;
	v12 =	vmul.f32 $2.262741660e+01, v12;
	v16 =	vld [tilespmem:s13+$0x1950];
	[tilespmem:s13+$0x1D70] =	vst v7  }
0x3a: {  	v7 =	vld [tilespmem:s16+$0x1D70];
	v13 =	vmul.f32 $2.262741660e+01, v13;
	[tilespmem:s13+$0x2100] =	vst v9  }
0x3b: {  	v9 =	vld [tilespmem:s16+$0x2100];
	v14 =	vmul.f32 $2.262741660e+01, v14;
	[tilespmem:s13+$0x2110] =	vst v10  }
0x3c: {  	v10 =	vld [tilespmem:s16+$0x2110];
	[tilespmem:s13+$0x1920] =	vst v13;
	v13 =	vmul.f32 $2.262741660e+01, v15  }
0x3d: {  	v15 =	vld [tilespmem:s16+$0x1D60];
	[tilespmem:s13+$0x1930] =	vst v14;
	v8 =	vmul.f32 $2.262741660e+01, v8  }
0x3e: {  	v14 =	vld [tilespmem:s16+$0x1D50];
	v16 =	vmul.f32 $2.262741660e+01, v16;
	[tilespmem:s13+$0x2120] =	vst v6  }
0x3f: {  	v6 =	vld [tilespmem:s16+$0x2120];
	[tilespmem:s13+$0x2530] =	vst v13  }
0x40: {  	v13 =	vld [tilespmem:s16+$0x1D40];
	[tilespmem:s13+$0x1950] =	vst v16  }
0x41: {  	v16 =	vld [tilespmem:s16+$0x2570];
	[tilespmem:s13+$0x1940] =	vst v12  }
0x42: {  	v12 =	vld [tilespmem:s16+$0x2510];
	[tilespmem:s13+$0x2560] =	vst v8  }
0x43: {  	v8 =	vld [tilespmem:s16+$0x2550];
	[tilespmem:s13+$0x2130] =	vst v0  }
0x44: {  	v0 =	vld [tilespmem:s16+$0x2130];
	[tilespmem:s13+$0x2140] =	vst v4  }
0x45: {  	v4 =	vld [tilespmem:s16+$0x2140];
	[tilespmem:s13+$0x1910] =	vst v11  }
0x46: {  	v11 =	vld [tilespmem:s16+$0x2540];
	[tilespmem:s13+$0x2150] =	vst v2  }
0x47: {  	v16 =	vmul.f32 $2.262741660e+01, v16;
	v2 =	vld [tilespmem:s16+$0x2500];
	[tilespmem:s13+$0x2160] =	vst v3  }
0x48: {  	v3 =	vld [tilespmem:s16+$0x1D30];
	[tilespmem:s13+$0x1900] =	vst v5  }
0x49: {  	v12 =	vmul.f32 $2.262741660e+01, v12;
	v5 =	vld [tilespmem:s16+$0x1D20];
	[tilespmem:s13+$0x2170] =	vst v1;
	s13 =	smov.u32 s16  }
0x4a: {  	v8 =	vmul.f32 $2.262741660e+01, v8;
	v1 =	vld [tilespmem:s13+$0x1D10];
	[tilespmem:s13+$0x2570] =	vst v16  }
0x4b: {  	v16 =	vmul.f32 $2.262741660e+01, v13;
	[tilespmem:s13+$0x2510] =	vst v12;
	v12 =	vld [tilespmem:s13+$0x2520];
	v11 =	vmul.f32 $2.262741660e+01, v11  }
0x4c: {  	v17 =	vmul.f32 $2.262741660e+01, v14;
	v13 =	vld [tilespmem:s13+$0x1D00];
	v2 =	vmul.f32 $2.262741660e+01, v2;
	[tilespmem:s13+$0x2550] =	vst v8  }
0x4d: {  	v8 =	vmul.f32 $2.262741660e+01, v15;
	v14 =	vld [tilespmem:s13+$0x1970];
	v3 =	vmul.f32 $2.262741660e+01, v3;
	[tilespmem:s13+$0x2540] =	vst v11  }
0x4e: {  	v7 =	vmul.f32 $2.262741660e+01, v7;
	v15 =	vld [tilespmem:s13+$0x1960];
	v5 =	vmul.f32 $2.262741660e+01, v5;
	[tilespmem:s13+$0x2500] =	vst v2  }
0x4f: {  	v9 =	vmul.f32 $2.262741660e+01, v9;
	v1 =	vmul.f32 $2.262741660e+01, v1;
	[tilespmem:s13+$0x1D30] =	vst v3;
	v2 =	vld [tilespmem:s13+$0x2150]  }
0x50: {  	v10 =	vmul.f32 $2.262741660e+01, v10;
	[tilespmem:s13+$0x1D20] =	vst v5;
	v3 =	vld [tilespmem:s13+$0x2160];
	v5 =	vmul.f32 $2.262741660e+01, v12  }
0x51: {  	v6 =	vmul.f32 $2.262741660e+01, v6;
	v12 =	vmul.f32 $2.262741660e+01, v13;
	[tilespmem:s13+$0x1D10] =	vst v1;
	v1 =	vld [tilespmem:s13+$0x2170]  }
0x52: {  	v0 =	vmul.f32 $2.262741660e+01, v0;
	v18 =	vld [tilespmem:s13+$0x1900];
	v13 =	vmul.f32 $2.262741660e+01, v14;
	[tilespmem:s13+$0x2520] =	vst v5  }
.Ltmp0:
0x53: {  	v4 =	vmul.f32 $2.262741660e+01, v4;
	v11 =	vld [tilespmem:s13+$0x1910];
	v5 =	vmul.f32 $2.262741660e+01, v15;
	[tilespmem:s13+$0x1D00] =	vst v12;
	(pc) =	sbr.rel @p0 .LBB2_2-.Ltmp0, $4  }
0x54: {  	v12 =	vld [tilespmem:s13+$0x1940];
	[tilespmem:s13+$0x1970] =	vst v13;
	v2 =	vmul.f32 $2.262741660e+01, v2  }
0x55: {  	v13 =	vld [tilespmem:s13+$0x1920];
	[tilespmem:s13+$0x1960] =	vst v5;
	v3 =	vmul.f32 $2.262741660e+01, v3  }
0x56: {  	v14 =	vld [tilespmem:s13+$0x1930];
	[tilespmem:s13+$0x1D40] =	vst v16;
	v1 =	vmul.f32 $2.262741660e+01, v1  }
0x57: {  	s15 =	sadd.s32 $0x80, s15;
	v5 =	vmul.f32 $2.262741660e+01, v18;
	[tilespmem:s13+$0x1D50] =	vst v17;
	v15 =	vld [tilespmem:s13+$0x2530]  }
0x58: {  	[tilespmem:s13+$0x1D60] =	vst v8  }
0x59: {  	[tilespmem:s13+$0x1D70] =	vst v7  }
0x5a: {  	[tilespmem:s13+$0x2100] =	vst v9  }
0x5b: {  	[tilespmem:s13+$0x2110] =	vst v10  }
0x5c: {  	[tilespmem:s13+$0x2120] =	vst v6  }
0x5d: {  	[tilespmem:s13+$0x2130] =	vst v0  }
0x5e: {  	[tilespmem:s13+$0x2140] =	vst v4  }
0x5f: {  	[tilespmem:s13+$0x2150] =	vst v2  }
0x60: {  	[tilespmem:s13+$0x2160] =	vst v3  }
0x61: {  	v56 =	vld [tilespmem:s13+$0x1950];
	v63 =	vmul.f32 $2.262741660e+01, v11;
	[tilespmem:s13+$0x2170] =	vst v1  }
0x62: {  	v58 =	vld [tilespmem:s13+$0x2560];
	v61 =	vmul.f32 $2.262741660e+01, v12;
	[tilespmem:s13+$0x1900] =	vst v5  }
0x63: {  	v57 =	vmul.f32 $2.262741660e+01, v13;
	[tilespmem:s13+$0x1910] =	vst v63  }
0x64: {  	v59 =	vmul.f32 $2.262741660e+01, v14;
	[tilespmem:s13+$0x1940] =	vst v61  }
0x65: {  	[tilespmem:s13+$0x1920] =	vst v57;
	v60 =	vmul.f32 $2.262741660e+01, v15  }
0x66: {  	[tilespmem:s13+$0x1930] =	vst v59;
	v8 =	vmul.f32 $2.262741660e+01, v56  }
0x67: {  	v62 =	vmul.f32 $2.262741660e+01, v58;
	[tilespmem:s13+$0x2530] =	vst v60  }
0x68: {  	[tilespmem:s13+$0x1950] =	vst v8  }
0x69: {  	s14 =	simm.s32 $0x20;
	[tilespmem:s13+$0x2560] =	vst v62;
	s13 =	simm.s32 $0x0  }
.LBB2_4:
0x6a: {  	p0 =	seq.s32 s13, $0x0  }
0x6b: {  	s15 =	simm.s32 @!p0 $0x1  }
0x6c: {  	_ =	swait.ge @!p0 [sflag:s15], $0x2000  }
0x6d: {  	[sflag:s15] =	ssyncset.done @!p0 $0x0  }
0x6e: {  	[sflag:s15] =	ssyncadd.s32 @!p0 $0xFFFFE000  }
0x6f: {  	v0 =	vld [tilespmem:s14+$0xFFFFFFE0];
	_ =	sdelay $0x4  }
0x70: {  	(v2sf) =	vpush v0, $0x0;
	_ =	sdelay $0x1  }
0x71: {  	(v2sf) =	vpush v0, $0x1;
	_ =	sdelay $0xc  }
0x72: {  	s26 =	spop (v2sf)  }
0x73: {  	s16 =	rddreg [dreg:$0x4];
	s17 =	sshll.u32 s26, $0x9;
	s15 =	sshll.u32 s26, $0x7  }
0x74: {  	s20 =	spop (v2sf);
	s17 =	sand.u32 $0xFFFFF000, s17;
	s15 =	sand.u32 $0x380, s15  }
0x75: {  	(v2sf) =	vpush v0, $0x2;
	s21 =	sshll.u32 s20, $0x9;
	s17 =	sor.u32 s15, s17;
	s15 =	sadd.s32 s13, s16  }
0x76: {  	s16 =	sshll.u32 s20, $0x7;
	s28 =	sadd.s32 $0x1900, s17;
	s29 =	sadd.s32 $0x1D00, s17  }
0x77: {  	[hbm4b:s15+s3] =	stream.linear.scatter [tilespmem:s28], [sflag:$0x1], $0x80, $0x38;
	[tilespmem:$0x8900] =	vst v63  }
0x78: {  	s18 =	sadd.s32 $0x80, s15;
	s30 =	sadd.s32 $0x2100, s17;
	s31 =	sadd.s32 $0x100, s15  }
0x79: {  	[hbm4b:s18+s3] =	stream.linear.scatter [tilespmem:s29], [sflag:$0x1], $0x80, $0x38;
	[tilespmem:$0x8900] =	vst v63  }
0x7a: {  	s16 =	sand.u32 $0x380, s16;
	s18 =	sadd.s32 $0x2500, s17;
	s17 =	sand.u32 $0xFFFFF000, s21  }
0x7b: {  	[hbm4b:s31+s3] =	stream.linear.scatter [tilespmem:s30], [sflag:$0x1], $0x80, $0x38;
	[tilespmem:$0x8900] =	vst v63  }
0x7c: {  	s19 =	sadd.s32 $0x180, s15;
	s16 =	sor.u32 s16, s17  }
0x7d: {  	[hbm4b:s19+s3] =	stream.linear.scatter [tilespmem:s18], [sflag:$0x1], $0x80, $0x38;
	[tilespmem:$0x8900] =	vst v63  }
0x7e: {  	s22 =	sadd.s32 $0x10, s15;
	s23 =	sadd.s32 $0x1900, s16  }
0x7f: {  	[hbm4b:s22+s3] =	stream.linear.scatter [tilespmem:s23], [sflag:$0x1], $0x80, $0x38;
	[tilespmem:$0x8900] =	vst v63  }
0x80: {  	(v2sf) =	vpush v0, $0x3;
	s25 =	sadd.s32 $0x90, s15;
	s24 =	sadd.s32 $0x1D00, s16  }
0x81: {  	[hbm4b:s25+s3] =	stream.linear.scatter [tilespmem:s24], [sflag:$0x1], $0x80, $0x38;
	[tilespmem:$0x8900] =	vst v63  }
0x82: {  	s28 =	sadd.s32 $0x110, s15;
	s26 =	sadd.s32 $0x2100, s16  }
0x83: {  	[hbm4b:s28+s3] =	stream.linear.scatter [tilespmem:s26], [sflag:$0x1], $0x80, $0x38;
	[tilespmem:$0x8900] =	vst v63  }
0x84: {  	s29 =	sadd.s32 $0x190, s15;
	s16 =	sadd.s32 $0x2500, s16;
	s30 =	spop (v2sf)  }
0x85: {  	[hbm4b:s29+s3] =	stream.linear.scatter [tilespmem:s16], [sflag:$0x1], $0x80, $0x38;
	[tilespmem:$0x8900] =	vst v63  }
0x86: {  	s31 =	sshll.u32 s30, $0x9;
	s16 =	sshll.u32 s30, $0x7  }
0x87: {  	s17 =	sand.u32 $0xFFFFF000, s31;
	s16 =	sand.u32 $0x380, s16  }
0x88: {  	s16 =	sor.u32 s16, s17  }
0x89: {  	s18 =	sadd.s32 $0x20, s15;
	s19 =	sadd.s32 $0x1900, s16  }
0x8a: {  	[hbm4b:s18+s3] =	stream.linear.scatter [tilespmem:s19], [sflag:$0x1], $0x80, $0x38;
	[tilespmem:$0x8900] =	vst v63  }
0x8b: {  	s21 =	sadd.s32 $0xA0, s15;
	(v2sf) =	vpush v0, $0x4;
	s20 =	sadd.s32 $0x1D00, s16  }
0x8c: {  	[hbm4b:s21+s3] =	stream.linear.scatter [tilespmem:s20], [sflag:$0x1], $0x80, $0x38;
	[tilespmem:$0x8900] =	vst v63  }
0x8d: {  	s23 =	sadd.s32 $0x120, s15;
	s22 =	sadd.s32 $0x2100, s16  }
0x8e: {  	[hbm4b:s23+s3] =	stream.linear.scatter [tilespmem:s22], [sflag:$0x1], $0x80, $0x38;
	[tilespmem:$0x8900] =	vst v63  }
0x8f: {  	s24 =	sadd.s32 $0x1A0, s15;
	s25 =	spop (v2sf);
	s16 =	sadd.s32 $0x2500, s16  }
0x90: {  	[hbm4b:s24+s3] =	stream.linear.scatter [tilespmem:s16], [sflag:$0x1], $0x80, $0x38;
	[tilespmem:$0x8900] =	vst v63  }
0x91: {  	s26 =	sshll.u32 s25, $0x9;
	s16 =	sshll.u32 s25, $0x7  }
0x92: {  	s17 =	sand.u32 $0xFFFFF000, s26;
	s16 =	sand.u32 $0x380, s16  }
0x93: {  	s16 =	sor.u32 s16, s17  }
0x94: {  	s28 =	sadd.s32 $0x30, s15;
	s29 =	sadd.s32 $0x1900, s16  }
0x95: {  	[hbm4b:s28+s3] =	stream.linear.scatter [tilespmem:s29], [sflag:$0x1], $0x80, $0x38;
	[tilespmem:$0x8900] =	vst v63  }
0x96: {  	(v2sf) =	vpush v0, $0x5;
	s31 =	sadd.s32 $0xB0, s15;
	s30 =	sadd.s32 $0x1D00, s16  }
0x97: {  	[hbm4b:s31+s3] =	stream.linear.scatter [tilespmem:s30], [sflag:$0x1], $0x80, $0x38;
	[tilespmem:$0x8900] =	vst v63  }
0x98: {  	s20 =	sadd.s32 $0x130, s15;
	s19 =	sadd.s32 $0x2100, s16  }
0x99: {  	[hbm4b:s20+s3] =	stream.linear.scatter [tilespmem:s19], [sflag:$0x1], $0x80, $0x38;
	[tilespmem:$0x8900] =	vst v63  }
0x9a: {  	s21 =	sadd.s32 $0x1B0, s15;
	s22 =	spop (v2sf);
	s16 =	sadd.s32 $0x2500, s16  }
0x9b: {  	[hbm4b:s21+s3] =	stream.linear.scatter [tilespmem:s16], [sflag:$0x1], $0x80, $0x38;
	[tilespmem:$0x8900] =	vst v63  }
0x9c: {  	s23 =	sshll.u32 s22, $0x9;
	s16 =	sshll.u32 s22, $0x7  }
0x9d: {  	s17 =	sand.u32 $0xFFFFF000, s23;
	s16 =	sand.u32 $0x380, s16  }
0x9e: {  	s16 =	sor.u32 s16, s17  }
0x9f: {  	s24 =	sadd.s32 $0x40, s15;
	s25 =	sadd.s32 $0x1900, s16  }
0xa0: {  	[hbm4b:s24+s3] =	stream.linear.scatter [tilespmem:s25], [sflag:$0x1], $0x80, $0x38;
	[tilespmem:$0x8900] =	vst v63  }
0xa1: {  	(v2sf) =	vpush v0, $0x6;
	s28 =	sadd.s32 $0xC0, s15;
	s26 =	sadd.s32 $0x1D00, s16  }
0xa2: {  	[hbm4b:s28+s3] =	stream.linear.scatter [tilespmem:s26], [sflag:$0x1], $0x80, $0x38;
	[tilespmem:$0x8900] =	vst v63  }
0xa3: {  	s30 =	sadd.s32 $0x140, s15;
	s29 =	sadd.s32 $0x2100, s16  }
0xa4: {  	[hbm4b:s30+s3] =	stream.linear.scatter [tilespmem:s29], [sflag:$0x1], $0x80, $0x38;
	[tilespmem:$0x8900] =	vst v63  }
0xa5: {  	s18 =	spop (v2sf);
	s31 =	sadd.s32 $0x1C0, s15;
	s16 =	sadd.s32 $0x2500, s16  }
0xa6: {  	[hbm4b:s31+s3] =	stream.linear.scatter [tilespmem:s16], [sflag:$0x1], $0x80, $0x38;
	[tilespmem:$0x8900] =	vst v63  }
0xa7: {  	s19 =	sshll.u32 s18, $0x9;
	s16 =	sshll.u32 s18, $0x7  }
0xa8: {  	s17 =	sand.u32 $0xFFFFF000, s19;
	s16 =	sand.u32 $0x380, s16  }
0xa9: {  	s16 =	sor.u32 s16, s17  }
0xaa: {  	s20 =	sadd.s32 $0x50, s15;
	s21 =	sadd.s32 $0x1900, s16  }
0xab: {  	[hbm4b:s20+s3] =	stream.linear.scatter [tilespmem:s21], [sflag:$0x1], $0x80, $0x38;
	[tilespmem:$0x8900] =	vst v63  }
0xac: {  	(v2sf) =	vpush v0, $0x7;
	s23 =	sadd.s32 $0xD0, s15;
	s22 =	sadd.s32 $0x1D00, s16  }
0xad: {  	[hbm4b:s23+s3] =	stream.linear.scatter [tilespmem:s22], [sflag:$0x1], $0x80, $0x38;
	[tilespmem:$0x8900] =	vst v63  }
0xae: {  	s25 =	sadd.s32 $0x150, s15;
	s24 =	sadd.s32 $0x2100, s16  }
0xaf: {  	[hbm4b:s25+s3] =	stream.linear.scatter [tilespmem:s24], [sflag:$0x1], $0x80, $0x38;
	[tilespmem:$0x8900] =	vst v63  }
0xb0: {  	s26 =	sadd.s32 $0x1D0, s15;
	s28 =	spop (v2sf);
	s16 =	sadd.s32 $0x2500, s16  }
0xb1: {  	[hbm4b:s26+s3] =	stream.linear.scatter [tilespmem:s16], [sflag:$0x1], $0x80, $0x38;
	[tilespmem:$0x8900] =	vst v63  }
0xb2: {  	s29 =	sshll.u32 s28, $0x9;
	s16 =	sshll.u32 s28, $0x7  }
0xb3: {  	s17 =	sand.u32 $0xFFFFF000, s29;
	s16 =	sand.u32 $0x380, s16  }
0xb4: {  	s16 =	sor.u32 s16, s17  }
0xb5: {  	s30 =	sadd.s32 $0x60, s15;
	s31 =	sadd.s32 $0x1900, s16  }
0xb6: {  	[hbm4b:s30+s3] =	stream.linear.scatter [tilespmem:s31], [sflag:$0x1], $0x80, $0x38;
	[tilespmem:$0x8900] =	vst v63  }
0xb7: {  	s19 =	sadd.s32 $0xE0, s15;
	(v2sf) =	vpush v0, $0x8;
	s18 =	sadd.s32 $0x1D00, s16  }
0xb8: {  	[hbm4b:s19+s3] =	stream.linear.scatter [tilespmem:s18], [sflag:$0x1], $0x80, $0x38;
	[tilespmem:$0x8900] =	vst v63  }
0xb9: {  	s21 =	sadd.s32 $0x160, s15;
	s20 =	sadd.s32 $0x2100, s16  }
0xba: {  	[hbm4b:s21+s3] =	stream.linear.scatter [tilespmem:s20], [sflag:$0x1], $0x80, $0x38;
	[tilespmem:$0x8900] =	vst v63  }
0xbb: {  	s22 =	sadd.s32 $0x1E0, s15;
	s23 =	spop (v2sf);
	s16 =	sadd.s32 $0x2500, s16  }
0xbc: {  	[hbm4b:s22+s3] =	stream.linear.scatter [tilespmem:s16], [sflag:$0x1], $0x80, $0x38;
	[tilespmem:$0x8900] =	vst v63  }
0xbd: {  	s24 =	sshll.u32 s23, $0x9;
	s16 =	sshll.u32 s23, $0x7  }
0xbe: {  	s17 =	sand.u32 $0xFFFFF000, s24;
	s16 =	sand.u32 $0x380, s16  }
0xbf: {  	s16 =	sor.u32 s16, s17  }
0xc0: {  	s25 =	sadd.s32 $0x70, s15;
	s26 =	sadd.s32 $0x1900, s16  }
0xc1: {  	[hbm4b:s25+s3] =	stream.linear.scatter [tilespmem:s26], [sflag:$0x1], $0x80, $0x38;
	[tilespmem:$0x8900] =	vst v63  }
0xc2: {  	s29 =	sadd.s32 $0xF0, s15;
	(v2sf) =	vpush v0, $0x9;
	s28 =	sadd.s32 $0x1D00, s16  }
0xc3: {  	[hbm4b:s29+s3] =	stream.linear.scatter [tilespmem:s28], [sflag:$0x1], $0x80, $0x38;
	[tilespmem:$0x8900] =	vst v63  }
0xc4: {  	s31 =	sadd.s32 $0x170, s15;
	s30 =	sadd.s32 $0x2100, s16  }
0xc5: {  	[hbm4b:s31+s3] =	stream.linear.scatter [tilespmem:s30], [sflag:$0x1], $0x80, $0x38;
	[tilespmem:$0x8900] =	vst v63  }
0xc6: {  	s19 =	sadd.s32 $0x1F0, s15;
	s20 =	spop (v2sf);
	s16 =	sadd.s32 $0x2500, s16  }
0xc7: {  	[hbm4b:s19+s3] =	stream.linear.scatter [tilespmem:s16], [sflag:$0x1], $0x80, $0x38;
	[tilespmem:$0x8900] =	vst v63  }
0xc8: {  	s21 =	sshll.u32 s20, $0x9;
	s16 =	sshll.u32 s20, $0x7  }
0xc9: {  	s17 =	sand.u32 $0xFFFFF000, s21;
	s16 =	sand.u32 $0x380, s16  }
0xca: {  	s16 =	sor.u32 s16, s17  }
0xcb: {  	s22 =	sadd.s32 $0x200, s15;
	s23 =	sadd.s32 $0x1900, s16  }
0xcc: {  	[hbm4b:s22+s3] =	stream.linear.scatter [tilespmem:s23], [sflag:$0x1], $0x80, $0x38;
	[tilespmem:$0x8900] =	vst v63  }
0xcd: {  	(v2sf) =	vpush v0, $0xA;
	s25 =	sadd.s32 $0x280, s15;
	s24 =	sadd.s32 $0x1D00, s16  }
0xce: {  	[hbm4b:s25+s3] =	stream.linear.scatter [tilespmem:s24], [sflag:$0x1], $0x80, $0x38;
	[tilespmem:$0x8900] =	vst v63  }
0xcf: {  	s28 =	sadd.s32 $0x300, s15;
	s26 =	sadd.s32 $0x2100, s16  }
0xd0: {  	[hbm4b:s28+s3] =	stream.linear.scatter [tilespmem:s26], [sflag:$0x1], $0x80, $0x38;
	[tilespmem:$0x8900] =	vst v63  }
0xd1: {  	s29 =	sadd.s32 $0x380, s15;
	s30 =	spop (v2sf);
	s16 =	sadd.s32 $0x2500, s16  }
0xd2: {  	[hbm4b:s29+s3] =	stream.linear.scatter [tilespmem:s16], [sflag:$0x1], $0x80, $0x38;
	[tilespmem:$0x8900] =	vst v63  }
0xd3: {  	s31 =	sshll.u32 s30, $0x9;
	s16 =	sshll.u32 s30, $0x7  }
0xd4: {  	s17 =	sand.u32 $0xFFFFF000, s31;
	s16 =	sand.u32 $0x380, s16  }
0xd5: {  	s16 =	sor.u32 s16, s17  }
0xd6: {  	s18 =	sadd.s32 $0x210, s15;
	s19 =	sadd.s32 $0x1900, s16  }
0xd7: {  	[hbm4b:s18+s3] =	stream.linear.scatter [tilespmem:s19], [sflag:$0x1], $0x80, $0x38;
	[tilespmem:$0x8900] =	vst v63  }
0xd8: {  	s21 =	sadd.s32 $0x290, s15;
	(v2sf) =	vpush v0, $0xB;
	s20 =	sadd.s32 $0x1D00, s16  }
0xd9: {  	[hbm4b:s21+s3] =	stream.linear.scatter [tilespmem:s20], [sflag:$0x1], $0x80, $0x38;
	[tilespmem:$0x8900] =	vst v63  }
0xda: {  	s23 =	sadd.s32 $0x310, s15;
	s22 =	sadd.s32 $0x2100, s16  }
0xdb: {  	[hbm4b:s23+s3] =	stream.linear.scatter [tilespmem:s22], [sflag:$0x1], $0x80, $0x38;
	[tilespmem:$0x8900] =	vst v63  }
0xdc: {  	s24 =	sadd.s32 $0x390, s15;
	s25 =	spop (v2sf);
	s16 =	sadd.s32 $0x2500, s16  }
0xdd: {  	[hbm4b:s24+s3] =	stream.linear.scatter [tilespmem:s16], [sflag:$0x1], $0x80, $0x38;
	[tilespmem:$0x8900] =	vst v63  }
0xde: {  	s26 =	sshll.u32 s25, $0x9;
	s16 =	sshll.u32 s25, $0x7  }
0xdf: {  	s17 =	sand.u32 $0xFFFFF000, s26;
	s16 =	sand.u32 $0x380, s16  }
0xe0: {  	s16 =	sor.u32 s16, s17  }
0xe1: {  	s28 =	sadd.s32 $0x220, s15;
	s29 =	sadd.s32 $0x1900, s16  }
0xe2: {  	[hbm4b:s28+s3] =	stream.linear.scatter [tilespmem:s29], [sflag:$0x1], $0x80, $0x38;
	[tilespmem:$0x8900] =	vst v63  }
0xe3: {  	s31 =	sadd.s32 $0x2A0, s15;
	(v2sf) =	vpush v0, $0xC;
	s30 =	sadd.s32 $0x1D00, s16  }
0xe4: {  	[hbm4b:s31+s3] =	stream.linear.scatter [tilespmem:s30], [sflag:$0x1], $0x80, $0x38;
	[tilespmem:$0x8900] =	vst v63  }
0xe5: {  	s20 =	sadd.s32 $0x320, s15;
	s19 =	sadd.s32 $0x2100, s16  }
0xe6: {  	[hbm4b:s20+s3] =	stream.linear.scatter [tilespmem:s19], [sflag:$0x1], $0x80, $0x38;
	[tilespmem:$0x8900] =	vst v63  }
0xe7: {  	s21 =	sadd.s32 $0x3A0, s15;
	s22 =	spop (v2sf);
	s16 =	sadd.s32 $0x2500, s16  }
0xe8: {  	[hbm4b:s21+s3] =	stream.linear.scatter [tilespmem:s16], [sflag:$0x1], $0x80, $0x38;
	[tilespmem:$0x8900] =	vst v63  }
0xe9: {  	s23 =	sshll.u32 s22, $0x9;
	s16 =	sshll.u32 s22, $0x7  }
0xea: {  	s17 =	sand.u32 $0xFFFFF000, s23;
	s16 =	sand.u32 $0x380, s16  }
0xeb: {  	s16 =	sor.u32 s16, s17  }
0xec: {  	s24 =	sadd.s32 $0x230, s15;
	s25 =	sadd.s32 $0x1900, s16  }
0xed: {  	[hbm4b:s24+s3] =	stream.linear.scatter [tilespmem:s25], [sflag:$0x1], $0x80, $0x38;
	[tilespmem:$0x8900] =	vst v63  }
0xee: {  	(v2sf) =	vpush v0, $0xD;
	s28 =	sadd.s32 $0x2B0, s15;
	s26 =	sadd.s32 $0x1D00, s16  }
0xef: {  	[hbm4b:s28+s3] =	stream.linear.scatter [tilespmem:s26], [sflag:$0x1], $0x80, $0x38;
	[tilespmem:$0x8900] =	vst v63  }
0xf0: {  	s30 =	sadd.s32 $0x330, s15;
	s29 =	sadd.s32 $0x2100, s16  }
0xf1: {  	[hbm4b:s30+s3] =	stream.linear.scatter [tilespmem:s29], [sflag:$0x1], $0x80, $0x38;
	[tilespmem:$0x8900] =	vst v63  }
0xf2: {  	s18 =	spop (v2sf);
	s31 =	sadd.s32 $0x3B0, s15;
	s16 =	sadd.s32 $0x2500, s16  }
0xf3: {  	[hbm4b:s31+s3] =	stream.linear.scatter [tilespmem:s16], [sflag:$0x1], $0x80, $0x38;
	[tilespmem:$0x8900] =	vst v63  }
0xf4: {  	s19 =	sshll.u32 s18, $0x9;
	s16 =	sshll.u32 s18, $0x7  }
0xf5: {  	s17 =	sand.u32 $0xFFFFF000, s19;
	s16 =	sand.u32 $0x380, s16  }
0xf6: {  	s16 =	sor.u32 s16, s17  }
0xf7: {  	s20 =	sadd.s32 $0x240, s15;
	s21 =	sadd.s32 $0x1900, s16  }
0xf8: {  	[hbm4b:s20+s3] =	stream.linear.scatter [tilespmem:s21], [sflag:$0x1], $0x80, $0x38;
	[tilespmem:$0x8900] =	vst v63  }
0xf9: {  	(v2sf) =	vpush v0, $0xE;
	s23 =	sadd.s32 $0x2C0, s15;
	s22 =	sadd.s32 $0x1D00, s16  }
0xfa: {  	[hbm4b:s23+s3] =	stream.linear.scatter [tilespmem:s22], [sflag:$0x1], $0x80, $0x38;
	[tilespmem:$0x8900] =	vst v63  }
0xfb: {  	s25 =	sadd.s32 $0x340, s15;
	s24 =	sadd.s32 $0x2100, s16  }
0xfc: {  	[hbm4b:s25+s3] =	stream.linear.scatter [tilespmem:s24], [sflag:$0x1], $0x80, $0x38;
	[tilespmem:$0x8900] =	vst v63  }
0xfd: {  	s26 =	sadd.s32 $0x3C0, s15;
	s28 =	spop (v2sf);
	s16 =	sadd.s32 $0x2500, s16  }
0xfe: {  	[hbm4b:s26+s3] =	stream.linear.scatter [tilespmem:s16], [sflag:$0x1], $0x80, $0x38;
	[tilespmem:$0x8900] =	vst v63  }
0xff: {  	s29 =	sshll.u32 s28, $0x9;
	s16 =	sshll.u32 s28, $0x7  }
0x100: {  	s17 =	sand.u32 $0xFFFFF000, s29;
	s16 =	sand.u32 $0x380, s16  }
0x101: {  	s16 =	sor.u32 s16, s17  }
0x102: {  	s30 =	sadd.s32 $0x250, s15;
	s31 =	sadd.s32 $0x1900, s16  }
0x103: {  	[hbm4b:s30+s3] =	stream.linear.scatter [tilespmem:s31], [sflag:$0x1], $0x80, $0x38;
	[tilespmem:$0x8900] =	vst v63  }
0x104: {  	s19 =	sadd.s32 $0x2D0, s15;
	(v2sf) =	vpush v0, $0xF;
	s18 =	sadd.s32 $0x1D00, s16  }
0x105: {  	[hbm4b:s19+s3] =	stream.linear.scatter [tilespmem:s18], [sflag:$0x1], $0x80, $0x38;
	[tilespmem:$0x8900] =	vst v63  }
0x106: {  	s21 =	sadd.s32 $0x350, s15;
	s20 =	sadd.s32 $0x2100, s16  }
0x107: {  	[hbm4b:s21+s3] =	stream.linear.scatter [tilespmem:s20], [sflag:$0x1], $0x80, $0x38;
	[tilespmem:$0x8900] =	vst v63  }
0x108: {  	s22 =	sadd.s32 $0x3D0, s15;
	s23 =	spop (v2sf);
	s16 =	sadd.s32 $0x2500, s16  }
0x109: {  	[hbm4b:s22+s3] =	stream.linear.scatter [tilespmem:s16], [sflag:$0x1], $0x80, $0x38;
	[tilespmem:$0x8900] =	vst v63  }
0x10a: {  	s24 =	sshll.u32 s23, $0x9;
	s16 =	sshll.u32 s23, $0x7  }
0x10b: {  	s17 =	sand.u32 $0xFFFFF000, s24;
	s16 =	sand.u32 $0x380, s16  }
0x10c: {  	s16 =	sor.u32 s16, s17  }
0x10d: {  	s25 =	sadd.s32 $0x260, s15;
	s26 =	sadd.s32 $0x1900, s16  }
0x10e: {  	[hbm4b:s25+s3] =	stream.linear.scatter [tilespmem:s26], [sflag:$0x1], $0x80, $0x38;
	[tilespmem:$0x8900] =	vst v63  }
0x10f: {  	s29 =	sadd.s32 $0x2E0, s15;
	s28 =	sadd.s32 $0x1D00, s16  }
0x110: {  	[hbm4b:s29+s3] =	stream.linear.scatter [tilespmem:s28], [sflag:$0x1], $0x80, $0x38;
	[tilespmem:$0x8900] =	vst v63  }
0x111: {  	s31 =	sadd.s32 $0x360, s15;
	s30 =	sadd.s32 $0x2100, s16  }
0x112: {  	[hbm4b:s31+s3] =	stream.linear.scatter [tilespmem:s30], [sflag:$0x1], $0x80, $0x38;
	[tilespmem:$0x8900] =	vst v63  }
0x113: {  	s19 =	sadd.s32 $0x3E0, s15;
	s20 =	spop (v2sf);
	s16 =	sadd.s32 $0x2500, s16  }
0x114: {  	[hbm4b:s19+s3] =	stream.linear.scatter [tilespmem:s16], [sflag:$0x1], $0x80, $0x38;
	[tilespmem:$0x8900] =	vst v63  }
0x115: {  	s21 =	sshll.u32 s20, $0x9;
	s16 =	sshll.u32 s20, $0x7  }
0x116: {  	s17 =	sand.u32 $0xFFFFF000, s21;
	s16 =	sand.u32 $0x380, s16  }
0x117: {  	s16 =	sor.u32 s16, s17  }
0x118: {  	s22 =	sadd.s32 $0x270, s15;
	s23 =	sadd.s32 $0x1900, s16  }
0x119: {  	[hbm4b:s22+s3] =	stream.linear.scatter [tilespmem:s23], [sflag:$0x1], $0x80, $0x38;
	[tilespmem:$0x8900] =	vst v63  }
0x11a: {  	s25 =	sadd.s32 $0x2F0, s15;
	s24 =	sadd.s32 $0x1D00, s16  }
0x11b: {  	[hbm4b:s25+s3] =	stream.linear.scatter [tilespmem:s24], [sflag:$0x1], $0x80, $0x38;
	[tilespmem:$0x8900] =	vst v63  }
0x11c: {  	s28 =	sadd.s32 $0x370, s15;
	s26 =	sadd.s32 $0x2100, s16  }
0x11d: {  	[hbm4b:s28+s3] =	stream.linear.scatter [tilespmem:s26], [sflag:$0x1], $0x80, $0x38;
	[tilespmem:$0x8900] =	vst v63  }
0x11e: {  	s15 =	sadd.s32 $0x3F0, s15;
	s16 =	sadd.s32 $0x2500, s16  }
0x11f: {  	[hbm4b:s15+s3] =	stream.linear.scatter [tilespmem:s16], [sflag:$0x1], $0x80, $0x38;
	[tilespmem:$0x8900] =	vst v63  }
0x120: {  	s15 =	simm.s32 @!p0 $0x2  }
0x121: {  	_ =	swait.ge @!p0 [sflag:s15], $0x2000  }
0x122: {  	[sflag:s15] =	ssyncset.done @!p0 $0x0  }
0x123: {  	[sflag:s15] =	ssyncadd.s32 @!p0 $0xFFFFE000  }
0x124: {  	v61 =	vld [tilespmem:s14+$0xFFFFFFF0];
	_ =	sdelay $0x4  }
0x125: {  	(v2sf) =	vpush v61, $0x0;
	_ =	sdelay $0x1  }
0x126: {  	(v2sf) =	vpush v61, $0x1;
	_ =	sdelay $0xc  }
0x127: {  	s29 =	spop (v2sf)  }
0x128: {  	s30 =	rddreg [dreg:$0x5];
	s31 =	sshll.u32 s29, $0x9;
	s15 =	sshll.u32 s29, $0x7  }
0x129: {  	s25 =	spop (v2sf);
	s17 =	sand.u32 $0xFFFFF000, s31;
	s15 =	sand.u32 $0x380, s15  }
0x12a: {  	(v2sf) =	vpush v61, $0x2;
	s26 =	sshll.u32 s25, $0x9;
	s16 =	sshll.u32 s25, $0x7;
	s17 =	sor.u32 s15, s17  }
0x12b: {  	s15 =	sadd.s32 s13, s30;
	s16 =	sand.u32 $0x380, s16;
	s18 =	sadd.s32 $0x1900, s17  }
0x12c: {  	[hbm4b:s15+s3] =	stream.linear.scatter [tilespmem:s18], [sflag:$0x2], $0x80, $0x38;
	[tilespmem:$0x8900] =	vst v63  }
0x12d: {  	s19 =	sadd.s32 $0x1D00, s17;
	s20 =	sadd.s32 $0x80, s15;
	s21 =	sadd.s32 $0x2100, s17  }
0x12e: {  	[hbm4b:s20+s3] =	stream.linear.scatter [tilespmem:s19], [sflag:$0x2], $0x80, $0x38;
	[tilespmem:$0x8900] =	vst v63  }
0x12f: {  	s22 =	sadd.s32 $0x100, s15;
	s23 =	sadd.s32 $0x2500, s17;
	s17 =	sand.u32 $0xFFFFF000, s26  }
0x130: {  	[hbm4b:s22+s3] =	stream.linear.scatter [tilespmem:s21], [sflag:$0x2], $0x80, $0x38;
	[tilespmem:$0x8900] =	vst v63  }
0x131: {  	s24 =	sadd.s32 $0x180, s15;
	s16 =	sor.u32 s16, s17  }
0x132: {  	[hbm4b:s24+s3] =	stream.linear.scatter [tilespmem:s23], [sflag:$0x2], $0x80, $0x38;
	[tilespmem:$0x8900] =	vst v63  }
0x133: {  	s28 =	sadd.s32 $0x10, s15;
	s29 =	sadd.s32 $0x1900, s16  }
0x134: {  	[hbm4b:s28+s3] =	stream.linear.scatter [tilespmem:s29], [sflag:$0x2], $0x80, $0x38;
	[tilespmem:$0x8900] =	vst v63  }
0x135: {  	(v2sf) =	vpush v61, $0x3;
	s31 =	sadd.s32 $0x90, s15;
	s30 =	sadd.s32 $0x1D00, s16  }
0x136: {  	[hbm4b:s31+s3] =	stream.linear.scatter [tilespmem:s30], [sflag:$0x2], $0x80, $0x38;
	[tilespmem:$0x8900] =	vst v63  }
0x137: {  	s19 =	sadd.s32 $0x2100, s16;
	s20 =	sadd.s32 $0x110, s15  }
0x138: {  	[hbm4b:s20+s3] =	stream.linear.scatter [tilespmem:s19], [sflag:$0x2], $0x80, $0x38;
	[tilespmem:$0x8900] =	vst v63  }
0x139: {  	s16 =	sadd.s32 $0x2500, s16;
	s21 =	sadd.s32 $0x190, s15;
	s22 =	spop (v2sf)  }
0x13a: {  	[hbm4b:s21+s3] =	stream.linear.scatter [tilespmem:s16], [sflag:$0x2], $0x80, $0x38;
	[tilespmem:$0x8900] =	vst v63  }
0x13b: {  	s23 =	sshll.u32 s22, $0x9;
	s16 =	sshll.u32 s22, $0x7  }
0x13c: {  	s17 =	sand.u32 $0xFFFFF000, s23;
	s16 =	sand.u32 $0x380, s16  }
0x13d: {  	s16 =	sor.u32 s16, s17  }
0x13e: {  	s24 =	sadd.s32 $0x20, s15;
	s25 =	sadd.s32 $0x1900, s16  }
0x13f: {  	[hbm4b:s24+s3] =	stream.linear.scatter [tilespmem:s25], [sflag:$0x2], $0x80, $0x38;
	[tilespmem:$0x8900] =	vst v63  }
0x140: {  	s28 =	sadd.s32 $0xA0, s15;
	(v2sf) =	vpush v61, $0x4;
	s26 =	sadd.s32 $0x1D00, s16  }
0x141: {  	[hbm4b:s28+s3] =	stream.linear.scatter [tilespmem:s26], [sflag:$0x2], $0x80, $0x38;
	[tilespmem:$0x8900] =	vst v63  }
0x142: {  	s30 =	sadd.s32 $0x120, s15;
	s29 =	sadd.s32 $0x2100, s16  }
0x143: {  	[hbm4b:s30+s3] =	stream.linear.scatter [tilespmem:s29], [sflag:$0x2], $0x80, $0x38;
	[tilespmem:$0x8900] =	vst v63  }
0x144: {  	s31 =	sadd.s32 $0x1A0, s15;
	s18 =	spop (v2sf);
	s16 =	sadd.s32 $0x2500, s16  }
0x145: {  	[hbm4b:s31+s3] =	stream.linear.scatter [tilespmem:s16], [sflag:$0x2], $0x80, $0x38;
	[tilespmem:$0x8900] =	vst v63  }
0x146: {  	s19 =	sshll.u32 s18, $0x9;
	s16 =	sshll.u32 s18, $0x7  }
0x147: {  	s17 =	sand.u32 $0xFFFFF000, s19;
	s16 =	sand.u32 $0x380, s16  }
0x148: {  	s16 =	sor.u32 s16, s17  }
0x149: {  	s20 =	sadd.s32 $0x30, s15;
	s21 =	sadd.s32 $0x1900, s16  }
0x14a: {  	[hbm4b:s20+s3] =	stream.linear.scatter [tilespmem:s21], [sflag:$0x2], $0x80, $0x38;
	[tilespmem:$0x8900] =	vst v63  }
0x14b: {  	(v2sf) =	vpush v61, $0x5;
	s23 =	sadd.s32 $0xB0, s15;
	s22 =	sadd.s32 $0x1D00, s16  }
0x14c: {  	[hbm4b:s23+s3] =	stream.linear.scatter [tilespmem:s22], [sflag:$0x2], $0x80, $0x38;
	[tilespmem:$0x8900] =	vst v63  }
0x14d: {  	s25 =	sadd.s32 $0x130, s15;
	s24 =	sadd.s32 $0x2100, s16  }
0x14e: {  	[hbm4b:s25+s3] =	stream.linear.scatter [tilespmem:s24], [sflag:$0x2], $0x80, $0x38;
	[tilespmem:$0x8900] =	vst v63  }
0x14f: {  	s26 =	sadd.s32 $0x1B0, s15;
	s28 =	spop (v2sf);
	s16 =	sadd.s32 $0x2500, s16  }
0x150: {  	[hbm4b:s26+s3] =	stream.linear.scatter [tilespmem:s16], [sflag:$0x2], $0x80, $0x38;
	[tilespmem:$0x8900] =	vst v63  }
0x151: {  	s29 =	sshll.u32 s28, $0x9;
	s16 =	sshll.u32 s28, $0x7  }
0x152: {  	s17 =	sand.u32 $0xFFFFF000, s29;
	s16 =	sand.u32 $0x380, s16  }
0x153: {  	s16 =	sor.u32 s16, s17  }
0x154: {  	s30 =	sadd.s32 $0x40, s15;
	s31 =	sadd.s32 $0x1900, s16  }
0x155: {  	[hbm4b:s30+s3] =	stream.linear.scatter [tilespmem:s31], [sflag:$0x2], $0x80, $0x38;
	[tilespmem:$0x8900] =	vst v63  }
0x156: {  	s19 =	sadd.s32 $0xC0, s15;
	(v2sf) =	vpush v61, $0x6;
	s18 =	sadd.s32 $0x1D00, s16  }
0x157: {  	[hbm4b:s19+s3] =	stream.linear.scatter [tilespmem:s18], [sflag:$0x2], $0x80, $0x38;
	[tilespmem:$0x8900] =	vst v63  }
0x158: {  	s21 =	sadd.s32 $0x140, s15;
	s20 =	sadd.s32 $0x2100, s16  }
0x159: {  	[hbm4b:s21+s3] =	stream.linear.scatter [tilespmem:s20], [sflag:$0x2], $0x80, $0x38;
	[tilespmem:$0x8900] =	vst v63  }
0x15a: {  	s22 =	sadd.s32 $0x1C0, s15;
	s23 =	spop (v2sf);
	s16 =	sadd.s32 $0x2500, s16  }
0x15b: {  	[hbm4b:s22+s3] =	stream.linear.scatter [tilespmem:s16], [sflag:$0x2], $0x80, $0x38;
	[tilespmem:$0x8900] =	vst v63  }
0x15c: {  	s24 =	sshll.u32 s23, $0x9;
	s16 =	sshll.u32 s23, $0x7  }
0x15d: {  	s17 =	sand.u32 $0xFFFFF000, s24;
	s16 =	sand.u32 $0x380, s16  }
0x15e: {  	s16 =	sor.u32 s16, s17  }
0x15f: {  	s25 =	sadd.s32 $0x50, s15;
	s26 =	sadd.s32 $0x1900, s16  }
0x160: {  	[hbm4b:s25+s3] =	stream.linear.scatter [tilespmem:s26], [sflag:$0x2], $0x80, $0x38;
	[tilespmem:$0x8900] =	vst v63  }
0x161: {  	s29 =	sadd.s32 $0xD0, s15;
	(v2sf) =	vpush v61, $0x7;
	s28 =	sadd.s32 $0x1D00, s16  }
0x162: {  	[hbm4b:s29+s3] =	stream.linear.scatter [tilespmem:s28], [sflag:$0x2], $0x80, $0x38;
	[tilespmem:$0x8900] =	vst v63  }
0x163: {  	s31 =	sadd.s32 $0x150, s15;
	s30 =	sadd.s32 $0x2100, s16  }
0x164: {  	[hbm4b:s31+s3] =	stream.linear.scatter [tilespmem:s30], [sflag:$0x2], $0x80, $0x38;
	[tilespmem:$0x8900] =	vst v63  }
0x165: {  	s19 =	sadd.s32 $0x1D0, s15;
	s20 =	spop (v2sf);
	s16 =	sadd.s32 $0x2500, s16  }
0x166: {  	[hbm4b:s19+s3] =	stream.linear.scatter [tilespmem:s16], [sflag:$0x2], $0x80, $0x38;
	[tilespmem:$0x8900] =	vst v63  }
0x167: {  	s21 =	sshll.u32 s20, $0x9;
	s16 =	sshll.u32 s20, $0x7  }
0x168: {  	s17 =	sand.u32 $0xFFFFF000, s21;
	s16 =	sand.u32 $0x380, s16  }
0x169: {  	s16 =	sor.u32 s16, s17  }
0x16a: {  	s22 =	sadd.s32 $0x60, s15;
	s23 =	sadd.s32 $0x1900, s16  }
0x16b: {  	[hbm4b:s22+s3] =	stream.linear.scatter [tilespmem:s23], [sflag:$0x2], $0x80, $0x38;
	[tilespmem:$0x8900] =	vst v63  }
0x16c: {  	(v2sf) =	vpush v61, $0x8;
	s25 =	sadd.s32 $0xE0, s15;
	s24 =	sadd.s32 $0x1D00, s16  }
0x16d: {  	[hbm4b:s25+s3] =	stream.linear.scatter [tilespmem:s24], [sflag:$0x2], $0x80, $0x38;
	[tilespmem:$0x8900] =	vst v63  }
0x16e: {  	s28 =	sadd.s32 $0x160, s15;
	s26 =	sadd.s32 $0x2100, s16  }
0x16f: {  	[hbm4b:s28+s3] =	stream.linear.scatter [tilespmem:s26], [sflag:$0x2], $0x80, $0x38;
	[tilespmem:$0x8900] =	vst v63  }
0x170: {  	s29 =	sadd.s32 $0x1E0, s15;
	s30 =	spop (v2sf);
	s16 =	sadd.s32 $0x2500, s16  }
0x171: {  	[hbm4b:s29+s3] =	stream.linear.scatter [tilespmem:s16], [sflag:$0x2], $0x80, $0x38;
	[tilespmem:$0x8900] =	vst v63  }
0x172: {  	s31 =	sshll.u32 s30, $0x9;
	s16 =	sshll.u32 s30, $0x7  }
0x173: {  	s17 =	sand.u32 $0xFFFFF000, s31;
	s16 =	sand.u32 $0x380, s16  }
0x174: {  	s16 =	sor.u32 s16, s17  }
0x175: {  	s18 =	sadd.s32 $0x70, s15;
	s19 =	sadd.s32 $0x1900, s16  }
0x176: {  	[hbm4b:s18+s3] =	stream.linear.scatter [tilespmem:s19], [sflag:$0x2], $0x80, $0x38;
	[tilespmem:$0x8900] =	vst v63  }
0x177: {  	s21 =	sadd.s32 $0xF0, s15;
	(v2sf) =	vpush v61, $0x9;
	s20 =	sadd.s32 $0x1D00, s16  }
0x178: {  	[hbm4b:s21+s3] =	stream.linear.scatter [tilespmem:s20], [sflag:$0x2], $0x80, $0x38;
	[tilespmem:$0x8900] =	vst v63  }
0x179: {  	s23 =	sadd.s32 $0x170, s15;
	s22 =	sadd.s32 $0x2100, s16  }
0x17a: {  	[hbm4b:s23+s3] =	stream.linear.scatter [tilespmem:s22], [sflag:$0x2], $0x80, $0x38;
	[tilespmem:$0x8900] =	vst v63  }
0x17b: {  	s24 =	sadd.s32 $0x1F0, s15;
	s25 =	spop (v2sf);
	s16 =	sadd.s32 $0x2500, s16  }
0x17c: {  	[hbm4b:s24+s3] =	stream.linear.scatter [tilespmem:s16], [sflag:$0x2], $0x80, $0x38;
	[tilespmem:$0x8900] =	vst v63  }
0x17d: {  	s26 =	sshll.u32 s25, $0x9;
	s16 =	sshll.u32 s25, $0x7  }
0x17e: {  	s17 =	sand.u32 $0xFFFFF000, s26;
	s16 =	sand.u32 $0x380, s16  }
0x17f: {  	s16 =	sor.u32 s16, s17  }
0x180: {  	s28 =	sadd.s32 $0x200, s15;
	s29 =	sadd.s32 $0x1900, s16  }
0x181: {  	[hbm4b:s28+s3] =	stream.linear.scatter [tilespmem:s29], [sflag:$0x2], $0x80, $0x38;
	[tilespmem:$0x8900] =	vst v63  }
0x182: {  	s31 =	sadd.s32 $0x280, s15;
	(v2sf) =	vpush v61, $0xA;
	s30 =	sadd.s32 $0x1D00, s16  }
0x183: {  	[hbm4b:s31+s3] =	stream.linear.scatter [tilespmem:s30], [sflag:$0x2], $0x80, $0x38;
	[tilespmem:$0x8900] =	vst v63  }
0x184: {  	s20 =	sadd.s32 $0x300, s15;
	s19 =	sadd.s32 $0x2100, s16  }
0x185: {  	[hbm4b:s20+s3] =	stream.linear.scatter [tilespmem:s19], [sflag:$0x2], $0x80, $0x38;
	[tilespmem:$0x8900] =	vst v63  }
0x186: {  	s21 =	sadd.s32 $0x380, s15;
	s22 =	spop (v2sf);
	s16 =	sadd.s32 $0x2500, s16  }
0x187: {  	[hbm4b:s21+s3] =	stream.linear.scatter [tilespmem:s16], [sflag:$0x2], $0x80, $0x38;
	[tilespmem:$0x8900] =	vst v63  }
0x188: {  	s23 =	sshll.u32 s22, $0x9;
	s16 =	sshll.u32 s22, $0x7  }
0x189: {  	s17 =	sand.u32 $0xFFFFF000, s23;
	s16 =	sand.u32 $0x380, s16  }
0x18a: {  	s16 =	sor.u32 s16, s17  }
0x18b: {  	s24 =	sadd.s32 $0x210, s15;
	s25 =	sadd.s32 $0x1900, s16  }
0x18c: {  	[hbm4b:s24+s3] =	stream.linear.scatter [tilespmem:s25], [sflag:$0x2], $0x80, $0x38;
	[tilespmem:$0x8900] =	vst v63  }
0x18d: {  	(v2sf) =	vpush v61, $0xB;
	s28 =	sadd.s32 $0x290, s15;
	s26 =	sadd.s32 $0x1D00, s16  }
0x18e: {  	[hbm4b:s28+s3] =	stream.linear.scatter [tilespmem:s26], [sflag:$0x2], $0x80, $0x38;
	[tilespmem:$0x8900] =	vst v63  }
0x18f: {  	s30 =	sadd.s32 $0x310, s15;
	s29 =	sadd.s32 $0x2100, s16  }
0x190: {  	[hbm4b:s30+s3] =	stream.linear.scatter [tilespmem:s29], [sflag:$0x2], $0x80, $0x38;
	[tilespmem:$0x8900] =	vst v63  }
0x191: {  	s18 =	spop (v2sf);
	s31 =	sadd.s32 $0x390, s15;
	s16 =	sadd.s32 $0x2500, s16  }
0x192: {  	[hbm4b:s31+s3] =	stream.linear.scatter [tilespmem:s16], [sflag:$0x2], $0x80, $0x38;
	[tilespmem:$0x8900] =	vst v63  }
0x193: {  	s19 =	sshll.u32 s18, $0x9;
	s16 =	sshll.u32 s18, $0x7  }
0x194: {  	s17 =	sand.u32 $0xFFFFF000, s19;
	s16 =	sand.u32 $0x380, s16  }
0x195: {  	s16 =	sor.u32 s16, s17  }
0x196: {  	s20 =	sadd.s32 $0x220, s15;
	s21 =	sadd.s32 $0x1900, s16  }
0x197: {  	[hbm4b:s20+s3] =	stream.linear.scatter [tilespmem:s21], [sflag:$0x2], $0x80, $0x38;
	[tilespmem:$0x8900] =	vst v63  }
0x198: {  	(v2sf) =	vpush v61, $0xC;
	s23 =	sadd.s32 $0x2A0, s15;
	s22 =	sadd.s32 $0x1D00, s16  }
0x199: {  	[hbm4b:s23+s3] =	stream.linear.scatter [tilespmem:s22], [sflag:$0x2], $0x80, $0x38;
	[tilespmem:$0x8900] =	vst v63  }
0x19a: {  	s25 =	sadd.s32 $0x320, s15;
	s24 =	sadd.s32 $0x2100, s16  }
0x19b: {  	[hbm4b:s25+s3] =	stream.linear.scatter [tilespmem:s24], [sflag:$0x2], $0x80, $0x38;
	[tilespmem:$0x8900] =	vst v63  }
0x19c: {  	s26 =	sadd.s32 $0x3A0, s15;
	s28 =	spop (v2sf);
	s16 =	sadd.s32 $0x2500, s16  }
0x19d: {  	[hbm4b:s26+s3] =	stream.linear.scatter [tilespmem:s16], [sflag:$0x2], $0x80, $0x38;
	[tilespmem:$0x8900] =	vst v63  }
0x19e: {  	s29 =	sshll.u32 s28, $0x9;
	s16 =	sshll.u32 s28, $0x7  }
0x19f: {  	s17 =	sand.u32 $0xFFFFF000, s29;
	s16 =	sand.u32 $0x380, s16  }
0x1a0: {  	s16 =	sor.u32 s16, s17  }
0x1a1: {  	s30 =	sadd.s32 $0x230, s15;
	s31 =	sadd.s32 $0x1900, s16  }
0x1a2: {  	[hbm4b:s30+s3] =	stream.linear.scatter [tilespmem:s31], [sflag:$0x2], $0x80, $0x38;
	[tilespmem:$0x8900] =	vst v63  }
0x1a3: {  	s19 =	sadd.s32 $0x2B0, s15;
	(v2sf) =	vpush v61, $0xD;
	s18 =	sadd.s32 $0x1D00, s16  }
0x1a4: {  	[hbm4b:s19+s3] =	stream.linear.scatter [tilespmem:s18], [sflag:$0x2], $0x80, $0x38;
	[tilespmem:$0x8900] =	vst v63  }
0x1a5: {  	s21 =	sadd.s32 $0x330, s15;
	s20 =	sadd.s32 $0x2100, s16  }
0x1a6: {  	[hbm4b:s21+s3] =	stream.linear.scatter [tilespmem:s20], [sflag:$0x2], $0x80, $0x38;
	[tilespmem:$0x8900] =	vst v63  }
0x1a7: {  	s22 =	sadd.s32 $0x3B0, s15;
	s23 =	spop (v2sf);
	s16 =	sadd.s32 $0x2500, s16  }
0x1a8: {  	[hbm4b:s22+s3] =	stream.linear.scatter [tilespmem:s16], [sflag:$0x2], $0x80, $0x38;
	[tilespmem:$0x8900] =	vst v63  }
0x1a9: {  	s24 =	sshll.u32 s23, $0x9;
	s16 =	sshll.u32 s23, $0x7  }
0x1aa: {  	s17 =	sand.u32 $0xFFFFF000, s24;
	s16 =	sand.u32 $0x380, s16  }
0x1ab: {  	s16 =	sor.u32 s16, s17  }
0x1ac: {  	s25 =	sadd.s32 $0x240, s15;
	s26 =	sadd.s32 $0x1900, s16  }
0x1ad: {  	[hbm4b:s25+s3] =	stream.linear.scatter [tilespmem:s26], [sflag:$0x2], $0x80, $0x38;
	[tilespmem:$0x8900] =	vst v63  }
0x1ae: {  	s29 =	sadd.s32 $0x2C0, s15;
	(v2sf) =	vpush v61, $0xE;
	s28 =	sadd.s32 $0x1D00, s16  }
0x1af: {  	[hbm4b:s29+s3] =	stream.linear.scatter [tilespmem:s28], [sflag:$0x2], $0x80, $0x38;
	[tilespmem:$0x8900] =	vst v63  }
0x1b0: {  	s31 =	sadd.s32 $0x340, s15;
	s30 =	sadd.s32 $0x2100, s16  }
0x1b1: {  	[hbm4b:s31+s3] =	stream.linear.scatter [tilespmem:s30], [sflag:$0x2], $0x80, $0x38;
	[tilespmem:$0x8900] =	vst v63  }
0x1b2: {  	s19 =	sadd.s32 $0x3C0, s15;
	s20 =	spop (v2sf);
	s16 =	sadd.s32 $0x2500, s16  }
0x1b3: {  	[hbm4b:s19+s3] =	stream.linear.scatter [tilespmem:s16], [sflag:$0x2], $0x80, $0x38;
	[tilespmem:$0x8900] =	vst v63  }
0x1b4: {  	s21 =	sshll.u32 s20, $0x9;
	s16 =	sshll.u32 s20, $0x7  }
0x1b5: {  	s17 =	sand.u32 $0xFFFFF000, s21;
	s16 =	sand.u32 $0x380, s16  }
0x1b6: {  	s16 =	sor.u32 s16, s17  }
0x1b7: {  	s22 =	sadd.s32 $0x250, s15;
	s23 =	sadd.s32 $0x1900, s16  }
0x1b8: {  	[hbm4b:s22+s3] =	stream.linear.scatter [tilespmem:s23], [sflag:$0x2], $0x80, $0x38;
	[tilespmem:$0x8900] =	vst v63  }
0x1b9: {  	(v2sf) =	vpush v61, $0xF;
	s25 =	sadd.s32 $0x2D0, s15;
	s24 =	sadd.s32 $0x1D00, s16  }
0x1ba: {  	[hbm4b:s25+s3] =	stream.linear.scatter [tilespmem:s24], [sflag:$0x2], $0x80, $0x38;
	[tilespmem:$0x8900] =	vst v63  }
0x1bb: {  	s28 =	sadd.s32 $0x350, s15;
	s26 =	sadd.s32 $0x2100, s16  }
0x1bc: {  	[hbm4b:s28+s3] =	stream.linear.scatter [tilespmem:s26], [sflag:$0x2], $0x80, $0x38;
	[tilespmem:$0x8900] =	vst v63  }
0x1bd: {  	s29 =	sadd.s32 $0x3D0, s15;
	s30 =	spop (v2sf);
	s16 =	sadd.s32 $0x2500, s16  }
0x1be: {  	[hbm4b:s29+s3] =	stream.linear.scatter [tilespmem:s16], [sflag:$0x2], $0x80, $0x38;
	[tilespmem:$0x8900] =	vst v63  }
0x1bf: {  	s31 =	sshll.u32 s30, $0x9;
	s16 =	sshll.u32 s30, $0x7  }
0x1c0: {  	s17 =	sand.u32 $0xFFFFF000, s31;
	s16 =	sand.u32 $0x380, s16  }
0x1c1: {  	s16 =	sor.u32 s16, s17  }
0x1c2: {  	s18 =	sadd.s32 $0x260, s15;
	s19 =	sadd.s32 $0x1900, s16  }
0x1c3: {  	[hbm4b:s18+s3] =	stream.linear.scatter [tilespmem:s19], [sflag:$0x2], $0x80, $0x38;
	[tilespmem:$0x8900] =	vst v63  }
0x1c4: {  	s21 =	sadd.s32 $0x2E0, s15;
	s20 =	sadd.s32 $0x1D00, s16  }
0x1c5: {  	[hbm4b:s21+s3] =	stream.linear.scatter [tilespmem:s20], [sflag:$0x2], $0x80, $0x38;
	[tilespmem:$0x8900] =	vst v63  }
0x1c6: {  	s23 =	sadd.s32 $0x360, s15;
	s22 =	sadd.s32 $0x2100, s16  }
0x1c7: {  	[hbm4b:s23+s3] =	stream.linear.scatter [tilespmem:s22], [sflag:$0x2], $0x80, $0x38;
	[tilespmem:$0x8900] =	vst v63  }
0x1c8: {  	s24 =	sadd.s32 $0x3E0, s15;
	s25 =	spop (v2sf);
	s16 =	sadd.s32 $0x2500, s16  }
0x1c9: {  	[hbm4b:s24+s3] =	stream.linear.scatter [tilespmem:s16], [sflag:$0x2], $0x80, $0x38;
	[tilespmem:$0x8900] =	vst v63  }
0x1ca: {  	s26 =	sshll.u32 s25, $0x9;
	s16 =	sshll.u32 s25, $0x7  }
0x1cb: {  	s17 =	sand.u32 $0xFFFFF000, s26;
	s16 =	sand.u32 $0x380, s16  }
0x1cc: {  	s16 =	sor.u32 s16, s17  }
0x1cd: {  	s28 =	sadd.s32 $0x270, s15;
	s29 =	sadd.s32 $0x1900, s16  }
0x1ce: {  	[hbm4b:s28+s3] =	stream.linear.scatter [tilespmem:s29], [sflag:$0x2], $0x80, $0x38;
	[tilespmem:$0x8900] =	vst v63  }
0x1cf: {  	s31 =	sadd.s32 $0x2F0, s15;
	s30 =	sadd.s32 $0x1D00, s16  }
0x1d0: {  	[hbm4b:s31+s3] =	stream.linear.scatter [tilespmem:s30], [sflag:$0x2], $0x80, $0x38;
	[tilespmem:$0x8900] =	vst v63  }
0x1d1: {  	s20 =	sadd.s32 $0x370, s15;
	s19 =	sadd.s32 $0x2100, s16  }
0x1d2: {  	[hbm4b:s20+s3] =	stream.linear.scatter [tilespmem:s19], [sflag:$0x2], $0x80, $0x38;
	[tilespmem:$0x8900] =	vst v63  }
0x1d3: {  	s15 =	sadd.s32 $0x3F0, s15;
	s16 =	sadd.s32 $0x2500, s16  }
0x1d4: {  	[hbm4b:s15+s3] =	stream.linear.scatter [tilespmem:s16], [sflag:$0x2], $0x80, $0x38;
	[tilespmem:$0x8900] =	vst v63  }
0x1d5: {  	s15 =	simm.s32 @!p0 $0x3  }
0x1d6: {  	_ =	swait.ge @!p0 [sflag:s15], $0x2000  }
0x1d7: {  	[sflag:s15] =	ssyncset.done @!p0 $0x0  }
0x1d8: {  	[sflag:s15] =	ssyncadd.s32 @!p0 $0xFFFFE000  }
0x1d9: {  	v62 =	vld [tilespmem:s14+$0x0];
	_ =	sdelay $0x4  }
0x1da: {  	(v2sf) =	vpush v62, $0x0;
	_ =	sdelay $0x1  }
0x1db: {  	(v2sf) =	vpush v62, $0x1;
	_ =	sdelay $0xc  }
0x1dc: {  	s21 =	spop (v2sf)  }
0x1dd: {  	s22 =	rddreg [dreg:$0x6];
	s23 =	sshll.u32 s21, $0x9;
	s15 =	sshll.u32 s21, $0x7  }
0x1de: {  	s18 =	spop (v2sf);
	s17 =	sand.u32 $0xFFFFF000, s23;
	s15 =	sand.u32 $0x380, s15  }
0x1df: {  	(v2sf) =	vpush v62, $0x2;
	s19 =	sshll.u32 s18, $0x9;
	s16 =	sshll.u32 s18, $0x7;
	s17 =	sor.u32 s15, s17  }
0x1e0: {  	s15 =	sadd.s32 s13, s22;
	s16 =	sand.u32 $0x380, s16;
	s24 =	sadd.s32 $0x1900, s17  }
0x1e1: {  	[hbm4b:s15+s3] =	stream.linear.scatter [tilespmem:s24], [sflag:$0x3], $0x80, $0x38;
	[tilespmem:$0x8900] =	vst v63  }
0x1e2: {  	s25 =	sadd.s32 $0x1D00, s17;
	s26 =	sadd.s32 $0x80, s15;
	s28 =	sadd.s32 $0x2100, s17  }
0x1e3: {  	[hbm4b:s26+s3] =	stream.linear.scatter [tilespmem:s25], [sflag:$0x3], $0x80, $0x38;
	[tilespmem:$0x8900] =	vst v63  }
0x1e4: {  	s29 =	sadd.s32 $0x100, s15;
	s30 =	sadd.s32 $0x2500, s17;
	s17 =	sand.u32 $0xFFFFF000, s19  }
0x1e5: {  	[hbm4b:s29+s3] =	stream.linear.scatter [tilespmem:s28], [sflag:$0x3], $0x80, $0x38;
	[tilespmem:$0x8900] =	vst v63  }
0x1e6: {  	s31 =	sadd.s32 $0x180, s15;
	s16 =	sor.u32 s16, s17  }
0x1e7: {  	[hbm4b:s31+s3] =	stream.linear.scatter [tilespmem:s30], [sflag:$0x3], $0x80, $0x38;
	[tilespmem:$0x8900] =	vst v63  }
0x1e8: {  	s20 =	sadd.s32 $0x10, s15;
	s21 =	sadd.s32 $0x1900, s16  }
0x1e9: {  	[hbm4b:s20+s3] =	stream.linear.scatter [tilespmem:s21], [sflag:$0x3], $0x80, $0x38;
	[tilespmem:$0x8900] =	vst v63  }
0x1ea: {  	(v2sf) =	vpush v62, $0x3;
	s23 =	sadd.s32 $0x90, s15;
	s22 =	sadd.s32 $0x1D00, s16  }
0x1eb: {  	[hbm4b:s23+s3] =	stream.linear.scatter [tilespmem:s22], [sflag:$0x3], $0x80, $0x38;
	[tilespmem:$0x8900] =	vst v63  }
0x1ec: {  	s24 =	sadd.s32 $0x2100, s16;
	s25 =	sadd.s32 $0x110, s15  }
0x1ed: {  	[hbm4b:s25+s3] =	stream.linear.scatter [tilespmem:s24], [sflag:$0x3], $0x80, $0x38;
	[tilespmem:$0x8900] =	vst v63  }
0x1ee: {  	s16 =	sadd.s32 $0x2500, s16;
	s26 =	sadd.s32 $0x190, s15;
	s28 =	spop (v2sf)  }
0x1ef: {  	[hbm4b:s26+s3] =	stream.linear.scatter [tilespmem:s16], [sflag:$0x3], $0x80, $0x38;
	[tilespmem:$0x8900] =	vst v63  }
0x1f0: {  	s29 =	sshll.u32 s28, $0x9;
	s16 =	sshll.u32 s28, $0x7  }
0x1f1: {  	s17 =	sand.u32 $0xFFFFF000, s29;
	s16 =	sand.u32 $0x380, s16  }
0x1f2: {  	s16 =	sor.u32 s16, s17  }
0x1f3: {  	s30 =	sadd.s32 $0x20, s15;
	s31 =	sadd.s32 $0x1900, s16  }
0x1f4: {  	[hbm4b:s30+s3] =	stream.linear.scatter [tilespmem:s31], [sflag:$0x3], $0x80, $0x38;
	[tilespmem:$0x8900] =	vst v63  }
0x1f5: {  	s19 =	sadd.s32 $0xA0, s15;
	(v2sf) =	vpush v62, $0x4;
	s18 =	sadd.s32 $0x1D00, s16  }
0x1f6: {  	[hbm4b:s19+s3] =	stream.linear.scatter [tilespmem:s18], [sflag:$0x3], $0x80, $0x38;
	[tilespmem:$0x8900] =	vst v63  }
0x1f7: {  	s21 =	sadd.s32 $0x120, s15;
	s20 =	sadd.s32 $0x2100, s16  }
0x1f8: {  	[hbm4b:s21+s3] =	stream.linear.scatter [tilespmem:s20], [sflag:$0x3], $0x80, $0x38;
	[tilespmem:$0x8900] =	vst v63  }
0x1f9: {  	s22 =	sadd.s32 $0x1A0, s15;
	s23 =	spop (v2sf);
	s16 =	sadd.s32 $0x2500, s16  }
0x1fa: {  	[hbm4b:s22+s3] =	stream.linear.scatter [tilespmem:s16], [sflag:$0x3], $0x80, $0x38;
	[tilespmem:$0x8900] =	vst v63  }
0x1fb: {  	s24 =	sshll.u32 s23, $0x9;
	s16 =	sshll.u32 s23, $0x7  }
0x1fc: {  	s17 =	sand.u32 $0xFFFFF000, s24;
	s16 =	sand.u32 $0x380, s16  }
0x1fd: {  	s16 =	sor.u32 s16, s17  }
0x1fe: {  	s25 =	sadd.s32 $0x30, s15;
	s26 =	sadd.s32 $0x1900, s16  }
0x1ff: {  	[hbm4b:s25+s3] =	stream.linear.scatter [tilespmem:s26], [sflag:$0x3], $0x80, $0x38;
	[tilespmem:$0x8900] =	vst v63  }
0x200: {  	(v2sf) =	vpush v62, $0x5;
	s29 =	sadd.s32 $0xB0, s15;
	s28 =	sadd.s32 $0x1D00, s16  }
0x201: {  	[hbm4b:s29+s3] =	stream.linear.scatter [tilespmem:s28], [sflag:$0x3], $0x80, $0x38;
	[tilespmem:$0x8900] =	vst v63  }
0x202: {  	s31 =	sadd.s32 $0x130, s15;
	s30 =	sadd.s32 $0x2100, s16  }
0x203: {  	[hbm4b:s31+s3] =	stream.linear.scatter [tilespmem:s30], [sflag:$0x3], $0x80, $0x38;
	[tilespmem:$0x8900] =	vst v63  }
0x204: {  	s19 =	sadd.s32 $0x1B0, s15;
	s20 =	spop (v2sf);
	s16 =	sadd.s32 $0x2500, s16  }
0x205: {  	[hbm4b:s19+s3] =	stream.linear.scatter [tilespmem:s16], [sflag:$0x3], $0x80, $0x38;
	[tilespmem:$0x8900] =	vst v63  }
0x206: {  	s21 =	sshll.u32 s20, $0x9;
	s16 =	sshll.u32 s20, $0x7  }
0x207: {  	s17 =	sand.u32 $0xFFFFF000, s21;
	s16 =	sand.u32 $0x380, s16  }
0x208: {  	s16 =	sor.u32 s16, s17  }
0x209: {  	s22 =	sadd.s32 $0x40, s15;
	s23 =	sadd.s32 $0x1900, s16  }
0x20a: {  	[hbm4b:s22+s3] =	stream.linear.scatter [tilespmem:s23], [sflag:$0x3], $0x80, $0x38;
	[tilespmem:$0x8900] =	vst v63  }
0x20b: {  	(v2sf) =	vpush v62, $0x6;
	s25 =	sadd.s32 $0xC0, s15;
	s24 =	sadd.s32 $0x1D00, s16  }
0x20c: {  	[hbm4b:s25+s3] =	stream.linear.scatter [tilespmem:s24], [sflag:$0x3], $0x80, $0x38;
	[tilespmem:$0x8900] =	vst v63  }
0x20d: {  	s28 =	sadd.s32 $0x140, s15;
	s26 =	sadd.s32 $0x2100, s16  }
0x20e: {  	[hbm4b:s28+s3] =	stream.linear.scatter [tilespmem:s26], [sflag:$0x3], $0x80, $0x38;
	[tilespmem:$0x8900] =	vst v63  }
0x20f: {  	s29 =	sadd.s32 $0x1C0, s15;
	s30 =	spop (v2sf);
	s16 =	sadd.s32 $0x2500, s16  }
0x210: {  	[hbm4b:s29+s3] =	stream.linear.scatter [tilespmem:s16], [sflag:$0x3], $0x80, $0x38;
	[tilespmem:$0x8900] =	vst v63  }
0x211: {  	s31 =	sshll.u32 s30, $0x9;
	s16 =	sshll.u32 s30, $0x7  }
0x212: {  	s17 =	sand.u32 $0xFFFFF000, s31;
	s16 =	sand.u32 $0x380, s16  }
0x213: {  	s16 =	sor.u32 s16, s17  }
0x214: {  	s18 =	sadd.s32 $0x50, s15;
	s19 =	sadd.s32 $0x1900, s16  }
0x215: {  	[hbm4b:s18+s3] =	stream.linear.scatter [tilespmem:s19], [sflag:$0x3], $0x80, $0x38;
	[tilespmem:$0x8900] =	vst v63  }
0x216: {  	s21 =	sadd.s32 $0xD0, s15;
	(v2sf) =	vpush v62, $0x7;
	s20 =	sadd.s32 $0x1D00, s16  }
0x217: {  	[hbm4b:s21+s3] =	stream.linear.scatter [tilespmem:s20], [sflag:$0x3], $0x80, $0x38;
	[tilespmem:$0x8900] =	vst v63  }
0x218: {  	s23 =	sadd.s32 $0x150, s15;
	s22 =	sadd.s32 $0x2100, s16  }
0x219: {  	[hbm4b:s23+s3] =	stream.linear.scatter [tilespmem:s22], [sflag:$0x3], $0x80, $0x38;
	[tilespmem:$0x8900] =	vst v63  }
0x21a: {  	s24 =	sadd.s32 $0x1D0, s15;
	s25 =	spop (v2sf);
	s16 =	sadd.s32 $0x2500, s16  }
0x21b: {  	[hbm4b:s24+s3] =	stream.linear.scatter [tilespmem:s16], [sflag:$0x3], $0x80, $0x38;
	[tilespmem:$0x8900] =	vst v63  }
0x21c: {  	s26 =	sshll.u32 s25, $0x9;
	s16 =	sshll.u32 s25, $0x7  }
0x21d: {  	s17 =	sand.u32 $0xFFFFF000, s26;
	s16 =	sand.u32 $0x380, s16  }
0x21e: {  	s16 =	sor.u32 s16, s17  }
0x21f: {  	s28 =	sadd.s32 $0x60, s15;
	s29 =	sadd.s32 $0x1900, s16  }
0x220: {  	[hbm4b:s28+s3] =	stream.linear.scatter [tilespmem:s29], [sflag:$0x3], $0x80, $0x38;
	[tilespmem:$0x8900] =	vst v63  }
0x221: {  	s31 =	sadd.s32 $0xE0, s15;
	(v2sf) =	vpush v62, $0x8;
	s30 =	sadd.s32 $0x1D00, s16  }
0x222: {  	[hbm4b:s31+s3] =	stream.linear.scatter [tilespmem:s30], [sflag:$0x3], $0x80, $0x38;
	[tilespmem:$0x8900] =	vst v63  }
0x223: {  	s20 =	sadd.s32 $0x160, s15;
	s19 =	sadd.s32 $0x2100, s16  }
0x224: {  	[hbm4b:s20+s3] =	stream.linear.scatter [tilespmem:s19], [sflag:$0x3], $0x80, $0x38;
	[tilespmem:$0x8900] =	vst v63  }
0x225: {  	s21 =	sadd.s32 $0x1E0, s15;
	s22 =	spop (v2sf);
	s16 =	sadd.s32 $0x2500, s16  }
0x226: {  	[hbm4b:s21+s3] =	stream.linear.scatter [tilespmem:s16], [sflag:$0x3], $0x80, $0x38;
	[tilespmem:$0x8900] =	vst v63  }
0x227: {  	s23 =	sshll.u32 s22, $0x9;
	s16 =	sshll.u32 s22, $0x7  }
0x228: {  	s17 =	sand.u32 $0xFFFFF000, s23;
	s16 =	sand.u32 $0x380, s16  }
0x229: {  	s16 =	sor.u32 s16, s17  }
0x22a: {  	s24 =	sadd.s32 $0x70, s15;
	s25 =	sadd.s32 $0x1900, s16  }
0x22b: {  	[hbm4b:s24+s3] =	stream.linear.scatter [tilespmem:s25], [sflag:$0x3], $0x80, $0x38;
	[tilespmem:$0x8900] =	vst v63  }
0x22c: {  	(v2sf) =	vpush v62, $0x9;
	s28 =	sadd.s32 $0xF0, s15;
	s26 =	sadd.s32 $0x1D00, s16  }
0x22d: {  	[hbm4b:s28+s3] =	stream.linear.scatter [tilespmem:s26], [sflag:$0x3], $0x80, $0x38;
	[tilespmem:$0x8900] =	vst v63  }
0x22e: {  	s30 =	sadd.s32 $0x170, s15;
	s29 =	sadd.s32 $0x2100, s16  }
0x22f: {  	[hbm4b:s30+s3] =	stream.linear.scatter [tilespmem:s29], [sflag:$0x3], $0x80, $0x38;
	[tilespmem:$0x8900] =	vst v63  }
0x230: {  	s18 =	spop (v2sf);
	s31 =	sadd.s32 $0x1F0, s15;
	s16 =	sadd.s32 $0x2500, s16  }
0x231: {  	[hbm4b:s31+s3] =	stream.linear.scatter [tilespmem:s16], [sflag:$0x3], $0x80, $0x38;
	[tilespmem:$0x8900] =	vst v63  }
0x232: {  	s19 =	sshll.u32 s18, $0x9;
	s16 =	sshll.u32 s18, $0x7  }
0x233: {  	s17 =	sand.u32 $0xFFFFF000, s19;
	s16 =	sand.u32 $0x380, s16  }
0x234: {  	s16 =	sor.u32 s16, s17  }
0x235: {  	s20 =	sadd.s32 $0x200, s15;
	s21 =	sadd.s32 $0x1900, s16  }
0x236: {  	[hbm4b:s20+s3] =	stream.linear.scatter [tilespmem:s21], [sflag:$0x3], $0x80, $0x38;
	[tilespmem:$0x8900] =	vst v63  }
0x237: {  	(v2sf) =	vpush v62, $0xA;
	s23 =	sadd.s32 $0x280, s15;
	s22 =	sadd.s32 $0x1D00, s16  }
0x238: {  	[hbm4b:s23+s3] =	stream.linear.scatter [tilespmem:s22], [sflag:$0x3], $0x80, $0x38;
	[tilespmem:$0x8900] =	vst v63  }
0x239: {  	s25 =	sadd.s32 $0x300, s15;
	s24 =	sadd.s32 $0x2100, s16  }
0x23a: {  	[hbm4b:s25+s3] =	stream.linear.scatter [tilespmem:s24], [sflag:$0x3], $0x80, $0x38;
	[tilespmem:$0x8900] =	vst v63  }
0x23b: {  	s26 =	sadd.s32 $0x380, s15;
	s28 =	spop (v2sf);
	s16 =	sadd.s32 $0x2500, s16  }
0x23c: {  	[hbm4b:s26+s3] =	stream.linear.scatter [tilespmem:s16], [sflag:$0x3], $0x80, $0x38;
	[tilespmem:$0x8900] =	vst v63  }
0x23d: {  	s29 =	sshll.u32 s28, $0x9;
	s16 =	sshll.u32 s28, $0x7  }
0x23e: {  	s17 =	sand.u32 $0xFFFFF000, s29;
	s16 =	sand.u32 $0x380, s16  }
0x23f: {  	s16 =	sor.u32 s16, s17  }
0x240: {  	s30 =	sadd.s32 $0x210, s15;
	s31 =	sadd.s32 $0x1900, s16  }
0x241: {  	[hbm4b:s30+s3] =	stream.linear.scatter [tilespmem:s31], [sflag:$0x3], $0x80, $0x38;
	[tilespmem:$0x8900] =	vst v63  }
0x242: {  	s19 =	sadd.s32 $0x290, s15;
	(v2sf) =	vpush v62, $0xB;
	s18 =	sadd.s32 $0x1D00, s16  }
0x243: {  	[hbm4b:s19+s3] =	stream.linear.scatter [tilespmem:s18], [sflag:$0x3], $0x80, $0x38;
	[tilespmem:$0x8900] =	vst v63  }
0x244: {  	s21 =	sadd.s32 $0x310, s15;
	s20 =	sadd.s32 $0x2100, s16  }
0x245: {  	[hbm4b:s21+s3] =	stream.linear.scatter [tilespmem:s20], [sflag:$0x3], $0x80, $0x38;
	[tilespmem:$0x8900] =	vst v63  }
0x246: {  	s22 =	sadd.s32 $0x390, s15;
	s23 =	spop (v2sf);
	s16 =	sadd.s32 $0x2500, s16  }
0x247: {  	[hbm4b:s22+s3] =	stream.linear.scatter [tilespmem:s16], [sflag:$0x3], $0x80, $0x38;
	[tilespmem:$0x8900] =	vst v63  }
0x248: {  	s24 =	sshll.u32 s23, $0x9;
	s16 =	sshll.u32 s23, $0x7  }
0x249: {  	s17 =	sand.u32 $0xFFFFF000, s24;
	s16 =	sand.u32 $0x380, s16  }
0x24a: {  	s16 =	sor.u32 s16, s17  }
0x24b: {  	s25 =	sadd.s32 $0x220, s15;
	s26 =	sadd.s32 $0x1900, s16  }
0x24c: {  	[hbm4b:s25+s3] =	stream.linear.scatter [tilespmem:s26], [sflag:$0x3], $0x80, $0x38;
	[tilespmem:$0x8900] =	vst v63  }
0x24d: {  	s29 =	sadd.s32 $0x2A0, s15;
	(v2sf) =	vpush v62, $0xC;
	s28 =	sadd.s32 $0x1D00, s16  }
0x24e: {  	[hbm4b:s29+s3] =	stream.linear.scatter [tilespmem:s28], [sflag:$0x3], $0x80, $0x38;
	[tilespmem:$0x8900] =	vst v63  }
0x24f: {  	s31 =	sadd.s32 $0x320, s15;
	s30 =	sadd.s32 $0x2100, s16  }
0x250: {  	[hbm4b:s31+s3] =	stream.linear.scatter [tilespmem:s30], [sflag:$0x3], $0x80, $0x38;
	[tilespmem:$0x8900] =	vst v63  }
0x251: {  	s19 =	sadd.s32 $0x3A0, s15;
	s20 =	spop (v2sf);
	s16 =	sadd.s32 $0x2500, s16  }
0x252: {  	[hbm4b:s19+s3] =	stream.linear.scatter [tilespmem:s16], [sflag:$0x3], $0x80, $0x38;
	[tilespmem:$0x8900] =	vst v63  }
0x253: {  	s21 =	sshll.u32 s20, $0x9;
	s16 =	sshll.u32 s20, $0x7  }
0x254: {  	s17 =	sand.u32 $0xFFFFF000, s21;
	s16 =	sand.u32 $0x380, s16  }
0x255: {  	s16 =	sor.u32 s16, s17  }
0x256: {  	s22 =	sadd.s32 $0x230, s15;
	s23 =	sadd.s32 $0x1900, s16  }
0x257: {  	[hbm4b:s22+s3] =	stream.linear.scatter [tilespmem:s23], [sflag:$0x3], $0x80, $0x38;
	[tilespmem:$0x8900] =	vst v63  }
0x258: {  	(v2sf) =	vpush v62, $0xD;
	s25 =	sadd.s32 $0x2B0, s15;
	s24 =	sadd.s32 $0x1D00, s16  }
0x259: {  	[hbm4b:s25+s3] =	stream.linear.scatter [tilespmem:s24], [sflag:$0x3], $0x80, $0x38;
	[tilespmem:$0x8900] =	vst v63  }
0x25a: {  	s28 =	sadd.s32 $0x330, s15;
	s26 =	sadd.s32 $0x2100, s16  }
0x25b: {  	[hbm4b:s28+s3] =	stream.linear.scatter [tilespmem:s26], [sflag:$0x3], $0x80, $0x38;
	[tilespmem:$0x8900] =	vst v63  }
0x25c: {  	s29 =	sadd.s32 $0x3B0, s15;
	s30 =	spop (v2sf);
	s16 =	sadd.s32 $0x2500, s16  }
0x25d: {  	[hbm4b:s29+s3] =	stream.linear.scatter [tilespmem:s16], [sflag:$0x3], $0x80, $0x38;
	[tilespmem:$0x8900] =	vst v63  }
0x25e: {  	s31 =	sshll.u32 s30, $0x9;
	s16 =	sshll.u32 s30, $0x7  }
0x25f: {  	s17 =	sand.u32 $0xFFFFF000, s31;
	s16 =	sand.u32 $0x380, s16  }
0x260: {  	s16 =	sor.u32 s16, s17  }
0x261: {  	s18 =	sadd.s32 $0x240, s15;
	s19 =	sadd.s32 $0x1900, s16  }
0x262: {  	[hbm4b:s18+s3] =	stream.linear.scatter [tilespmem:s19], [sflag:$0x3], $0x80, $0x38;
	[tilespmem:$0x8900] =	vst v63  }
0x263: {  	s21 =	sadd.s32 $0x2C0, s15;
	(v2sf) =	vpush v62, $0xE;
	s20 =	sadd.s32 $0x1D00, s16  }
0x264: {  	[hbm4b:s21+s3] =	stream.linear.scatter [tilespmem:s20], [sflag:$0x3], $0x80, $0x38;
	[tilespmem:$0x8900] =	vst v63  }
0x265: {  	s23 =	sadd.s32 $0x340, s15;
	s22 =	sadd.s32 $0x2100, s16  }
0x266: {  	[hbm4b:s23+s3] =	stream.linear.scatter [tilespmem:s22], [sflag:$0x3], $0x80, $0x38;
	[tilespmem:$0x8900] =	vst v63  }
0x267: {  	s24 =	sadd.s32 $0x3C0, s15;
	s25 =	spop (v2sf);
	s16 =	sadd.s32 $0x2500, s16  }
0x268: {  	[hbm4b:s24+s3] =	stream.linear.scatter [tilespmem:s16], [sflag:$0x3], $0x80, $0x38;
	[tilespmem:$0x8900] =	vst v63  }
0x269: {  	s26 =	sshll.u32 s25, $0x9;
	s16 =	sshll.u32 s25, $0x7  }
0x26a: {  	s17 =	sand.u32 $0xFFFFF000, s26;
	s16 =	sand.u32 $0x380, s16  }
0x26b: {  	s16 =	sor.u32 s16, s17  }
0x26c: {  	s28 =	sadd.s32 $0x250, s15;
	s29 =	sadd.s32 $0x1900, s16  }
0x26d: {  	[hbm4b:s28+s3] =	stream.linear.scatter [tilespmem:s29], [sflag:$0x3], $0x80, $0x38;
	[tilespmem:$0x8900] =	vst v63  }
0x26e: {  	s31 =	sadd.s32 $0x2D0, s15;
	(v2sf) =	vpush v62, $0xF;
	s30 =	sadd.s32 $0x1D00, s16  }
0x26f: {  	[hbm4b:s31+s3] =	stream.linear.scatter [tilespmem:s30], [sflag:$0x3], $0x80, $0x38;
	[tilespmem:$0x8900] =	vst v63  }
0x270: {  	s20 =	sadd.s32 $0x350, s15;
	s19 =	sadd.s32 $0x2100, s16  }
0x271: {  	[hbm4b:s20+s3] =	stream.linear.scatter [tilespmem:s19], [sflag:$0x3], $0x80, $0x38;
	[tilespmem:$0x8900] =	vst v63  }
0x272: {  	s21 =	sadd.s32 $0x3D0, s15;
	s22 =	spop (v2sf);
	s16 =	sadd.s32 $0x2500, s16  }
0x273: {  	[hbm4b:s21+s3] =	stream.linear.scatter [tilespmem:s16], [sflag:$0x3], $0x80, $0x38;
	[tilespmem:$0x8900] =	vst v63  }
0x274: {  	s23 =	sshll.u32 s22, $0x9;
	s16 =	sshll.u32 s22, $0x7  }
0x275: {  	s17 =	sand.u32 $0xFFFFF000, s23;
	s16 =	sand.u32 $0x380, s16  }
0x276: {  	s16 =	sor.u32 s16, s17  }
0x277: {  	s24 =	sadd.s32 $0x260, s15;
	s25 =	sadd.s32 $0x1900, s16  }
0x278: {  	[hbm4b:s24+s3] =	stream.linear.scatter [tilespmem:s25], [sflag:$0x3], $0x80, $0x38;
	[tilespmem:$0x8900] =	vst v63  }
0x279: {  	s28 =	sadd.s32 $0x2E0, s15;
	s26 =	sadd.s32 $0x1D00, s16  }
0x27a: {  	[hbm4b:s28+s3] =	stream.linear.scatter [tilespmem:s26], [sflag:$0x3], $0x80, $0x38;
	[tilespmem:$0x8900] =	vst v63  }
0x27b: {  	s30 =	sadd.s32 $0x360, s15;
	s29 =	sadd.s32 $0x2100, s16  }
0x27c: {  	[hbm4b:s30+s3] =	stream.linear.scatter [tilespmem:s29], [sflag:$0x3], $0x80, $0x38;
	[tilespmem:$0x8900] =	vst v63  }
0x27d: {  	s31 =	sadd.s32 $0x3E0, s15;
	s17 =	spop (v2sf);
	s16 =	sadd.s32 $0x2500, s16  }
0x27e: {  	[hbm4b:s31+s3] =	stream.linear.scatter [tilespmem:s16], [sflag:$0x3], $0x80, $0x38;
	[tilespmem:$0x8900] =	vst v63  }
0x27f: {  	s18 =	sshll.u32 s17, $0x9;
	s16 =	sshll.u32 s17, $0x7  }
0x280: {  	s17 =	sand.u32 $0xFFFFF000, s18;
	s16 =	sand.u32 $0x380, s16  }
0x281: {  	s16 =	sor.u32 s16, s17  }
0x282: {  	s19 =	sadd.s32 $0x270, s15;
	s20 =	sadd.s32 $0x1900, s16  }
0x283: {  	[hbm4b:s19+s3] =	stream.linear.scatter [tilespmem:s20], [sflag:$0x3], $0x80, $0x38;
	[tilespmem:$0x8900] =	vst v63  }
0x284: {  	s22 =	sadd.s32 $0x2F0, s15;
	s21 =	sadd.s32 $0x1D00, s16  }
0x285: {  	[hbm4b:s22+s3] =	stream.linear.scatter [tilespmem:s21], [sflag:$0x3], $0x80, $0x38;
	[tilespmem:$0x8900] =	vst v63  }
0x286: {  	s24 =	sadd.s32 $0x370, s15;
	s23 =	sadd.s32 $0x2100, s16  }
0x287: {  	[hbm4b:s24+s3] =	stream.linear.scatter [tilespmem:s23], [sflag:$0x3], $0x80, $0x38;
	[tilespmem:$0x8900] =	vst v63  }
0x288: {  	s15 =	sadd.s32 $0x3F0, s15;
	s16 =	sadd.s32 $0x2500, s16  }
0x289: {  	[hbm4b:s15+s3] =	stream.linear.scatter [tilespmem:s16], [sflag:$0x3], $0x80, $0x38;
	[tilespmem:$0x8900] =	vst v63  }
0x28a: {  	s15 =	simm.s32 @!p0 $0x4  }
0x28b: {  	_ =	swait.ge @!p0 [sflag:s15], $0x2000  }
0x28c: {  	[sflag:s15] =	ssyncset.done @!p0 $0x0  }
0x28d: {  	[sflag:s15] =	ssyncadd.s32 @!p0 $0xFFFFE000  }
0x28e: {  	v63 =	vld [tilespmem:s14+$0x10];
	_ =	sdelay $0x4  }
0x28f: {  	(v2sf) =	vpush v63, $0x0;
	_ =	sdelay $0x1  }
0x290: {  	(v2sf) =	vpush v63, $0x1;
	_ =	sdelay $0xc  }
0x291: {  	s25 =	spop (v2sf)  }
0x292: {  	s26 =	rddreg [dreg:$0x7];
	s28 =	sshll.u32 s25, $0x9;
	s15 =	sshll.u32 s25, $0x7  }
0x293: {  	s23 =	spop (v2sf);
	s17 =	sand.u32 $0xFFFFF000, s28;
	s15 =	sand.u32 $0x380, s15  }
0x294: {  	(v2sf) =	vpush v63, $0x2;
	s24 =	sshll.u32 s23, $0x9;
	s16 =	sshll.u32 s23, $0x7;
	s17 =	sor.u32 s15, s17  }
0x295: {  	s15 =	sadd.s32 s13, s26;
	s16 =	sand.u32 $0x380, s16;
	s29 =	sadd.s32 $0x1900, s17  }
0x296: {  	[hbm4b:s15+s3] =	stream.linear.scatter [tilespmem:s29], [sflag:$0x4], $0x80, $0x38;
	[tilespmem:$0x8900] =	vst v63  }
0x297: {  	s30 =	sadd.s32 $0x1D00, s17;
	s31 =	sadd.s32 $0x80, s15;
	s19 =	sadd.s32 $0x2100, s17  }
0x298: {  	[hbm4b:s31+s3] =	stream.linear.scatter [tilespmem:s30], [sflag:$0x4], $0x80, $0x38;
	[tilespmem:$0x8900] =	vst v63  }
0x299: {  	s20 =	sadd.s32 $0x100, s15;
	s21 =	sadd.s32 $0x2500, s17;
	s17 =	sand.u32 $0xFFFFF000, s24  }
0x29a: {  	[hbm4b:s20+s3] =	stream.linear.scatter [tilespmem:s19], [sflag:$0x4], $0x80, $0x38;
	[tilespmem:$0x8900] =	vst v63  }
0x29b: {  	s22 =	sadd.s32 $0x180, s15;
	s16 =	sor.u32 s16, s17  }
0x29c: {  	[hbm4b:s22+s3] =	stream.linear.scatter [tilespmem:s21], [sflag:$0x4], $0x80, $0x38;
	[tilespmem:$0x8900] =	vst v63  }
0x29d: {  	s25 =	sadd.s32 $0x10, s15;
	s26 =	sadd.s32 $0x1900, s16  }
0x29e: {  	[hbm4b:s25+s3] =	stream.linear.scatter [tilespmem:s26], [sflag:$0x4], $0x80, $0x38;
	[tilespmem:$0x8900] =	vst v63  }
0x29f: {  	(v2sf) =	vpush v63, $0x3;
	s29 =	sadd.s32 $0x90, s15;
	s28 =	sadd.s32 $0x1D00, s16  }
0x2a0: {  	[hbm4b:s29+s3] =	stream.linear.scatter [tilespmem:s28], [sflag:$0x4], $0x80, $0x38;
	[tilespmem:$0x8900] =	vst v63  }
0x2a1: {  	s30 =	sadd.s32 $0x2100, s16;
	s31 =	sadd.s32 $0x110, s15  }
0x2a2: {  	[hbm4b:s31+s3] =	stream.linear.scatter [tilespmem:s30], [sflag:$0x4], $0x80, $0x38;
	[tilespmem:$0x8900] =	vst v63  }
0x2a3: {  	s16 =	sadd.s32 $0x2500, s16;
	s19 =	sadd.s32 $0x190, s15;
	s20 =	spop (v2sf)  }
0x2a4: {  	[hbm4b:s19+s3] =	stream.linear.scatter [tilespmem:s16], [sflag:$0x4], $0x80, $0x38;
	[tilespmem:$0x8900] =	vst v63  }
0x2a5: {  	s21 =	sshll.u32 s20, $0x9;
	s16 =	sshll.u32 s20, $0x7  }
0x2a6: {  	s17 =	sand.u32 $0xFFFFF000, s21;
	s16 =	sand.u32 $0x380, s16  }
0x2a7: {  	s16 =	sor.u32 s16, s17  }
0x2a8: {  	s22 =	sadd.s32 $0x20, s15;
	s23 =	sadd.s32 $0x1900, s16  }
0x2a9: {  	[hbm4b:s22+s3] =	stream.linear.scatter [tilespmem:s23], [sflag:$0x4], $0x80, $0x38;
	[tilespmem:$0x8900] =	vst v63  }
0x2aa: {  	s25 =	sadd.s32 $0xA0, s15;
	(v2sf) =	vpush v63, $0x4;
	s24 =	sadd.s32 $0x1D00, s16  }
0x2ab: {  	[hbm4b:s25+s3] =	stream.linear.scatter [tilespmem:s24], [sflag:$0x4], $0x80, $0x38;
	[tilespmem:$0x8900] =	vst v63  }
0x2ac: {  	s28 =	sadd.s32 $0x120, s15;
	s26 =	sadd.s32 $0x2100, s16  }
0x2ad: {  	[hbm4b:s28+s3] =	stream.linear.scatter [tilespmem:s26], [sflag:$0x4], $0x80, $0x38;
	[tilespmem:$0x8900] =	vst v63  }
0x2ae: {  	s29 =	sadd.s32 $0x1A0, s15;
	s30 =	spop (v2sf);
	s16 =	sadd.s32 $0x2500, s16  }
0x2af: {  	[hbm4b:s29+s3] =	stream.linear.scatter [tilespmem:s16], [sflag:$0x4], $0x80, $0x38;
	[tilespmem:$0x8900] =	vst v63  }
0x2b0: {  	s31 =	sshll.u32 s30, $0x9;
	s16 =	sshll.u32 s30, $0x7  }
0x2b1: {  	s17 =	sand.u32 $0xFFFFF000, s31;
	s16 =	sand.u32 $0x380, s16  }
0x2b2: {  	s16 =	sor.u32 s16, s17  }
0x2b3: {  	s18 =	sadd.s32 $0x30, s15;
	s19 =	sadd.s32 $0x1900, s16  }
0x2b4: {  	[hbm4b:s18+s3] =	stream.linear.scatter [tilespmem:s19], [sflag:$0x4], $0x80, $0x38;
	[tilespmem:$0x8900] =	vst v63  }
0x2b5: {  	s21 =	sadd.s32 $0xB0, s15;
	(v2sf) =	vpush v63, $0x5;
	s20 =	sadd.s32 $0x1D00, s16  }
0x2b6: {  	[hbm4b:s21+s3] =	stream.linear.scatter [tilespmem:s20], [sflag:$0x4], $0x80, $0x38;
	[tilespmem:$0x8900] =	vst v63  }
0x2b7: {  	s23 =	sadd.s32 $0x130, s15;
	s22 =	sadd.s32 $0x2100, s16  }
0x2b8: {  	[hbm4b:s23+s3] =	stream.linear.scatter [tilespmem:s22], [sflag:$0x4], $0x80, $0x38;
	[tilespmem:$0x8900] =	vst v63  }
0x2b9: {  	s24 =	sadd.s32 $0x1B0, s15;
	s25 =	spop (v2sf);
	s16 =	sadd.s32 $0x2500, s16  }
0x2ba: {  	[hbm4b:s24+s3] =	stream.linear.scatter [tilespmem:s16], [sflag:$0x4], $0x80, $0x38;
	[tilespmem:$0x8900] =	vst v63  }
0x2bb: {  	s26 =	sshll.u32 s25, $0x9;
	s16 =	sshll.u32 s25, $0x7  }
0x2bc: {  	s17 =	sand.u32 $0xFFFFF000, s26;
	s16 =	sand.u32 $0x380, s16  }
0x2bd: {  	s16 =	sor.u32 s16, s17  }
0x2be: {  	s28 =	sadd.s32 $0x40, s15;
	s29 =	sadd.s32 $0x1900, s16  }
0x2bf: {  	[hbm4b:s28+s3] =	stream.linear.scatter [tilespmem:s29], [sflag:$0x4], $0x80, $0x38;
	[tilespmem:$0x8900] =	vst v63  }
0x2c0: {  	s31 =	sadd.s32 $0xC0, s15;
	(v2sf) =	vpush v63, $0x6;
	s30 =	sadd.s32 $0x1D00, s16  }
0x2c1: {  	[hbm4b:s31+s3] =	stream.linear.scatter [tilespmem:s30], [sflag:$0x4], $0x80, $0x38;
	[tilespmem:$0x8900] =	vst v63  }
0x2c2: {  	s20 =	sadd.s32 $0x140, s15;
	s19 =	sadd.s32 $0x2100, s16  }
0x2c3: {  	[hbm4b:s20+s3] =	stream.linear.scatter [tilespmem:s19], [sflag:$0x4], $0x80, $0x38;
	[tilespmem:$0x8900] =	vst v63  }
0x2c4: {  	s21 =	sadd.s32 $0x1C0, s15;
	s22 =	spop (v2sf);
	s16 =	sadd.s32 $0x2500, s16  }
0x2c5: {  	[hbm4b:s21+s3] =	stream.linear.scatter [tilespmem:s16], [sflag:$0x4], $0x80, $0x38;
	[tilespmem:$0x8900] =	vst v63  }
0x2c6: {  	s23 =	sshll.u32 s22, $0x9;
	s16 =	sshll.u32 s22, $0x7  }
0x2c7: {  	s17 =	sand.u32 $0xFFFFF000, s23;
	s16 =	sand.u32 $0x380, s16  }
0x2c8: {  	s16 =	sor.u32 s16, s17  }
0x2c9: {  	s24 =	sadd.s32 $0x50, s15;
	s25 =	sadd.s32 $0x1900, s16  }
0x2ca: {  	[hbm4b:s24+s3] =	stream.linear.scatter [tilespmem:s25], [sflag:$0x4], $0x80, $0x38;
	[tilespmem:$0x8900] =	vst v63  }
0x2cb: {  	(v2sf) =	vpush v63, $0x7;
	s28 =	sadd.s32 $0xD0, s15;
	s26 =	sadd.s32 $0x1D00, s16  }
0x2cc: {  	[hbm4b:s28+s3] =	stream.linear.scatter [tilespmem:s26], [sflag:$0x4], $0x80, $0x38;
	[tilespmem:$0x8900] =	vst v63  }
0x2cd: {  	s30 =	sadd.s32 $0x150, s15;
	s29 =	sadd.s32 $0x2100, s16  }
0x2ce: {  	[hbm4b:s30+s3] =	stream.linear.scatter [tilespmem:s29], [sflag:$0x4], $0x80, $0x38;
	[tilespmem:$0x8900] =	vst v63  }
0x2cf: {  	s31 =	sadd.s32 $0x1D0, s15;
	s18 =	spop (v2sf);
	s16 =	sadd.s32 $0x2500, s16  }
0x2d0: {  	[hbm4b:s31+s3] =	stream.linear.scatter [tilespmem:s16], [sflag:$0x4], $0x80, $0x38;
	[tilespmem:$0x8900] =	vst v63  }
0x2d1: {  	s19 =	sshll.u32 s18, $0x9;
	s16 =	sshll.u32 s18, $0x7  }
0x2d2: {  	s17 =	sand.u32 $0xFFFFF000, s19;
	s16 =	sand.u32 $0x380, s16  }
0x2d3: {  	s16 =	sor.u32 s16, s17  }
0x2d4: {  	s20 =	sadd.s32 $0x60, s15;
	s21 =	sadd.s32 $0x1900, s16  }
0x2d5: {  	[hbm4b:s20+s3] =	stream.linear.scatter [tilespmem:s21], [sflag:$0x4], $0x80, $0x38;
	[tilespmem:$0x8900] =	vst v63  }
0x2d6: {  	s23 =	sadd.s32 $0xE0, s15;
	(v2sf) =	vpush v63, $0x8;
	s22 =	sadd.s32 $0x1D00, s16  }
0x2d7: {  	[hbm4b:s23+s3] =	stream.linear.scatter [tilespmem:s22], [sflag:$0x4], $0x80, $0x38;
	[tilespmem:$0x8900] =	vst v63  }
0x2d8: {  	s25 =	sadd.s32 $0x160, s15;
	s24 =	sadd.s32 $0x2100, s16  }
0x2d9: {  	[hbm4b:s25+s3] =	stream.linear.scatter [tilespmem:s24], [sflag:$0x4], $0x80, $0x38;
	[tilespmem:$0x8900] =	vst v63  }
0x2da: {  	s26 =	sadd.s32 $0x1E0, s15;
	s28 =	spop (v2sf);
	s16 =	sadd.s32 $0x2500, s16  }
0x2db: {  	[hbm4b:s26+s3] =	stream.linear.scatter [tilespmem:s16], [sflag:$0x4], $0x80, $0x38;
	[tilespmem:$0x8900] =	vst v63  }
0x2dc: {  	s29 =	sshll.u32 s28, $0x9;
	s16 =	sshll.u32 s28, $0x7  }
0x2dd: {  	s17 =	sand.u32 $0xFFFFF000, s29;
	s16 =	sand.u32 $0x380, s16  }
0x2de: {  	s16 =	sor.u32 s16, s17  }
0x2df: {  	s30 =	sadd.s32 $0x70, s15;
	s31 =	sadd.s32 $0x1900, s16  }
0x2e0: {  	[hbm4b:s30+s3] =	stream.linear.scatter [tilespmem:s31], [sflag:$0x4], $0x80, $0x38;
	[tilespmem:$0x8900] =	vst v63  }
0x2e1: {  	s19 =	sadd.s32 $0xF0, s15;
	(v2sf) =	vpush v63, $0x9;
	s18 =	sadd.s32 $0x1D00, s16  }
0x2e2: {  	[hbm4b:s19+s3] =	stream.linear.scatter [tilespmem:s18], [sflag:$0x4], $0x80, $0x38;
	[tilespmem:$0x8900] =	vst v63  }
0x2e3: {  	s21 =	sadd.s32 $0x170, s15;
	s20 =	sadd.s32 $0x2100, s16  }
0x2e4: {  	[hbm4b:s21+s3] =	stream.linear.scatter [tilespmem:s20], [sflag:$0x4], $0x80, $0x38;
	[tilespmem:$0x8900] =	vst v63  }
0x2e5: {  	s22 =	sadd.s32 $0x1F0, s15;
	s23 =	spop (v2sf);
	s16 =	sadd.s32 $0x2500, s16  }
0x2e6: {  	[hbm4b:s22+s3] =	stream.linear.scatter [tilespmem:s16], [sflag:$0x4], $0x80, $0x38;
	[tilespmem:$0x8900] =	vst v63  }
0x2e7: {  	s24 =	sshll.u32 s23, $0x9;
	s16 =	sshll.u32 s23, $0x7  }
0x2e8: {  	s17 =	sand.u32 $0xFFFFF000, s24;
	s16 =	sand.u32 $0x380, s16  }
0x2e9: {  	s16 =	sor.u32 s16, s17  }
0x2ea: {  	s25 =	sadd.s32 $0x200, s15;
	s26 =	sadd.s32 $0x1900, s16  }
0x2eb: {  	[hbm4b:s25+s3] =	stream.linear.scatter [tilespmem:s26], [sflag:$0x4], $0x80, $0x38;
	[tilespmem:$0x8900] =	vst v63  }
0x2ec: {  	s29 =	sadd.s32 $0x280, s15;
	(v2sf) =	vpush v63, $0xA;
	s28 =	sadd.s32 $0x1D00, s16  }
0x2ed: {  	[hbm4b:s29+s3] =	stream.linear.scatter [tilespmem:s28], [sflag:$0x4], $0x80, $0x38;
	[tilespmem:$0x8900] =	vst v63  }
0x2ee: {  	s31 =	sadd.s32 $0x300, s15;
	s30 =	sadd.s32 $0x2100, s16  }
0x2ef: {  	[hbm4b:s31+s3] =	stream.linear.scatter [tilespmem:s30], [sflag:$0x4], $0x80, $0x38;
	[tilespmem:$0x8900] =	vst v63  }
0x2f0: {  	s19 =	sadd.s32 $0x380, s15;
	s20 =	spop (v2sf);
	s16 =	sadd.s32 $0x2500, s16  }
0x2f1: {  	[hbm4b:s19+s3] =	stream.linear.scatter [tilespmem:s16], [sflag:$0x4], $0x80, $0x38;
	[tilespmem:$0x8900] =	vst v63  }
0x2f2: {  	s21 =	sshll.u32 s20, $0x9;
	s16 =	sshll.u32 s20, $0x7  }
0x2f3: {  	s17 =	sand.u32 $0xFFFFF000, s21;
	s16 =	sand.u32 $0x380, s16  }
0x2f4: {  	s16 =	sor.u32 s16, s17  }
0x2f5: {  	s22 =	sadd.s32 $0x210, s15;
	s23 =	sadd.s32 $0x1900, s16  }
0x2f6: {  	[hbm4b:s22+s3] =	stream.linear.scatter [tilespmem:s23], [sflag:$0x4], $0x80, $0x38;
	[tilespmem:$0x8900] =	vst v63  }
0x2f7: {  	(v2sf) =	vpush v63, $0xB;
	s25 =	sadd.s32 $0x290, s15;
	s24 =	sadd.s32 $0x1D00, s16  }
0x2f8: {  	[hbm4b:s25+s3] =	stream.linear.scatter [tilespmem:s24], [sflag:$0x4], $0x80, $0x38;
	[tilespmem:$0x8900] =	vst v63  }
0x2f9: {  	s28 =	sadd.s32 $0x310, s15;
	s26 =	sadd.s32 $0x2100, s16  }
0x2fa: {  	[hbm4b:s28+s3] =	stream.linear.scatter [tilespmem:s26], [sflag:$0x4], $0x80, $0x38;
	[tilespmem:$0x8900] =	vst v63  }
0x2fb: {  	s29 =	sadd.s32 $0x390, s15;
	s30 =	spop (v2sf);
	s16 =	sadd.s32 $0x2500, s16  }
0x2fc: {  	[hbm4b:s29+s3] =	stream.linear.scatter [tilespmem:s16], [sflag:$0x4], $0x80, $0x38;
	[tilespmem:$0x8900] =	vst v63  }
0x2fd: {  	s31 =	sshll.u32 s30, $0x9;
	s16 =	sshll.u32 s30, $0x7  }
0x2fe: {  	s17 =	sand.u32 $0xFFFFF000, s31;
	s16 =	sand.u32 $0x380, s16  }
0x2ff: {  	s16 =	sor.u32 s16, s17  }
0x300: {  	s18 =	sadd.s32 $0x220, s15;
	s19 =	sadd.s32 $0x1900, s16  }
0x301: {  	[hbm4b:s18+s3] =	stream.linear.scatter [tilespmem:s19], [sflag:$0x4], $0x80, $0x38;
	[tilespmem:$0x8900] =	vst v63  }
0x302: {  	s21 =	sadd.s32 $0x2A0, s15;
	(v2sf) =	vpush v63, $0xC;
	s20 =	sadd.s32 $0x1D00, s16  }
0x303: {  	[hbm4b:s21+s3] =	stream.linear.scatter [tilespmem:s20], [sflag:$0x4], $0x80, $0x38;
	[tilespmem:$0x8900] =	vst v63  }
0x304: {  	s23 =	sadd.s32 $0x320, s15;
	s22 =	sadd.s32 $0x2100, s16  }
0x305: {  	[hbm4b:s23+s3] =	stream.linear.scatter [tilespmem:s22], [sflag:$0x4], $0x80, $0x38;
	[tilespmem:$0x8900] =	vst v63  }
0x306: {  	s24 =	sadd.s32 $0x3A0, s15;
	s25 =	spop (v2sf);
	s16 =	sadd.s32 $0x2500, s16  }
0x307: {  	[hbm4b:s24+s3] =	stream.linear.scatter [tilespmem:s16], [sflag:$0x4], $0x80, $0x38;
	[tilespmem:$0x8900] =	vst v63  }
0x308: {  	s26 =	sshll.u32 s25, $0x9;
	s16 =	sshll.u32 s25, $0x7  }
0x309: {  	s17 =	sand.u32 $0xFFFFF000, s26;
	s16 =	sand.u32 $0x380, s16  }
0x30a: {  	s16 =	sor.u32 s16, s17  }
0x30b: {  	s28 =	sadd.s32 $0x230, s15;
	s29 =	sadd.s32 $0x1900, s16  }
0x30c: {  	[hbm4b:s28+s3] =	stream.linear.scatter [tilespmem:s29], [sflag:$0x4], $0x80, $0x38;
	[tilespmem:$0x8900] =	vst v63  }
0x30d: {  	s31 =	sadd.s32 $0x2B0, s15;
	(v2sf) =	vpush v63, $0xD;
	s30 =	sadd.s32 $0x1D00, s16  }
0x30e: {  	[hbm4b:s31+s3] =	stream.linear.scatter [tilespmem:s30], [sflag:$0x4], $0x80, $0x38;
	[tilespmem:$0x8900] =	vst v63  }
0x30f: {  	s20 =	sadd.s32 $0x330, s15;
	s19 =	sadd.s32 $0x2100, s16  }
0x310: {  	[hbm4b:s20+s3] =	stream.linear.scatter [tilespmem:s19], [sflag:$0x4], $0x80, $0x38;
	[tilespmem:$0x8900] =	vst v63  }
0x311: {  	s21 =	sadd.s32 $0x3B0, s15;
	s22 =	spop (v2sf);
	s16 =	sadd.s32 $0x2500, s16  }
0x312: {  	[hbm4b:s21+s3] =	stream.linear.scatter [tilespmem:s16], [sflag:$0x4], $0x80, $0x38;
	[tilespmem:$0x8900] =	vst v63  }
0x313: {  	s23 =	sshll.u32 s22, $0x9;
	s16 =	sshll.u32 s22, $0x7  }
0x314: {  	s17 =	sand.u32 $0xFFFFF000, s23;
	s16 =	sand.u32 $0x380, s16  }
0x315: {  	s16 =	sor.u32 s16, s17  }
0x316: {  	(v2sf) =	vpush v63, $0xE;
	s24 =	sadd.s32 $0x240, s15;
	s25 =	sadd.s32 $0x1900, s16  }
0x317: {  	[hbm4b:s24+s3] =	stream.linear.scatter [tilespmem:s25], [sflag:$0x4], $0x80, $0x38;
	[tilespmem:$0x8900] =	vst v63  }
0x318: {  	s28 =	sadd.s32 $0x2C0, s15;
	s26 =	sadd.s32 $0x1D00, s16  }
0x319: {  	[hbm4b:s28+s3] =	stream.linear.scatter [tilespmem:s26], [sflag:$0x4], $0x80, $0x38;
	[tilespmem:$0x8900] =	vst v63  }
0x31a: {  	s30 =	sadd.s32 $0x340, s15;
	s29 =	sadd.s32 $0x2100, s16  }
0x31b: {  	[hbm4b:s30+s3] =	stream.linear.scatter [tilespmem:s29], [sflag:$0x4], $0x80, $0x38;
	[tilespmem:$0x8900] =	vst v63  }
0x31c: {  	s18 =	spop (v2sf);
	s31 =	sadd.s32 $0x3C0, s15;
	s16 =	sadd.s32 $0x2500, s16  }
0x31d: {  	[hbm4b:s31+s3] =	stream.linear.scatter [tilespmem:s16], [sflag:$0x4], $0x80, $0x38;
	[tilespmem:$0x8900] =	vst v63  }
0x31e: {  	s19 =	sshll.u32 s18, $0x9;
	s16 =	sshll.u32 s18, $0x7  }
0x31f: {  	s17 =	sand.u32 $0xFFFFF000, s19;
	s16 =	sand.u32 $0x380, s16  }
0x320: {  	s16 =	sor.u32 s16, s17  }
0x321: {  	s20 =	sadd.s32 $0x250, s15;
	s21 =	sadd.s32 $0x1900, s16  }
0x322: {  	(v2sf) =	vpush v63, $0xF;
	[hbm4b:s20+s3] =	stream.linear.scatter [tilespmem:s21], [sflag:$0x4], $0x80, $0x38;
	[tilespmem:$0x8900] =	vst v63  }
0x323: {  	s23 =	sadd.s32 $0x2D0, s15;
	s25 =	sadd.s32 $0x350, s15;
	s22 =	sadd.s32 $0x1D00, s16  }
0x324: {  	[hbm4b:s23+s3] =	stream.linear.scatter [tilespmem:s22], [sflag:$0x4], $0x80, $0x38;
	[tilespmem:$0x8900] =	vst v63  }
0x325: {  	s26 =	spop (v2sf);
	s28 =	sadd.s32 $0x3D0, s15;
	s24 =	sadd.s32 $0x2100, s16  }
0x326: {  	[hbm4b:s25+s3] =	stream.linear.scatter [tilespmem:s24], [sflag:$0x4], $0x80, $0x38;
	[tilespmem:$0x8900] =	vst v63  }
0x327: {  	s29 =	sshll.u32 s26, $0x9;
	s17 =	sshll.u32 s26, $0x7;
	s16 =	sadd.s32 $0x2500, s16  }
0x328: {  	[hbm4b:s28+s3] =	stream.linear.scatter [tilespmem:s16], [sflag:$0x4], $0x80, $0x38;
	[tilespmem:$0x8900] =	vst v63  }
0x329: {  	s17 =	sand.u32 $0x380, s17;
	s16 =	sand.u32 $0xFFFFF000, s29  }
0x32a: {  	s16 =	sor.u32 s17, s16  }
0x32b: {  	s30 =	sadd.s32 $0x260, s15;
	s31 =	sadd.s32 $0x1900, s16  }
0x32c: {  	[hbm4b:s30+s3] =	stream.linear.scatter [tilespmem:s31], [sflag:$0x4], $0x80, $0x38;
	[tilespmem:$0x8900] =	vst v63  }
0x32d: {  	s19 =	sadd.s32 $0x2E0, s15;
	s18 =	sadd.s32 $0x1D00, s16  }
0x32e: {  	[hbm4b:s19+s3] =	stream.linear.scatter [tilespmem:s18], [sflag:$0x4], $0x80, $0x38;
	[tilespmem:$0x8900] =	vst v63  }
0x32f: {  	s21 =	sadd.s32 $0x360, s15;
	s20 =	sadd.s32 $0x2100, s16  }
0x330: {  	[hbm4b:s21+s3] =	stream.linear.scatter [tilespmem:s20], [sflag:$0x4], $0x80, $0x38;
	[tilespmem:$0x8900] =	vst v63  }
0x331: {  	s22 =	sadd.s32 $0x3E0, s15;
	s23 =	spop (v2sf);
	s16 =	sadd.s32 $0x2500, s16  }
0x332: {  	[hbm4b:s22+s3] =	stream.linear.scatter [tilespmem:s16], [sflag:$0x4], $0x80, $0x38;
	[tilespmem:$0x8900] =	vst v63  }
0x333: {  	s24 =	sshll.u32 s23, $0x9;
	s16 =	sshll.u32 s23, $0x7  }
0x334: {  	s17 =	sand.u32 $0xFFFFF000, s24;
	s16 =	sand.u32 $0x380, s16  }
0x335: {  	s16 =	sor.u32 s16, s17  }
0x336: {  	s13 =	sadd.s32 $0x1000, s13;
	s25 =	sadd.s32 $0x270, s15;
	s26 =	sadd.s32 $0x1900, s16  }
0x337: {  	[hbm4b:s25+s3] =	stream.linear.scatter [tilespmem:s26], [sflag:$0x4], $0x80, $0x38;
	[tilespmem:$0x8900] =	vst v63  }
0x338: {  	p0 =	sne.s32 s13, $0x64000;
	s29 =	sadd.s32 $0x2F0, s15;
	s28 =	sadd.s32 $0x1D00, s16  }
0x339: {  	[hbm4b:s29+s3] =	stream.linear.scatter [tilespmem:s28], [sflag:$0x4], $0x80, $0x38;
	[tilespmem:$0x8900] =	vst v63  }
.Ltmp1:
0x33a: {  	_ = 	snop;
	(pc) =	sbr.rel @p0 .LBB2_4-.Ltmp1, $4  }
0x33b: {  	s31 =	sadd.s32 $0x370, s15;
	s30 =	sadd.s32 $0x2100, s16  }
0x33c: {  	[hbm4b:s31+s3] =	stream.linear.scatter [tilespmem:s30], [sflag:$0x4], $0x80, $0x38;
	[tilespmem:$0x8900] =	vst v63  }
0x33d: {  	s14 =	sadd.s32 $0x40, s14;
	s15 =	sadd.s32 $0x3F0, s15;
	s16 =	sadd.s32 $0x2500, s16  }
0x33e: {  	[hbm4b:s15+s3] =	stream.linear.scatter [tilespmem:s16], [sflag:$0x4], $0x80, $0x38;
	[tilespmem:$0x8900] =	vst v63  }
0x33f: {  	_ =	swait.ge [sflag:s8], $0x2000  }
0x340: {  	[sflag:s8] =	ssyncset.done $0x0  }
0x341: {  	[sflag:s8] =	ssyncadd.s32 $0xFFFFE000  }
0x342: {  	_ =	swait.ge [sflag:s9], $0x2000  }
0x343: {  	[sflag:s9] =	ssyncset.done $0x0  }
0x344: {  	s12 =	sadd.s32 $0x1, s12;
	[sflag:s9] =	ssyncadd.s32 $0xFFFFE000  }
0x345: {  	p0 =	sne.s32 s12, s5;
	_ =	swait.ge [sflag:s10], $0x2000  }
.Ltmp2:
0x346: {  	[sflag:s10] =	ssyncset.done $0x0;
	(pc) =	sbr.rel @p0 .LBB2_1-.Ltmp2, $4  }
0x347: {  	[sflag:s10] =	ssyncadd.s32 $0xFFFFE000  }
0x348: {  	_ =	swait.ge [sflag:s11], $0x2000  }
0x349: {  	[sflag:s11] =	ssyncset.done $0x0  }
0x34a: {  	[sflag:s11] =	ssyncadd.s32 $0xFFFFE000  }
0x34b: {  	_ =	sfence.sel $0x180000  }
0x34c: {  	[bflag:$0x0] =	sbarrier.arrive $0xFFFF  }
0x34d: {  	p0 =	sne.s32 s2, $0x0;
	_ =	strace $0x90000047  }
0x34e: {  	s0 =	sadd.s32 @!p0 $0x100000, s0;
	[bflag:$0x2] =	sbarrier.arrive $0xFFFF  }
0x34f: {  	[sflag:s0] =	ssyncadd.tile.s32 @!p0 $0x1;
	_ =	shalt  }
.Lfunc_end2:
_tile_overlayer_lowered:
.L_overlay_start_2:
0x350: {  	(tag) =	ssettag $0x2  }
0x351: {  	s0 =	rddreg [dreg:$0x0];
	s2 =	stileid.u32  }
0x352: {  	s1 =	rddreg [dreg:$0x1];
	p0 =	sne.s32 s2, $0x0  }
0x353: {  	s3 =	rddreg [dreg:$0x2];
	[bflag:$0x3] =	sbarrier.arrive $0xFFFF;
	s2 =	simm.s32 @!p0 $0x1C05  }
0x354: {  	[timem:s3], [sflag:s2] =	dma.local @!p0 [hbm:s0], s1  }
0x355: {  	s0 =	simm.s32 @!p0 $0x5  }
0x356: {  	_ =	swait.ge @!p0 [sflag:s0], s1  }
0x357: {  	s1 =	ssub.s32 @!p0 $0x0, s1;
	[sflag:s0] =	ssyncset.done @!p0 $0x0  }
0x358: {  	[sflag:s0] =	ssyncadd.s32 @!p0 s1  }
0x359: {  	[bflag:$0x3] =	sbarrier.arrive $0xFFFF  }
0x35a: {  	_ =	shalt  }

</sc_bundles>
